<compile_context>
chip_gen: v7x
topology: tpu7x:2x2x1
jax: 0.10.2.dev20260603
libtpu: 0.0.44.dev20260713+nightly
codegen_flags: <defaults>
</compile_context>

<pallas_src>
import functools

import jax
import jax.numpy as jnp
from jax import lax
from jax.experimental import pallas as pl
from jax.experimental.pallas import tpu as pltpu
from jax.experimental.pallas import tpu_sc as plsc

F32 = jnp.float32
BF16 = jnp.bfloat16
NSEG = 1024

_TILE_CANDS = (4000, 3200, 3000, 2048, 2000, 1600, 1536, 1280, 1024, 1000,
               800, 768, 640, 512, 400, 320, 256, 200, 160,
               128, 96, 80, 64, 48, 40, 32, 24, 16, 8)
_TILE_CANDS_SMALL = _TILE_CANDS[4:]
_CHUNK_CANDS = (600, 512, 400, 256, 200, 120, 80, 40, 16, 8)


def _pick(n, cands):
    for t in cands:
        if n % t == 0:
            return t
    raise ValueError(f"no tile divides {n}")


def _bdot(a, b):
    return jnp.dot(a.astype(BF16), b, preferred_element_type=F32)


def _cast_p(p):
    return {"W1": p["W1"].astype(BF16), "b1": p["b1"].reshape(1, -1),
            "W2": p["W2"].astype(BF16), "b2": p["b2"].reshape(1, -1)}



_NC, _NS = 2, 16
_NW = _NC * _NS


def _sc_gather(table, idx):
    b = idx.shape[0]
    d = table.shape[1]
    chunk = _pick(b, _CHUNK_CANDS)
    nchunks = b // chunk
    niter = -(-nchunks // _NW)
    mesh = plsc.VectorSubcoreMesh(core_axis_name="c", subcore_axis_name="s")

    @functools.partial(
        pl.kernel,
        mesh=mesh,
        out_type=jax.ShapeDtypeStruct((b, d), table.dtype),
        scratch_types=[
            pltpu.VMEM((chunk,), jnp.int32),
            pltpu.VMEM((chunk, d), table.dtype),
            pltpu.SemaphoreType.DMA,
        ],
    )
    def k(table_hbm, idx_hbm, out_hbm, idx_v, rows_v, sem):
        wid = lax.axis_index("s") * _NC + lax.axis_index("c")

        @pl.loop(0, niter)
        def _(i):
            c = i * _NW + wid

            @pl.when(c < nchunks)
            def _():
                base = c * chunk
                pltpu.sync_copy(idx_hbm.at[pl.ds(base, chunk)], idx_v)
                pltpu.async_copy(table_hbm.at[idx_v], rows_v, sem).wait()
                pltpu.sync_copy(rows_v, out_hbm.at[pl.ds(base, chunk)])

    return k(table, idx)



def _full(shape):
    return pl.BlockSpec(shape, lambda i: tuple(0 for _ in shape))


def _mlp_body(x_ref, w1_ref, b1_ref, w2_ref, b2_ref, o_ref):
    h = jnp.maximum(_bdot(x_ref[...], w1_ref[...]) + b1_ref[...], 0.0)
    o_ref[...] = (_bdot(h, w2_ref[...]) + b2_ref[...]).astype(o_ref.dtype)


def _tc_mlp(x, p, out_dtype=F32):
    n, din = x.shape
    p = _cast_p(p)
    dout = p["W2"].shape[1]
    tile = _pick(n, _TILE_CANDS)
    return pl.pallas_call(
        _mlp_body,
        grid=(n // tile,),
        in_specs=[
            pl.BlockSpec((tile, din), lambda i: (i, 0)),
            _full(p["W1"].shape),
            _full((1, dout)),
            _full(p["W2"].shape),
            _full((1, dout)),
        ],
        out_specs=pl.BlockSpec((tile, dout), lambda i: (i, 0)),
        out_shape=jax.ShapeDtypeStruct((n, dout), out_dtype),
        compiler_params=pltpu.CompilerParams(dimension_semantics=("arbitrary",)),
    )(x, p["W1"], p["b1"], p["W2"], p["b2"])


def _seg_body(x_ref, idx_ref, w1, b1, w2, b2, sum_ref, cnt_ref):
    i = pl.program_id(0)
    h = jnp.maximum(_bdot(x_ref[...], w1[...]) + b1[...], 0.0)
    msg = _bdot(h, w2[...]) + b2[...]
    _seg_accum(i, idx_ref, msg, sum_ref, cnt_ref)


def _seg_accum(i, idx_ref, msg, sum_ref, cnt_ref):
    idx = idx_ref[0, 0, :]
    onehot = (lax.broadcasted_iota(jnp.int32, (NSEG, 1), 0) == idx[None, :])

    @pl.when(i == 0)
    def _():
        sum_ref[...] = jnp.zeros_like(sum_ref)
        cnt_ref[...] = jnp.zeros_like(cnt_ref)

    sum_ref[...] += jnp.dot(onehot.astype(BF16), msg.astype(BF16),
                            preferred_element_type=F32)
    cnt_ref[...] += jnp.sum(onehot.astype(F32), axis=1)[:, None]


def _mlp_seg_kernel(x, idx, p):
    n, c = x.shape
    p = _cast_p(p)
    tile = _pick(n, _TILE_CANDS_SMALL)
    idx3 = idx.reshape(n // tile, 1, tile)
    wspec = _full((c, c))
    bspec = _full((1, c))
    return pl.pallas_call(
        _seg_body,
        grid=(n // tile,),
        in_specs=[
            pl.BlockSpec((tile, c), lambda i: (i, 0)),
            pl.BlockSpec((1, 1, tile), lambda i: (i, 0, 0)),
            wspec, bspec, wspec, bspec,
        ],
        out_specs=[pl.BlockSpec((NSEG, c), lambda i: (0, 0)),
                   pl.BlockSpec((NSEG, c), lambda i: (0, 0))],
        out_shape=[jax.ShapeDtypeStruct((NSEG, c), F32),
                   jax.ShapeDtypeStruct((NSEG, c), F32)],
        compiler_params=pltpu.CompilerParams(dimension_semantics=("arbitrary",)),
    )(x, idx3, p["W1"], p["b1"], p["W2"], p["b2"])


def _h2p_body(h2_ref, ga0, ga1, ga2, gb0, gb1, gb2, g24_ref,
              w1a, w1b, w1c, w1d, b1, w2, b2,
              w1m, b1m, w2m, b2m,
              h2p_ref, mall_ref):
    m02 = (ga0[...] + ga1[...] + ga2[...])
    m12 = (gb0[...] + gb1[...] + gb2[...])
    h = (_bdot(h2_ref[...], w1a[...]) + _bdot(m02, w1b[...])
         + _bdot(m12, w1c[...]) + _bdot(g24_ref[...], w1d[...]) + b1[...])
    h2p = _bdot(jnp.maximum(h, 0.0), w2[...]) + b2[...]
    h2p_ref[...] = h2p
    hm = jnp.maximum(_bdot(h2p, w1m[...]) + b1m[...], 0.0)
    mall_ref[...] = _bdot(hm, w2m[...]) + b2m[...]


def _h2p_kernel(h2, g02, g12, g24, p2, p23):
    n, c = h2.shape
    tile = _pick(n, _TILE_CANDS_SMALL)
    nb = n // tile
    p2c, p23c = _cast_p(p2), _cast_p(p23)
    w1a, w1b, w1c, w1d = (p2c["W1"][i * c:(i + 1) * c] for i in range(4))
    wspec = _full((c, c))
    bspec = _full((1, c))
    return pl.pallas_call(
        _h2p_body,
        grid=(nb,),
        in_specs=[
            pl.BlockSpec((tile, c), lambda i: (i, 0)),
            pl.BlockSpec((tile, c), lambda i: (i, 0)),
            pl.BlockSpec((tile, c), lambda i: (i + nb, 0)),
            pl.BlockSpec((tile, c), lambda i: (i + 2 * nb, 0)),
            pl.BlockSpec((tile, c), lambda i: (i, 0)),
            pl.BlockSpec((tile, c), lambda i: (i + nb, 0)),
            pl.BlockSpec((tile, c), lambda i: (i + 2 * nb, 0)),
            pl.BlockSpec((tile, c), lambda i: (i, 0)),
            wspec, wspec, wspec, wspec, bspec, wspec, bspec,
            wspec, bspec, wspec, bspec,
        ],
        out_specs=[pl.BlockSpec((tile, c), lambda i: (i, 0)),
                   pl.BlockSpec((tile, c), lambda i: (i, 0))],
        out_shape=[jax.ShapeDtypeStruct((n, c), F32),
                   jax.ShapeDtypeStruct((n, c), F32)],
        compiler_params=pltpu.CompilerParams(dimension_semantics=("arbitrary",)),
    )(h2, g02, g02, g02, g12, g12, g12, g24,
      w1a, w1b, w1c, w1d, p2c["b1"], p2c["W2"], p2c["b2"],
      p23c["W1"], p23c["b1"], p23c["W2"], p23c["b2"])


def _h3_body(hp_ref, hm_ref, r_ref, wh, wa, wb, b1, w2, b2, op_ref, om_ref):
    m = r_ref[...]
    m3 = m.reshape(m.shape[0] // 2, 2, m.shape[1])
    even = m3[:, 0, :]
    odd = m3[:, 1, :]
    ea = _bdot(even, wa[...])
    eb = _bdot(even, wb[...])
    oa = _bdot(odd, wa[...])
    ob = _bdot(odd, wb[...])
    hp = jnp.maximum(_bdot(hp_ref[...], wh[...]) + oa + eb + b1[...], 0.0)
    op_ref[...] = _bdot(hp, w2[...]) + b2[...]
    hm = jnp.maximum(_bdot(hm_ref[...], wh[...]) + ea + ob + b1[...], 0.0)
    om_ref[...] = _bdot(hm, w2[...]) + b2[...]


def _h3_kernel(h3_plus, h3_minus, mall, p3):
    n, c = h3_plus.shape
    tile = _pick(n, _TILE_CANDS_SMALL)
    p3c = _cast_p(p3)
    wh, wa, wb = p3c["W1"][:c], p3c["W1"][c:2 * c], p3c["W1"][2 * c:]
    wspec = _full((c, c))
    bspec = _full((1, c))
    return pl.pallas_call(
        _h3_body,
        grid=(n // tile,),
        in_specs=[
            pl.BlockSpec((tile, c), lambda i: (i, 0)),
            pl.BlockSpec((tile, c), lambda i: (i, 0)),
            pl.BlockSpec((2 * tile, c), lambda i: (i, 0)),
            wspec, wspec, wspec, bspec, wspec, bspec,
        ],
        out_specs=[pl.BlockSpec((tile, c), lambda i: (i, 0)),
                   pl.BlockSpec((tile, c), lambda i: (i, 0))],
        out_shape=[jax.ShapeDtypeStruct((n, c), F32),
                   jax.ShapeDtypeStruct((n, c), F32)],
        compiler_params=pltpu.CompilerParams(dimension_semantics=("arbitrary",)),
    )(h3_plus, h3_minus, mall, wh, wa, wb, p3c["b1"], p3c["W2"], p3c["b2"])


def _h2pp_body(h2p_ref, p_ref, m_ref, idx_ref, w1a, w1b, b1, w2, b2,
               w1m, b1m, w2m, b2m,
               h2pp_ref, sum_ref, cnt_ref):
    i = pl.program_id(0)
    half, c = p_ref.shape
    m32 = jnp.stack([p_ref[...], m_ref[...]], axis=1).reshape(2 * half, c)
    h = jnp.maximum(_bdot(h2p_ref[...], w1a[...])
                    + _bdot(m32, w1b[...]) + b1[...], 0.0)
    h2pp = _bdot(h, w2[...]) + b2[...]
    h2pp_ref[...] = h2pp
    hm = jnp.maximum(_bdot(h2pp, w1m[...]) + b1m[...], 0.0)
    msg = _bdot(hm, w2m[...]) + b2m[...]
    _seg_accum(i, idx_ref, msg, sum_ref, cnt_ref)


def _h2pp_kernel(h2p, h3p_plus, h3p_minus, obj24, p2p, p24):
    n, c = h2p.shape
    tile = _pick(n, _TILE_CANDS_SMALL)
    p2pc, p24c = _cast_p(p2p), _cast_p(p24)
    w1a, w1b = p2pc["W1"][:c], p2pc["W1"][c:]
    idx3 = obj24.reshape(n // tile, 1, tile)
    wspec = _full((c, c))
    bspec = _full((1, c))
    return pl.pallas_call(
        _h2pp_body,
        grid=(n // tile,),
        in_specs=[
            pl.BlockSpec((tile, c), lambda i: (i, 0)),
            pl.BlockSpec((tile // 2, c), lambda i: (i, 0)),
            pl.BlockSpec((tile // 2, c), lambda i: (i, 0)),
            pl.BlockSpec((1, 1, tile), lambda i: (i, 0, 0)),
            wspec, wspec, bspec, wspec, bspec,
            wspec, bspec, wspec, bspec,
        ],
        out_specs=[pl.BlockSpec((tile, c), lambda i: (i, 0)),
                   pl.BlockSpec((NSEG, c), lambda i: (0, 0)),
                   pl.BlockSpec((NSEG, c), lambda i: (0, 0))],
        out_shape=[jax.ShapeDtypeStruct((n, c), F32),
                   jax.ShapeDtypeStruct((NSEG, c), F32),
                   jax.ShapeDtypeStruct((NSEG, c), F32)],
        compiler_params=pltpu.CompilerParams(dimension_semantics=("arbitrary",)),
    )(h2p, h3p_plus, h3p_minus, idx3,
      w1a, w1b, p2pc["b1"], p2pc["W2"], p2pc["b2"],
      p24c["W1"], p24c["b1"], p24c["W2"], p24c["b2"])


def _h4_body(h4_ref, s24_ref, c24_ref, s04_ref, c04_ref,
             w4h, w4m, b41, w42, b42,
             w40a, b40a, w40b, b40b,
             wph, wpm, bp1, wp2, bp2,
             h4p_ref, f_ref, h4pp_ref):
    n4 = h4_ref.shape[0]
    dot = lambda a, b: jnp.dot(a, b, preferred_element_type=F32)
    m24 = s24_ref[...][:n4] / jnp.maximum(c24_ref[...][:n4, 0:1], 1.0)
    m04 = s04_ref[...][:n4] / jnp.maximum(c04_ref[...][:n4, 0:1], 1.0)
    h = jnp.maximum(dot(h4_ref[...], w4h[...]) + dot(m24, w4m[...])
                    + b41[...], 0.0)
    h4p = dot(h, w42[...]) + b42[...]
    h4p_ref[...] = h4p
    hf = jnp.maximum(dot(h4p, w40a[...]) + b40a[...], 0.0)
    f_ref[...] = (dot(hf, w40b[...]) + b40b[...]).astype(f_ref.dtype)
    hp = jnp.maximum(dot(h4p, wph[...]) + dot(m04, wpm[...]) + bp1[...], 0.0)
    h4pp_ref[...] = dot(hp, wp2[...]) + bp2[...]


def _h4_kernel(h4, s24, c24, s04, c04, p4, p40, p4p):
    n4, c = h4.shape
    w4h, w4m = p4["W1"][:c], p4["W1"][c:]
    wph, wpm = p4p["W1"][:c], p4p["W1"][c:]
    wspec = _full((c, c))
    bspec = _full((1, c))
    sspec = _full((NSEG, c))
    ospec = _full((n4, c))
    return pl.pallas_call(
        _h4_body,
        grid=(1,),
        in_specs=[_full((n4, c)), sspec, sspec, sspec, sspec,
                  wspec, wspec, bspec, wspec, bspec,
                  wspec, bspec, wspec, bspec,
                  wspec, wspec, bspec, wspec, bspec],
        out_specs=[ospec, ospec, ospec],
        out_shape=[jax.ShapeDtypeStruct((n4, c), F32),
                   jax.ShapeDtypeStruct((n4, c), F32),
                   jax.ShapeDtypeStruct((n4, c), F32)],
        compiler_params=pltpu.CompilerParams(dimension_semantics=("arbitrary",)),
    )(h4, s24, c24, s04, c04,
      w4h, w4m, p4["b1"].reshape(1, -1), p4["W2"], p4["b2"].reshape(1, -1),
      p40["W1"], p40["b1"].reshape(1, -1), p40["W2"], p40["b2"].reshape(1, -1),
      wph, wpm, p4p["b1"].reshape(1, -1), p4p["W2"], p4p["b2"].reshape(1, -1))


def _concat2_body(a_ref, b_ref, w1a, w1b, b1, w2, b2, o_ref):
    h = jnp.maximum(_bdot(a_ref[...], w1a[...]) + _bdot(b_ref[...], w1b[...])
                    + b1[...], 0.0)
    o_ref[...] = _bdot(h, w2[...]) + b2[...]


def _concat2_mlp(a, b, p):
    n, c = a.shape
    tile = _pick(n, _TILE_CANDS)
    pc = _cast_p(p)
    w1a, w1b = pc["W1"][:c], pc["W1"][c:]
    wspec = _full((c, c))
    bspec = _full((1, c))
    return pl.pallas_call(
        _concat2_body,
        grid=(n // tile,),
        in_specs=[pl.BlockSpec((tile, c), lambda i: (i, 0)),
                  pl.BlockSpec((tile, c), lambda i: (i, 0)),
                  wspec, wspec, bspec, wspec, bspec],
        out_specs=pl.BlockSpec((tile, c), lambda i: (i, 0)),
        out_shape=jax.ShapeDtypeStruct((n, c), F32),
        compiler_params=pltpu.CompilerParams(dimension_semantics=("arbitrary",)),
    )(a, b, w1a, w1b, pc["b1"], pc["W2"], pc["b2"])



def kernel(h0, h1, h2, h3_minus, h3_plus, h4,
           b02_indices, b02_values, b04_indices, b04_values,
           b12_indices, b12_values, b23_indices, b23_values,
           b24_indices, b24_values, params):
    src02 = b02_indices[0]
    src12 = b12_indices[0]
    obj24 = b24_indices[1]
    obj04 = b04_indices[1]

    a02 = _tc_mlp(h0, params["p0to2"])
    b12m = _tc_mlp(h1, params["p1to2"])
    d42 = _tc_mlp(h4, params["p4to2"])

    s04, c04 = _mlp_seg_kernel(h0, obj04, params["p0to4"])

    g02 = _sc_gather(a02, src02)
    g12 = _sc_gather(b12m, src12)
    g24 = _sc_gather(d42, obj24)

    h2p, mall = _h2p_kernel(h2, g02, g12, g24, params["p2"], params["p2to3"])

    h3p_plus, h3p_minus = _h3_kernel(h3_plus, h3_minus, mall, params["p3"])

    h2pp, s24, c24 = _h2pp_kernel(h2p, h3p_plus, h3p_minus, obj24,
                                  params["p2p"], params["p2to4"])

    h4p, f40, h4pp = _h4_kernel(h4, s24, c24, s04, c04,
                                params["p4"], params["p4to0"], params["p4p"])

    g40 = _sc_gather(f40, obj04)
    h0p = _concat2_mlp(h0, g40, params["p0"])

    return (h0p, h1, h2pp, h3p_minus, h3p_plus, h4pp)

# --- scband reference (transcript-rebuilt; emitter-appended) ---
"""Pipeline reference for scband-hopnet-layer-62483184222900 (READ-ONLY COPY).

The authoritative reference and input builder live on the scoring server;
editing this copy changes nothing except your own understanding.
"""

import jax, jax.numpy as jnp
import numpy as np

C = 128
N0, N1, N2, N3, N4 = 50000, 150000, 100000, 50000, 1000


def _mlp_params(key, din, dh, dout):
    k1, k2 = jax.random.split(key)
    s1 = 1.0 / np.sqrt(din)
    s2 = 1.0 / np.sqrt(dh)
    return {
        "W1": jax.random.uniform(k1, (din, dh), jnp.float32, -s1, s1),
        "b1": jnp.zeros((dh,), jnp.float32),
        "W2": jax.random.uniform(k2, (dh, dout), jnp.float32, -s2, s2),
        "b2": jnp.zeros((dout,), jnp.float32),
    }


def _mlp(p, x):
    h = jnp.maximum(x @ p["W1"] + p["b1"], 0.0)
    return h @ p["W2"] + p["b2"]


def _propagate(msgs, src, tgt, vals, n_cols, reduce="sum", matmul_values=True):
    m = jnp.take(msgs, src, axis=0)
    if matmul_values:
        m = vals[:, None] * m
    out = jnp.zeros((n_cols, m.shape[1]), m.dtype).at[tgt].add(m)
    if reduce == "mean":
        cnt = jnp.zeros((n_cols,), m.dtype).at[tgt].add(1.0)
        out = out / jnp.maximum(cnt, 1.0)[:, None]
    return out


def setup_inputs(seed: int = 0):
    key = jax.random.key(seed)
    ks = jax.random.split(key, 14)
    h0 = jax.random.normal(ks[0], (N0, C), jnp.float32)
    h1 = jax.random.normal(ks[1], (N1, C), jnp.float32)
    h2 = jax.random.normal(ks[2], (N2, C), jnp.float32)
    h3_minus = jax.random.normal(ks[3], (N3, C), jnp.float32)
    h3_plus = jax.random.normal(ks[4], (N3, C), jnp.float32)
    h4 = jax.random.normal(ks[5], (N4, C), jnp.float32)
    face_ids = jnp.tile(jnp.arange(N2, dtype=jnp.int32), 3)
    b02_indices = jnp.stack([jax.random.randint(ks[6], (3 * N2,), 0, N0, dtype=jnp.int32), face_ids])
    b02_values = jnp.ones((3 * N2,), jnp.float32)
    b12_indices = jnp.stack([jax.random.randint(ks[7], (3 * N2,), 0, N1, dtype=jnp.int32), face_ids])
    b12_values = jnp.ones((3 * N2,), jnp.float32)
    faces = jnp.arange(N2, dtype=jnp.int32)
    b23_indices = jnp.stack([faces, faces // 2])
    b23_values = jnp.where(faces % 2 == 0, 1.0, -1.0).astype(jnp.float32)
    b24_indices = jnp.stack([faces, jax.random.randint(ks[8], (N2,), 0, N4, dtype=jnp.int32)])
    b24_values = jnp.ones((N2,), jnp.float32)
    b04_indices = jnp.stack([jnp.arange(N0, dtype=jnp.int32), jax.random.randint(ks[9], (N0,), 0, N4, dtype=jnp.int32)])
    b04_values = jnp.ones((N0,), jnp.float32)
    pk = jax.random.split(ks[10], 13)
    params = {
        "p0to2": _mlp_params(pk[0], C, C, C),
        "p1to2": _mlp_params(pk[1], C, C, C),
        "p4to2": _mlp_params(pk[2], C, C, C),
        "p2": _mlp_params(pk[3], 4 * C, C, C),
        "p2to3": _mlp_params(pk[4], C, C, C),
        "p3": _mlp_params(pk[5], 3 * C, C, C),
        "p2p": _mlp_params(pk[6], 2 * C, C, C),
        "p2to4": _mlp_params(pk[7], C, C, C),
        "p4": _mlp_params(pk[8], 2 * C, C, C),
        "p0to4": _mlp_params(pk[9], C, C, C),
        "p4to0": _mlp_params(pk[10], C, C, C),
        "p0": _mlp_params(pk[11], 2 * C, C, C),
        "p4p": _mlp_params(pk[12], 2 * C, C, C),
    }
    return {
        "h0": h0, "h1": h1, "h2": h2, "h3_minus": h3_minus, "h3_plus": h3_plus, "h4": h4,
        "b02_indices": b02_indices, "b02_values": b02_values,
        "b04_indices": b04_indices, "b04_values": b04_values,
        "b12_indices": b12_indices, "b12_values": b12_values,
        "b23_indices": b23_indices, "b23_values": b23_values,
        "b24_indices": b24_indices, "b24_values": b24_values,
        "params": params,
    }


def reference(h0, h1, h2, h3_minus, h3_plus, h4, b02_indices, b02_values, b04_indices, b04_values, b12_indices, b12_values, b23_indices, b23_values, b24_indices, b24_values, params):
    c2 = h2.shape[1]
    m0to2 = _mlp(params["p0to2"], h0)
    m1to2 = _mlp(params["p1to2"], h1)
    m4to2 = _mlp(params["p4to2"], h4)
    m0to2 = _propagate(m0to2, b02_indices[0], b02_indices[1], b02_values, N2)
    m1to2 = _propagate(m1to2, b12_indices[0], b12_indices[1], b12_values, N2)
    m4to2 = _propagate(m4to2, b24_indices[1], b24_indices[0], b24_values, N2)
    h2p = _mlp(params["p2"], jnp.concatenate([h2, m0to2, m1to2, m4to2], axis=1))
    faces = b23_indices[0]
    collisions = b23_indices[1]
    pos_mask = (b23_values > 0)[:, None]
    neg_mask = (b23_values < 0)[:, None]
    m2to3_all = _mlp(params["p2to3"], jnp.take(h2p, faces, axis=0))
    m2to3_pos = jnp.where(pos_mask, m2to3_all, 0.0)
    m2to3_neg = jnp.where(neg_mask, m2to3_all, 0.0)
    nrows = faces.shape[0]
    m2to3_plus = jnp.zeros((nrows, 2 * c2), jnp.float32)
    m2to3_plus = m2to3_plus.at[faces, c2:].set(m2to3_pos)
    m2to3_plus = m2to3_plus.at[faces, :c2].set(m2to3_neg)
    m2to3_minus = jnp.zeros((nrows, 2 * c2), jnp.float32)
    m2to3_minus = m2to3_minus.at[faces, :c2].set(m2to3_pos)
    m2to3_minus = m2to3_minus.at[faces, c2:].set(m2to3_neg)
    m2to3_plus = _propagate(m2to3_plus, faces, collisions, b23_values, N3, "sum", False)
    m2to3_minus = _propagate(m2to3_minus, faces, collisions, b23_values, N3, "sum", False)
    h3p_plus = _mlp(params["p3"], jnp.concatenate([h3_plus, m2to3_plus], axis=1))
    h3p_minus = _mlp(params["p3"], jnp.concatenate([h3_minus, m2to3_minus], axis=1))
    m3to2_plus = jnp.zeros((h2p.shape[0], c2), jnp.float32).at[faces].add(jnp.where(pos_mask, jnp.take(h3p_plus, collisions, axis=0), 0.0))
    m3to2_minus = jnp.zeros((h2p.shape[0], c2), jnp.float32).at[faces].add(jnp.where(neg_mask, jnp.take(h3p_minus, collisions, axis=0), 0.0))
    m3to2 = m3to2_plus + m3to2_minus
    h2pp = _mlp(params["p2p"], jnp.concatenate([h2p, m3to2], axis=1))
    m2to4 = _mlp(params["p2to4"], h2pp)
    m2to4 = _propagate(m2to4, b24_indices[0], b24_indices[1], b24_values, N4, "mean")
    h4p = _mlp(params["p4"], jnp.concatenate([h4, m2to4], axis=1))
    m0to4 = _mlp(params["p0to4"], h0)
    m4to0 = _mlp(params["p4to0"], h4p)
    m0to4 = _propagate(m0to4, b04_indices[0], b04_indices[1], b04_values, N4, "mean")
    m4to0 = _propagate(m4to0, b04_indices[1], b04_indices[0], b04_values, N0)
    h0p = _mlp(params["p0"], jnp.concatenate([h0, m4to0], axis=1))
    h4pp = _mlp(params["p4p"], jnp.concatenate([h4p, m0to4], axis=1))
    return (h0p, h1, h2pp, h3p_minus, h3p_plus, h4pp)

if __name__ == "__main__":
    import jax
    _d = setup_inputs()
    print(jax.jit(kernel)(*tuple(_d.values())))

</pallas_src>

<mosaic_0001>
#map = affine_map<(d0, d1) -> (0, 0)>
#map1 = affine_map<(d0, d1) -> (0)>
module attributes {stable_mosaic.version = 14 : i64} {
  func.func @k(%arg0: i32, %arg1: i32, %arg2: memref<1000x128xf32, #tpu.memory_space<hbm>>, %arg3: memref<50000xi32, #tpu.memory_space<hbm>>, %arg4: memref<50000x128xf32, #tpu.memory_space<hbm>>, %arg5: memref<400xi32, #tpu.memory_space<vmem>>, %arg6: memref<400x128xf32, #tpu.memory_space<vmem>>, %arg7: memref<!tpu.dma_semaphore, #tpu.memory_space<semaphore_mem>>) attributes {dimension_semantics = [#tpu.dimension_semantics<core_parallel>, #tpu.dimension_semantics<subcore_parallel>], iteration_bounds = array<i64: 2, 16>, scalar_prefetch = 0 : i64, scratch_operands = 3 : i64, tpu.core_type = #tpu.core_type<sc_vector_subcore>, window_params = [{transform_indices = #map}, {transform_indices = #map1}, {transform_indices = #map}]} {
    %mul3A = arith.constant 2 : i32
    %mul3A_0 = arith.muli %arg1, %mul3A : i32
    %add3A = arith.addi %mul3A_0, %arg0 : i32
    %scan3A = arith.constant 0 : i32
    %scan3A_1 = arith.constant 4 : i32
    %scan3A_2 = arith.addi %scan3A, %scan3A_1 : i32
    %scan3A_3 = arith.constant 1 : i32
    scf.for %scan3A_5 = %scan3A to %scan3A_2 step %scan3A_3  : i32 {
      %mul3A_6 = arith.constant 1 : i32
      %mul3A_7 = arith.muli %scan3A_5, %mul3A_6 : i32
      %add3A_8 = arith.constant 0 : i32
      %add3A_9 = arith.addi %add3A_8, %mul3A_7 : i32
      %mul3A_10 = arith.constant 32 : i32
      %mul3A_11 = arith.muli %add3A_9, %mul3A_10 : i32
      %add3A_12 = arith.addi %mul3A_11, %add3A : i32
      %lt3A = arith.constant 125 : i32
      %lt3A_13 = arith.cmpi slt, %add3A_12, %lt3A : i32
      %convert_element_type3A = arith.extui %lt3A_13 : i1 to i32
      %cond3A = arith.constant 0 : i32
      %cond3A_14 = arith.cmpi ne, %convert_element_type3A, %cond3A : i32
      scf.if %cond3A_14 {
        %mul3A_15 = arith.constant 400 : i32
        %mul3A_16 = arith.muli %add3A_12, %mul3A_15 : i32
        "tpu.region"() ({
          %run_scoped3A = tpu.sem_alloc : memref<!tpu.dma_semaphore, #tpu.memory_space<semaphore_mem>>
          %dma_start3A_21 = tpu.memref_slice %arg3[%mul3A_16] : memref<50000xi32, #tpu.memory_space<hbm>> -> memref<400xi32, #tpu.memory_space<hbm>>
          %dma_start3A_22 = tpu.memref_slice %arg3[%mul3A_16] : memref<50000xi32, #tpu.memory_space<hbm>> -> memref<400xi32, #tpu.memory_space<hbm>>
          tpu.enqueue_dma source(%dma_start3A_22 : memref<400xi32, #tpu.memory_space<hbm>>) target(%arg5 : memref<400xi32, #tpu.memory_space<vmem>>) target_semaphore(%run_scoped3A : memref<!tpu.dma_semaphore, #tpu.memory_space<semaphore_mem>>)
          %dma_wait3A_23 = tpu.memref_slice %arg3[%mul3A_16] : memref<50000xi32, #tpu.memory_space<hbm>> -> memref<400xi32, #tpu.memory_space<hbm>>
          %dma_wait3A_24 = tpu.memref_slice %arg3[%mul3A_16] : memref<50000xi32, #tpu.memory_space<hbm>> -> memref<400xi32, #tpu.memory_space<hbm>>
          tpu.wait_dma2 semaphore(%run_scoped3A : memref<!tpu.dma_semaphore, #tpu.memory_space<semaphore_mem>>) src(%dma_wait3A_24 : memref<400xi32, #tpu.memory_space<hbm>>) dst(%arg5 : memref<400xi32, #tpu.memory_space<vmem>>)
          tpu.yield
        }) : () -> ()
        %dma_start3A = arith.constant 0 : i32
        %dma_start3A_17 = arith.constant 0 : i32
        %dma_start3A_18 = tpu.memref_slice %arg2[%dma_start3A, %dma_start3A_17] : memref<1000x128xf32, #tpu.memory_space<hbm>> -> memref<1000x128xf32, #tpu.memory_space<hbm>>
        tpu.enqueue_indirect_dma source(%dma_start3A_18 : memref<1000x128xf32, #tpu.memory_space<hbm>>) target(%arg6 : memref<400x128xf32, #tpu.memory_space<vmem>>) offsets(%arg5 : memref<400xi32, #tpu.memory_space<vmem>>) semaphore(%arg7 : memref<!tpu.dma_semaphore, #tpu.memory_space<semaphore_mem>>)
        %dma_wait3A = arith.constant 0 : i32
        %dma_wait3A_19 = arith.constant 0 : i32
        %dma_wait3A_20 = tpu.memref_slice %arg2[%dma_wait3A, %dma_wait3A_19] : memref<1000x128xf32, #tpu.memory_space<hbm>> -> memref<1000x128xf32, #tpu.memory_space<hbm>>
        tpu.wait_indirect_dma semaphore(%arg7 : memref<!tpu.dma_semaphore, #tpu.memory_space<semaphore_mem>>) src(%dma_wait3A_20 : memref<1000x128xf32, #tpu.memory_space<hbm>>) dst(%arg6 : memref<400x128xf32, #tpu.memory_space<vmem>>)
        "tpu.region"() ({
          %run_scoped3A = tpu.sem_alloc : memref<!tpu.dma_semaphore, #tpu.memory_space<semaphore_mem>>
          %dma_start3A_21 = arith.constant 0 : i32
          %dma_start3A_22 = tpu.memref_slice %arg4[%mul3A_16, %dma_start3A_21] : memref<50000x128xf32, #tpu.memory_space<hbm>> -> memref<400x128xf32, #tpu.memory_space<hbm>>
          %dma_start3A_23 = arith.constant 0 : i32
          %dma_start3A_24 = tpu.memref_slice %arg4[%mul3A_16, %dma_start3A_23] : memref<50000x128xf32, #tpu.memory_space<hbm>> -> memref<400x128xf32, #tpu.memory_space<hbm>>
          tpu.enqueue_dma source(%arg6 : memref<400x128xf32, #tpu.memory_space<vmem>>) target(%dma_start3A_24 : memref<400x128xf32, #tpu.memory_space<hbm>>) target_semaphore(%run_scoped3A : memref<!tpu.dma_semaphore, #tpu.memory_space<semaphore_mem>>)
          %dma_wait3A_25 = arith.constant 0 : i32
          %dma_wait3A_26 = tpu.memref_slice %arg4[%mul3A_16, %dma_wait3A_25] : memref<50000x128xf32, #tpu.memory_space<hbm>> -> memref<400x128xf32, #tpu.memory_space<hbm>>
          %dma_wait3A_27 = arith.constant 0 : i32
          %dma_wait3A_28 = tpu.memref_slice %arg4[%mul3A_16, %dma_wait3A_27] : memref<50000x128xf32, #tpu.memory_space<hbm>> -> memref<400x128xf32, #tpu.memory_space<hbm>>
          tpu.wait_dma2 semaphore(%run_scoped3A : memref<!tpu.dma_semaphore, #tpu.memory_space<semaphore_mem>>) src(%arg6 : memref<400x128xf32, #tpu.memory_space<vmem>>) dst(%dma_wait3A_28 : memref<400x128xf32, #tpu.memory_space<hbm>>)
          tpu.yield
        }) : () -> ()
      } else {
      }
    }
    %scan3A_4 = arith.constant 4 : i32
    return
  }
}

#map = affine_map<(d0, d1) -> (0, 0)>
#map1 = affine_map<(d0, d1) -> (0)>
module attributes {stable_mosaic.version = 14 : i64} {
  func.func @k(%arg0: i32, %arg1: i32, %arg2: memref<50000x128xf32, #tpu.memory_space<hbm>>, %arg3: memref<300000xi32, #tpu.memory_space<hbm>>, %arg4: memref<300000x128xf32, #tpu.memory_space<hbm>>, %arg5: memref<600xi32, #tpu.memory_space<vmem>>, %arg6: memref<600x128xf32, #tpu.memory_space<vmem>>, %arg7: memref<!tpu.dma_semaphore, #tpu.memory_space<semaphore_mem>>) attributes {dimension_semantics = [#tpu.dimension_semantics<core_parallel>, #tpu.dimension_semantics<subcore_parallel>], iteration_bounds = array<i64: 2, 16>, scalar_prefetch = 0 : i64, scratch_operands = 3 : i64, tpu.core_type = #tpu.core_type<sc_vector_subcore>, window_params = [{transform_indices = #map}, {transform_indices = #map1}, {transform_indices = #map}]} {
    %mul3A = arith.constant 2 : i32
    %mul3A_0 = arith.muli %arg1, %mul3A : i32
    %add3A = arith.addi %mul3A_0, %arg0 : i32
    %scan3A = arith.constant 0 : i32
    %scan3A_1 = arith.constant 16 : i32
    %scan3A_2 = arith.addi %scan3A, %scan3A_1 : i32
    %scan3A_3 = arith.constant 1 : i32
    scf.for %scan3A_5 = %scan3A to %scan3A_2 step %scan3A_3  : i32 {
      %mul3A_6 = arith.constant 1 : i32
      %mul3A_7 = arith.muli %scan3A_5, %mul3A_6 : i32
      %add3A_8 = arith.constant 0 : i32
      %add3A_9 = arith.addi %add3A_8, %mul3A_7 : i32
      %mul3A_10 = arith.constant 32 : i32
      %mul3A_11 = arith.muli %add3A_9, %mul3A_10 : i32
      %add3A_12 = arith.addi %mul3A_11, %add3A : i32
      %lt3A = arith.constant 500 : i32
      %lt3A_13 = arith.cmpi slt, %add3A_12, %lt3A : i32
      %convert_element_type3A = arith.extui %lt3A_13 : i1 to i32
      %cond3A = arith.constant 0 : i32
      %cond3A_14 = arith.cmpi ne, %convert_element_type3A, %cond3A : i32
      scf.if %cond3A_14 {
        %mul3A_15 = arith.constant 600 : i32
        %mul3A_16 = arith.muli %add3A_12, %mul3A_15 : i32
        "tpu.region"() ({
          %run_scoped3A = tpu.sem_alloc : memref<!tpu.dma_semaphore, #tpu.memory_space<semaphore_mem>>
          %dma_start3A_21 = tpu.memref_slice %arg3[%mul3A_16] : memref<300000xi32, #tpu.memory_space<hbm>> -> memref<600xi32, #tpu.memory_space<hbm>>
          %dma_start3A_22 = tpu.memref_slice %arg3[%mul3A_16] : memref<300000xi32, #tpu.memory_space<hbm>> -> memref<600xi32, #tpu.memory_space<hbm>>
          tpu.enqueue_dma source(%dma_start3A_22 : memref<600xi32, #tpu.memory_space<hbm>>) target(%arg5 : memref<600xi32, #tpu.memory_space<vmem>>) target_semaphore(%run_scoped3A : memref<!tpu.dma_semaphore, #tpu.memory_space<semaphore_mem>>)
          %dma_wait3A_23 = tpu.memref_slice %arg3[%mul3A_16] : memref<300000xi32, #tpu.memory_space<hbm>> -> memref<600xi32, #tpu.memory_space<hbm>>
          %dma_wait3A_24 = tpu.memref_slice %arg3[%mul3A_16] : memref<300000xi32, #tpu.memory_space<hbm>> -> memref<600xi32, #tpu.memory_space<hbm>>
          tpu.wait_dma2 semaphore(%run_scoped3A : memref<!tpu.dma_semaphore, #tpu.memory_space<semaphore_mem>>) src(%dma_wait3A_24 : memref<600xi32, #tpu.memory_space<hbm>>) dst(%arg5 : memref<600xi32, #tpu.memory_space<vmem>>)
          tpu.yield
        }) : () -> ()
        %dma_start3A = arith.constant 0 : i32
        %dma_start3A_17 = arith.constant 0 : i32
        %dma_start3A_18 = tpu.memref_slice %arg2[%dma_start3A, %dma_start3A_17] : memref<50000x128xf32, #tpu.memory_space<hbm>> -> memref<50000x128xf32, #tpu.memory_space<hbm>>
        tpu.enqueue_indirect_dma source(%dma_start3A_18 : memref<50000x128xf32, #tpu.memory_space<hbm>>) target(%arg6 : memref<600x128xf32, #tpu.memory_space<vmem>>) offsets(%arg5 : memref<600xi32, #tpu.memory_space<vmem>>) semaphore(%arg7 : memref<!tpu.dma_semaphore, #tpu.memory_space<semaphore_mem>>)
        %dma_wait3A = arith.constant 0 : i32
        %dma_wait3A_19 = arith.constant 0 : i32
        %dma_wait3A_20 = tpu.memref_slice %arg2[%dma_wait3A, %dma_wait3A_19] : memref<50000x128xf32, #tpu.memory_space<hbm>> -> memref<50000x128xf32, #tpu.memory_space<hbm>>
        tpu.wait_indirect_dma semaphore(%arg7 : memref<!tpu.dma_semaphore, #tpu.memory_space<semaphore_mem>>) src(%dma_wait3A_20 : memref<50000x128xf32, #tpu.memory_space<hbm>>) dst(%arg6 : memref<600x128xf32, #tpu.memory_space<vmem>>)
        "tpu.region"() ({
          %run_scoped3A = tpu.sem_alloc : memref<!tpu.dma_semaphore, #tpu.memory_space<semaphore_mem>>
          %dma_start3A_21 = arith.constant 0 : i32
          %dma_start3A_22 = tpu.memref_slice %arg4[%mul3A_16, %dma_start3A_21] : memref<300000x128xf32, #tpu.memory_space<hbm>> -> memref<600x128xf32, #tpu.memory_space<hbm>>
          %dma_start3A_23 = arith.constant 0 : i32
          %dma_start3A_24 = tpu.memref_slice %arg4[%mul3A_16, %dma_start3A_23] : memref<300000x128xf32, #tpu.memory_space<hbm>> -> memref<600x128xf32, #tpu.memory_space<hbm>>
          tpu.enqueue_dma source(%arg6 : memref<600x128xf32, #tpu.memory_space<vmem>>) target(%dma_start3A_24 : memref<600x128xf32, #tpu.memory_space<hbm>>) target_semaphore(%run_scoped3A : memref<!tpu.dma_semaphore, #tpu.memory_space<semaphore_mem>>)
          %dma_wait3A_25 = arith.constant 0 : i32
          %dma_wait3A_26 = tpu.memref_slice %arg4[%mul3A_16, %dma_wait3A_25] : memref<300000x128xf32, #tpu.memory_space<hbm>> -> memref<600x128xf32, #tpu.memory_space<hbm>>
          %dma_wait3A_27 = arith.constant 0 : i32
          %dma_wait3A_28 = tpu.memref_slice %arg4[%mul3A_16, %dma_wait3A_27] : memref<300000x128xf32, #tpu.memory_space<hbm>> -> memref<600x128xf32, #tpu.memory_space<hbm>>
          tpu.wait_dma2 semaphore(%run_scoped3A : memref<!tpu.dma_semaphore, #tpu.memory_space<semaphore_mem>>) src(%arg6 : memref<600x128xf32, #tpu.memory_space<vmem>>) dst(%dma_wait3A_28 : memref<600x128xf32, #tpu.memory_space<hbm>>)
          tpu.yield
        }) : () -> ()
      } else {
      }
    }
    %scan3A_4 = arith.constant 16 : i32
    return
  }
}

#map = affine_map<(d0, d1) -> (0, 0)>
#map1 = affine_map<(d0, d1) -> (0)>
module attributes {stable_mosaic.version = 14 : i64} {
  func.func @k(%arg0: i32, %arg1: i32, %arg2: memref<1000x128xf32, #tpu.memory_space<hbm>>, %arg3: memref<100000xi32, #tpu.memory_space<hbm>>, %arg4: memref<100000x128xf32, #tpu.memory_space<hbm>>, %arg5: memref<400xi32, #tpu.memory_space<vmem>>, %arg6: memref<400x128xf32, #tpu.memory_space<vmem>>, %arg7: memref<!tpu.dma_semaphore, #tpu.memory_space<semaphore_mem>>) attributes {dimension_semantics = [#tpu.dimension_semantics<core_parallel>, #tpu.dimension_semantics<subcore_parallel>], iteration_bounds = array<i64: 2, 16>, scalar_prefetch = 0 : i64, scratch_operands = 3 : i64, tpu.core_type = #tpu.core_type<sc_vector_subcore>, window_params = [{transform_indices = #map}, {transform_indices = #map1}, {transform_indices = #map}]} {
    %mul3A = arith.constant 2 : i32
    %mul3A_0 = arith.muli %arg1, %mul3A : i32
    %add3A = arith.addi %mul3A_0, %arg0 : i32
    %scan3A = arith.constant 0 : i32
    %scan3A_1 = arith.constant 8 : i32
    %scan3A_2 = arith.addi %scan3A, %scan3A_1 : i32
    %scan3A_3 = arith.constant 1 : i32
    scf.for %scan3A_5 = %scan3A to %scan3A_2 step %scan3A_3  : i32 {
      %mul3A_6 = arith.constant 1 : i32
      %mul3A_7 = arith.muli %scan3A_5, %mul3A_6 : i32
      %add3A_8 = arith.constant 0 : i32
      %add3A_9 = arith.addi %add3A_8, %mul3A_7 : i32
      %mul3A_10 = arith.constant 32 : i32
      %mul3A_11 = arith.muli %add3A_9, %mul3A_10 : i32
      %add3A_12 = arith.addi %mul3A_11, %add3A : i32
      %lt3A = arith.constant 250 : i32
      %lt3A_13 = arith.cmpi slt, %add3A_12, %lt3A : i32
      %convert_element_type3A = arith.extui %lt3A_13 : i1 to i32
      %cond3A = arith.constant 0 : i32
      %cond3A_14 = arith.cmpi ne, %convert_element_type3A, %cond3A : i32
      scf.if %cond3A_14 {
        %mul3A_15 = arith.constant 400 : i32
        %mul3A_16 = arith.muli %add3A_12, %mul3A_15 : i32
        "tpu.region"() ({
          %run_scoped3A = tpu.sem_alloc : memref<!tpu.dma_semaphore, #tpu.memory_space<semaphore_mem>>
          %dma_start3A_21 = tpu.memref_slice %arg3[%mul3A_16] : memref<100000xi32, #tpu.memory_space<hbm>> -> memref<400xi32, #tpu.memory_space<hbm>>
          %dma_start3A_22 = tpu.memref_slice %arg3[%mul3A_16] : memref<100000xi32, #tpu.memory_space<hbm>> -> memref<400xi32, #tpu.memory_space<hbm>>
          tpu.enqueue_dma source(%dma_start3A_22 : memref<400xi32, #tpu.memory_space<hbm>>) target(%arg5 : memref<400xi32, #tpu.memory_space<vmem>>) target_semaphore(%run_scoped3A : memref<!tpu.dma_semaphore, #tpu.memory_space<semaphore_mem>>)
          %dma_wait3A_23 = tpu.memref_slice %arg3[%mul3A_16] : memref<100000xi32, #tpu.memory_space<hbm>> -> memref<400xi32, #tpu.memory_space<hbm>>
          %dma_wait3A_24 = tpu.memref_slice %arg3[%mul3A_16] : memref<100000xi32, #tpu.memory_space<hbm>> -> memref<400xi32, #tpu.memory_space<hbm>>
          tpu.wait_dma2 semaphore(%run_scoped3A : memref<!tpu.dma_semaphore, #tpu.memory_space<semaphore_mem>>) src(%dma_wait3A_24 : memref<400xi32, #tpu.memory_space<hbm>>) dst(%arg5 : memref<400xi32, #tpu.memory_space<vmem>>)
          tpu.yield
        }) : () -> ()
        %dma_start3A = arith.constant 0 : i32
        %dma_start3A_17 = arith.constant 0 : i32
        %dma_start3A_18 = tpu.memref_slice %arg2[%dma_start3A, %dma_start3A_17] : memref<1000x128xf32, #tpu.memory_space<hbm>> -> memref<1000x128xf32, #tpu.memory_space<hbm>>
        tpu.enqueue_indirect_dma source(%dma_start3A_18 : memref<1000x128xf32, #tpu.memory_space<hbm>>) target(%arg6 : memref<400x128xf32, #tpu.memory_space<vmem>>) offsets(%arg5 : memref<400xi32, #tpu.memory_space<vmem>>) semaphore(%arg7 : memref<!tpu.dma_semaphore, #tpu.memory_space<semaphore_mem>>)
        %dma_wait3A = arith.constant 0 : i32
        %dma_wait3A_19 = arith.constant 0 : i32
        %dma_wait3A_20 = tpu.memref_slice %arg2[%dma_wait3A, %dma_wait3A_19] : memref<1000x128xf32, #tpu.memory_space<hbm>> -> memref<1000x128xf32, #tpu.memory_space<hbm>>
        tpu.wait_indirect_dma semaphore(%arg7 : memref<!tpu.dma_semaphore, #tpu.memory_space<semaphore_mem>>) src(%dma_wait3A_20 : memref<1000x128xf32, #tpu.memory_space<hbm>>) dst(%arg6 : memref<400x128xf32, #tpu.memory_space<vmem>>)
        "tpu.region"() ({
          %run_scoped3A = tpu.sem_alloc : memref<!tpu.dma_semaphore, #tpu.memory_space<semaphore_mem>>
          %dma_start3A_21 = arith.constant 0 : i32
          %dma_start3A_22 = tpu.memref_slice %arg4[%mul3A_16, %dma_start3A_21] : memref<100000x128xf32, #tpu.memory_space<hbm>> -> memref<400x128xf32, #tpu.memory_space<hbm>>
          %dma_start3A_23 = arith.constant 0 : i32
          %dma_start3A_24 = tpu.memref_slice %arg4[%mul3A_16, %dma_start3A_23] : memref<100000x128xf32, #tpu.memory_space<hbm>> -> memref<400x128xf32, #tpu.memory_space<hbm>>
          tpu.enqueue_dma source(%arg6 : memref<400x128xf32, #tpu.memory_space<vmem>>) target(%dma_start3A_24 : memref<400x128xf32, #tpu.memory_space<hbm>>) target_semaphore(%run_scoped3A : memref<!tpu.dma_semaphore, #tpu.memory_space<semaphore_mem>>)
          %dma_wait3A_25 = arith.constant 0 : i32
          %dma_wait3A_26 = tpu.memref_slice %arg4[%mul3A_16, %dma_wait3A_25] : memref<100000x128xf32, #tpu.memory_space<hbm>> -> memref<400x128xf32, #tpu.memory_space<hbm>>
          %dma_wait3A_27 = arith.constant 0 : i32
          %dma_wait3A_28 = tpu.memref_slice %arg4[%mul3A_16, %dma_wait3A_27] : memref<100000x128xf32, #tpu.memory_space<hbm>> -> memref<400x128xf32, #tpu.memory_space<hbm>>
          tpu.wait_dma2 semaphore(%run_scoped3A : memref<!tpu.dma_semaphore, #tpu.memory_space<semaphore_mem>>) src(%arg6 : memref<400x128xf32, #tpu.memory_space<vmem>>) dst(%dma_wait3A_28 : memref<400x128xf32, #tpu.memory_space<hbm>>)
          tpu.yield
        }) : () -> ()
      } else {
      }
    }
    %scan3A_4 = arith.constant 8 : i32
    return
  }
}

#map = affine_map<(d0, d1) -> (0, 0)>
#map1 = affine_map<(d0, d1) -> (0)>
module attributes {stable_mosaic.version = 14 : i64} {
  func.func @k(%arg0: i32, %arg1: i32, %arg2: memref<150000x128xf32, #tpu.memory_space<hbm>>, %arg3: memref<300000xi32, #tpu.memory_space<hbm>>, %arg4: memref<300000x128xf32, #tpu.memory_space<hbm>>, %arg5: memref<600xi32, #tpu.memory_space<vmem>>, %arg6: memref<600x128xf32, #tpu.memory_space<vmem>>, %arg7: memref<!tpu.dma_semaphore, #tpu.memory_space<semaphore_mem>>) attributes {dimension_semantics = [#tpu.dimension_semantics<core_parallel>, #tpu.dimension_semantics<subcore_parallel>], iteration_bounds = array<i64: 2, 16>, scalar_prefetch = 0 : i64, scratch_operands = 3 : i64, tpu.core_type = #tpu.core_type<sc_vector_subcore>, window_params = [{transform_indices = #map}, {transform_indices = #map1}, {transform_indices = #map}]} {
    %mul3A = arith.constant 2 : i32
    %mul3A_0 = arith.muli %arg1, %mul3A : i32
    %add3A = arith.addi %mul3A_0, %arg0 : i32
    %scan3A = arith.constant 0 : i32
    %scan3A_1 = arith.constant 16 : i32
    %scan3A_2 = arith.addi %scan3A, %scan3A_1 : i32
    %scan3A_3 = arith.constant 1 : i32
    scf.for %scan3A_5 = %scan3A to %scan3A_2 step %scan3A_3  : i32 {
      %mul3A_6 = arith.constant 1 : i32
      %mul3A_7 = arith.muli %scan3A_5, %mul3A_6 : i32
      %add3A_8 = arith.constant 0 : i32
      %add3A_9 = arith.addi %add3A_8, %mul3A_7 : i32
      %mul3A_10 = arith.constant 32 : i32
      %mul3A_11 = arith.muli %add3A_9, %mul3A_10 : i32
      %add3A_12 = arith.addi %mul3A_11, %add3A : i32
      %lt3A = arith.constant 500 : i32
      %lt3A_13 = arith.cmpi slt, %add3A_12, %lt3A : i32
      %convert_element_type3A = arith.extui %lt3A_13 : i1 to i32
      %cond3A = arith.constant 0 : i32
      %cond3A_14 = arith.cmpi ne, %convert_element_type3A, %cond3A : i32
      scf.if %cond3A_14 {
        %mul3A_15 = arith.constant 600 : i32
        %mul3A_16 = arith.muli %add3A_12, %mul3A_15 : i32
        "tpu.region"() ({
          %run_scoped3A = tpu.sem_alloc : memref<!tpu.dma_semaphore, #tpu.memory_space<semaphore_mem>>
          %dma_start3A_21 = tpu.memref_slice %arg3[%mul3A_16] : memref<300000xi32, #tpu.memory_space<hbm>> -> memref<600xi32, #tpu.memory_space<hbm>>
          %dma_start3A_22 = tpu.memref_slice %arg3[%mul3A_16] : memref<300000xi32, #tpu.memory_space<hbm>> -> memref<600xi32, #tpu.memory_space<hbm>>
          tpu.enqueue_dma source(%dma_start3A_22 : memref<600xi32, #tpu.memory_space<hbm>>) target(%arg5 : memref<600xi32, #tpu.memory_space<vmem>>) target_semaphore(%run_scoped3A : memref<!tpu.dma_semaphore, #tpu.memory_space<semaphore_mem>>)
          %dma_wait3A_23 = tpu.memref_slice %arg3[%mul3A_16] : memref<300000xi32, #tpu.memory_space<hbm>> -> memref<600xi32, #tpu.memory_space<hbm>>
          %dma_wait3A_24 = tpu.memref_slice %arg3[%mul3A_16] : memref<300000xi32, #tpu.memory_space<hbm>> -> memref<600xi32, #tpu.memory_space<hbm>>
          tpu.wait_dma2 semaphore(%run_scoped3A : memref<!tpu.dma_semaphore, #tpu.memory_space<semaphore_mem>>) src(%dma_wait3A_24 : memref<600xi32, #tpu.memory_space<hbm>>) dst(%arg5 : memref<600xi32, #tpu.memory_space<vmem>>)
          tpu.yield
        }) : () -> ()
        %dma_start3A = arith.constant 0 : i32
        %dma_start3A_17 = arith.constant 0 : i32
        %dma_start3A_18 = tpu.memref_slice %arg2[%dma_start3A, %dma_start3A_17] : memref<150000x128xf32, #tpu.memory_space<hbm>> -> memref<150000x128xf32, #tpu.memory_space<hbm>>
        tpu.enqueue_indirect_dma source(%dma_start3A_18 : memref<150000x128xf32, #tpu.memory_space<hbm>>) target(%arg6 : memref<600x128xf32, #tpu.memory_space<vmem>>) offsets(%arg5 : memref<600xi32, #tpu.memory_space<vmem>>) semaphore(%arg7 : memref<!tpu.dma_semaphore, #tpu.memory_space<semaphore_mem>>)
        %dma_wait3A = arith.constant 0 : i32
        %dma_wait3A_19 = arith.constant 0 : i32
        %dma_wait3A_20 = tpu.memref_slice %arg2[%dma_wait3A, %dma_wait3A_19] : memref<150000x128xf32, #tpu.memory_space<hbm>> -> memref<150000x128xf32, #tpu.memory_space<hbm>>
        tpu.wait_indirect_dma semaphore(%arg7 : memref<!tpu.dma_semaphore, #tpu.memory_space<semaphore_mem>>) src(%dma_wait3A_20 : memref<150000x128xf32, #tpu.memory_space<hbm>>) dst(%arg6 : memref<600x128xf32, #tpu.memory_space<vmem>>)
        "tpu.region"() ({
          %run_scoped3A = tpu.sem_alloc : memref<!tpu.dma_semaphore, #tpu.memory_space<semaphore_mem>>
          %dma_start3A_21 = arith.constant 0 : i32
          %dma_start3A_22 = tpu.memref_slice %arg4[%mul3A_16, %dma_start3A_21] : memref<300000x128xf32, #tpu.memory_space<hbm>> -> memref<600x128xf32, #tpu.memory_space<hbm>>
          %dma_start3A_23 = arith.constant 0 : i32
          %dma_start3A_24 = tpu.memref_slice %arg4[%mul3A_16, %dma_start3A_23] : memref<300000x128xf32, #tpu.memory_space<hbm>> -> memref<600x128xf32, #tpu.memory_space<hbm>>
          tpu.enqueue_dma source(%arg6 : memref<600x128xf32, #tpu.memory_space<vmem>>) target(%dma_start3A_24 : memref<600x128xf32, #tpu.memory_space<hbm>>) target_semaphore(%run_scoped3A : memref<!tpu.dma_semaphore, #tpu.memory_space<semaphore_mem>>)
          %dma_wait3A_25 = arith.constant 0 : i32
          %dma_wait3A_26 = tpu.memref_slice %arg4[%mul3A_16, %dma_wait3A_25] : memref<300000x128xf32, #tpu.memory_space<hbm>> -> memref<600x128xf32, #tpu.memory_space<hbm>>
          %dma_wait3A_27 = arith.constant 0 : i32
          %dma_wait3A_28 = tpu.memref_slice %arg4[%mul3A_16, %dma_wait3A_27] : memref<300000x128xf32, #tpu.memory_space<hbm>> -> memref<600x128xf32, #tpu.memory_space<hbm>>
          tpu.wait_dma2 semaphore(%run_scoped3A : memref<!tpu.dma_semaphore, #tpu.memory_space<semaphore_mem>>) src(%arg6 : memref<600x128xf32, #tpu.memory_space<vmem>>) dst(%dma_wait3A_28 : memref<600x128xf32, #tpu.memory_space<hbm>>)
          tpu.yield
        }) : () -> ()
      } else {
      }
    }
    %scan3A_4 = arith.constant 16 : i32
    return
  }
}

module attributes {stable_mosaic.version = 14 : i64} {
  func.func @_mlp_body(%arg0: i32, %arg1: memref<1000x128xf32, #tpu.memory_space<vmem>>, %arg2: memref<128x128xbf16, #tpu.memory_space<vmem>>, %arg3: memref<1x128xf32, #tpu.memory_space<vmem>>, %arg4: memref<128x128xbf16, #tpu.memory_space<vmem>>, %arg5: memref<1x128xf32, #tpu.memory_space<vmem>>, %arg6: memref<1000x128xf32, #tpu.memory_space<vmem>>) attributes {dimension_semantics = [#tpu.dimension_semantics<arbitrary>], iteration_bounds = array<i64: 1>, scalar_prefetch = 0 : i64, scratch_operands = 0 : i64, tpu.core_type = #tpu.core_type<tc>, window_params = [{transform_indices = @transform_0, window_bounds = array<i64: 1000, 128>}, {pipeline_mode = #tpu.pipeline_mode<synchronous>, transform_indices = @transform_1, window_bounds = array<i64: 128, 128>}, {pipeline_mode = #tpu.pipeline_mode<synchronous>, transform_indices = @transform_2, window_bounds = array<i64: 1, 128>}, {pipeline_mode = #tpu.pipeline_mode<synchronous>, transform_indices = @transform_3, window_bounds = array<i64: 128, 128>}, {pipeline_mode = #tpu.pipeline_mode<synchronous>, transform_indices = @transform_4, window_bounds = array<i64: 1, 128>}, {transform_indices = @transform_5, window_bounds = array<i64: 1000, 128>}]} {
    %get3A = arith.constant 0 : index
    %get3A_0 = arith.constant 0 : index
    %get3A_1 = vector.load %arg1[%get3A, %get3A_0] : memref<1000x128xf32, #tpu.memory_space<vmem>>, vector<1000x128xf32>
    %get3A_2 = arith.constant 0 : index
    %get3A_3 = arith.constant 0 : index
    %get3A_4 = vector.load %arg2[%get3A_2, %get3A_3] : memref<128x128xbf16, #tpu.memory_space<vmem>>, vector<128x128xbf16>
    %convert_element_type3A = arith.truncf %get3A_1 : vector<1000x128xf32> to vector<1000x128xbf16>
    %dot_general3A = arith.constant dense<0.000000e+00> : vector<1000x128xf32>
    %dot_general3A_5 = tpu.matmul %convert_element_type3A, %get3A_4, %dot_general3A {dimension_numbers = #tpu.dot_dimension_numbers<[1], [0], [0], [1], [0, 0, 1, 1], [], []>, transpose_lhs_hint = false} : vector<1000x128xbf16>, vector<128x128xbf16>, vector<1000x128xf32> -> vector<1000x128xf32>
    %get3A_6 = arith.constant 0 : index
    %get3A_7 = arith.constant 0 : index
    %get3A_8 = vector.load %arg3[%get3A_6, %get3A_7] : memref<1x128xf32, #tpu.memory_space<vmem>>, vector<1x128xf32>
    %add3A = vector.broadcast %get3A_8 : vector<1x128xf32> to vector<1000x128xf32>
    %add3A_9 = arith.addf %dot_general3A_5, %add3A : vector<1000x128xf32>
    %max3A = arith.constant 0.000000e+00 : f32
    %max3A_10 = vector.broadcast %max3A : f32 to vector<1000x128xf32>
    %max3A_11 = arith.maximumf %add3A_9, %max3A_10 : vector<1000x128xf32>
    %get3A_12 = arith.constant 0 : index
    %get3A_13 = arith.constant 0 : index
    %get3A_14 = vector.load %arg4[%get3A_12, %get3A_13] : memref<128x128xbf16, #tpu.memory_space<vmem>>, vector<128x128xbf16>
    %convert_element_type3A_15 = arith.truncf %max3A_11 : vector<1000x128xf32> to vector<1000x128xbf16>
    %dot_general3A_16 = arith.constant dense<0.000000e+00> : vector<1000x128xf32>
    %dot_general3A_17 = tpu.matmul %convert_element_type3A_15, %get3A_14, %dot_general3A_16 {dimension_numbers = #tpu.dot_dimension_numbers<[1], [0], [0], [1], [0, 0, 1, 1], [], []>, transpose_lhs_hint = false} : vector<1000x128xbf16>, vector<128x128xbf16>, vector<1000x128xf32> -> vector<1000x128xf32>
    %get3A_18 = arith.constant 0 : index
    %get3A_19 = arith.constant 0 : index
    %get3A_20 = vector.load %arg5[%get3A_18, %get3A_19] : memref<1x128xf32, #tpu.memory_space<vmem>>, vector<1x128xf32>
    %add3A_21 = vector.broadcast %get3A_20 : vector<1x128xf32> to vector<1000x128xf32>
    %add3A_22 = arith.addf %dot_general3A_17, %add3A_21 : vector<1000x128xf32>
    %swap3A = arith.constant 0 : index
    %swap3A_23 = arith.constant 0 : index
    %swap3A_24 = vector.load %arg6[%swap3A, %swap3A_23] : memref<1000x128xf32, #tpu.memory_space<vmem>>, vector<1000x128xf32>
    tpu.vector_store %arg6[%swap3A, %swap3A_23], %add3A_22 {strides = array<i32>} : memref<1000x128xf32, #tpu.memory_space<vmem>>, vector<1000x128xf32>,
    return
  }
  func.func @transform_0(%arg0: i32) -> (i32, i32) {
    %c0_i32 = arith.constant 0 : i32
    %c0_i32_0 = arith.constant 0 : i32
    return %arg0, %c0_i32 : i32, i32
  }
  func.func @transform_1(%arg0: i32) -> (i32, i32) {
    %c0_i32 = arith.constant 0 : i32
    %c0_i32_0 = arith.constant 0 : i32
    %c0_i32_1 = arith.constant 0 : i32
    return %c0_i32, %c0_i32_0 : i32, i32
  }
  func.func @transform_2(%arg0: i32) -> (i32, i32) {
    %c0_i32 = arith.constant 0 : i32
    %c0_i32_0 = arith.constant 0 : i32
    %c0_i32_1 = arith.constant 0 : i32
    return %c0_i32, %c0_i32_0 : i32, i32
  }
  func.func @transform_3(%arg0: i32) -> (i32, i32) {
    %c0_i32 = arith.constant 0 : i32
    %c0_i32_0 = arith.constant 0 : i32
    %c0_i32_1 = arith.constant 0 : i32
    return %c0_i32, %c0_i32_0 : i32, i32
  }
  func.func @transform_4(%arg0: i32) -> (i32, i32) {
    %c0_i32 = arith.constant 0 : i32
    %c0_i32_0 = arith.constant 0 : i32
    %c0_i32_1 = arith.constant 0 : i32
    return %c0_i32, %c0_i32_0 : i32, i32
  }
  func.func @transform_5(%arg0: i32) -> (i32, i32) {
    %c0_i32 = arith.constant 0 : i32
    %c0_i32_0 = arith.constant 0 : i32
    return %arg0, %c0_i32 : i32, i32
  }
}

module attributes {stable_mosaic.version = 14 : i64} {
  func.func @_mlp_body(%arg0: i32, %arg1: memref<3000x128xf32, #tpu.memory_space<vmem>>, %arg2: memref<128x128xbf16, #tpu.memory_space<vmem>>, %arg3: memref<1x128xf32, #tpu.memory_space<vmem>>, %arg4: memref<128x128xbf16, #tpu.memory_space<vmem>>, %arg5: memref<1x128xf32, #tpu.memory_space<vmem>>, %arg6: memref<3000x128xf32, #tpu.memory_space<vmem>>) attributes {dimension_semantics = [#tpu.dimension_semantics<arbitrary>], iteration_bounds = array<i64: 50>, scalar_prefetch = 0 : i64, scratch_operands = 0 : i64, tpu.core_type = #tpu.core_type<tc>, window_params = [{transform_indices = @transform_0, window_bounds = array<i64: 3000, 128>}, {pipeline_mode = #tpu.pipeline_mode<synchronous>, transform_indices = @transform_1, window_bounds = array<i64: 128, 128>}, {pipeline_mode = #tpu.pipeline_mode<synchronous>, transform_indices = @transform_2, window_bounds = array<i64: 1, 128>}, {pipeline_mode = #tpu.pipeline_mode<synchronous>, transform_indices = @transform_3, window_bounds = array<i64: 128, 128>}, {pipeline_mode = #tpu.pipeline_mode<synchronous>, transform_indices = @transform_4, window_bounds = array<i64: 1, 128>}, {transform_indices = @transform_5, window_bounds = array<i64: 3000, 128>}]} {
    %get3A = arith.constant 0 : index
    %get3A_0 = arith.constant 0 : index
    %get3A_1 = vector.load %arg1[%get3A, %get3A_0] : memref<3000x128xf32, #tpu.memory_space<vmem>>, vector<3000x128xf32>
    %get3A_2 = arith.constant 0 : index
    %get3A_3 = arith.constant 0 : index
    %get3A_4 = vector.load %arg2[%get3A_2, %get3A_3] : memref<128x128xbf16, #tpu.memory_space<vmem>>, vector<128x128xbf16>
    %convert_element_type3A = arith.truncf %get3A_1 : vector<3000x128xf32> to vector<3000x128xbf16>
    %dot_general3A = arith.constant dense<0.000000e+00> : vector<3000x128xf32>
    %dot_general3A_5 = tpu.matmul %convert_element_type3A, %get3A_4, %dot_general3A {dimension_numbers = #tpu.dot_dimension_numbers<[1], [0], [0], [1], [0, 0, 1, 1], [], []>, transpose_lhs_hint = false} : vector<3000x128xbf16>, vector<128x128xbf16>, vector<3000x128xf32> -> vector<3000x128xf32>
    %get3A_6 = arith.constant 0 : index
    %get3A_7 = arith.constant 0 : index
    %get3A_8 = vector.load %arg3[%get3A_6, %get3A_7] : memref<1x128xf32, #tpu.memory_space<vmem>>, vector<1x128xf32>
    %add3A = vector.broadcast %get3A_8 : vector<1x128xf32> to vector<3000x128xf32>
    %add3A_9 = arith.addf %dot_general3A_5, %add3A : vector<3000x128xf32>
    %max3A = arith.constant 0.000000e+00 : f32
    %max3A_10 = vector.broadcast %max3A : f32 to vector<3000x128xf32>
    %max3A_11 = arith.maximumf %add3A_9, %max3A_10 : vector<3000x128xf32>
    %get3A_12 = arith.constant 0 : index
    %get3A_13 = arith.constant 0 : index
    %get3A_14 = vector.load %arg4[%get3A_12, %get3A_13] : memref<128x128xbf16, #tpu.memory_space<vmem>>, vector<128x128xbf16>
    %convert_element_type3A_15 = arith.truncf %max3A_11 : vector<3000x128xf32> to vector<3000x128xbf16>
    %dot_general3A_16 = arith.constant dense<0.000000e+00> : vector<3000x128xf32>
    %dot_general3A_17 = tpu.matmul %convert_element_type3A_15, %get3A_14, %dot_general3A_16 {dimension_numbers = #tpu.dot_dimension_numbers<[1], [0], [0], [1], [0, 0, 1, 1], [], []>, transpose_lhs_hint = false} : vector<3000x128xbf16>, vector<128x128xbf16>, vector<3000x128xf32> -> vector<3000x128xf32>
    %get3A_18 = arith.constant 0 : index
    %get3A_19 = arith.constant 0 : index
    %get3A_20 = vector.load %arg5[%get3A_18, %get3A_19] : memref<1x128xf32, #tpu.memory_space<vmem>>, vector<1x128xf32>
    %add3A_21 = vector.broadcast %get3A_20 : vector<1x128xf32> to vector<3000x128xf32>
    %add3A_22 = arith.addf %dot_general3A_17, %add3A_21 : vector<3000x128xf32>
    %swap3A = arith.constant 0 : index
    %swap3A_23 = arith.constant 0 : index
    %swap3A_24 = vector.load %arg6[%swap3A, %swap3A_23] : memref<3000x128xf32, #tpu.memory_space<vmem>>, vector<3000x128xf32>
    tpu.vector_store %arg6[%swap3A, %swap3A_23], %add3A_22 {strides = array<i32>} : memref<3000x128xf32, #tpu.memory_space<vmem>>, vector<3000x128xf32>,
    return
  }
  func.func @transform_0(%arg0: i32) -> (i32, i32) {
    %c0_i32 = arith.constant 0 : i32
    %c0_i32_0 = arith.constant 0 : i32
    return %arg0, %c0_i32 : i32, i32
  }
  func.func @transform_1(%arg0: i32) -> (i32, i32) {
    %c0_i32 = arith.constant 0 : i32
    %c0_i32_0 = arith.constant 0 : i32
    %c0_i32_1 = arith.constant 0 : i32
    return %c0_i32, %c0_i32_0 : i32, i32
  }
  func.func @transform_2(%arg0: i32) -> (i32, i32) {
    %c0_i32 = arith.constant 0 : i32
    %c0_i32_0 = arith.constant 0 : i32
    %c0_i32_1 = arith.constant 0 : i32
    return %c0_i32, %c0_i32_0 : i32, i32
  }
  func.func @transform_3(%arg0: i32) -> (i32, i32) {
    %c0_i32 = arith.constant 0 : i32
    %c0_i32_0 = arith.constant 0 : i32
    %c0_i32_1 = arith.constant 0 : i32
    return %c0_i32, %c0_i32_0 : i32, i32
  }
  func.func @transform_4(%arg0: i32) -> (i32, i32) {
    %c0_i32 = arith.constant 0 : i32
    %c0_i32_0 = arith.constant 0 : i32
    %c0_i32_1 = arith.constant 0 : i32
    return %c0_i32, %c0_i32_0 : i32, i32
  }
  func.func @transform_5(%arg0: i32) -> (i32, i32) {
    %c0_i32 = arith.constant 0 : i32
    %c0_i32_0 = arith.constant 0 : i32
    return %arg0, %c0_i32 : i32, i32
  }
}

module attributes {stable_mosaic.version = 14 : i64} {
  func.func @_mlp_body(%arg0: i32, %arg1: memref<2000x128xf32, #tpu.memory_space<vmem>>, %arg2: memref<128x128xbf16, #tpu.memory_space<vmem>>, %arg3: memref<1x128xf32, #tpu.memory_space<vmem>>, %arg4: memref<128x128xbf16, #tpu.memory_space<vmem>>, %arg5: memref<1x128xf32, #tpu.memory_space<vmem>>, %arg6: memref<2000x128xf32, #tpu.memory_space<vmem>>) attributes {dimension_semantics = [#tpu.dimension_semantics<arbitrary>], iteration_bounds = array<i64: 25>, scalar_prefetch = 0 : i64, scratch_operands = 0 : i64, tpu.core_type = #tpu.core_type<tc>, window_params = [{transform_indices = @transform_0, window_bounds = array<i64: 2000, 128>}, {pipeline_mode = #tpu.pipeline_mode<synchronous>, transform_indices = @transform_1, window_bounds = array<i64: 128, 128>}, {pipeline_mode = #tpu.pipeline_mode<synchronous>, transform_indices = @transform_2, window_bounds = array<i64: 1, 128>}, {pipeline_mode = #tpu.pipeline_mode<synchronous>, transform_indices = @transform_3, window_bounds = array<i64: 128, 128>}, {pipeline_mode = #tpu.pipeline_mode<synchronous>, transform_indices = @transform_4, window_bounds = array<i64: 1, 128>}, {transform_indices = @transform_5, window_bounds = array<i64: 2000, 128>}]} {
    %get3A = arith.constant 0 : index
    %get3A_0 = arith.constant 0 : index
    %get3A_1 = vector.load %arg1[%get3A, %get3A_0] : memref<2000x128xf32, #tpu.memory_space<vmem>>, vector<2000x128xf32>
    %get3A_2 = arith.constant 0 : index
    %get3A_3 = arith.constant 0 : index
    %get3A_4 = vector.load %arg2[%get3A_2, %get3A_3] : memref<128x128xbf16, #tpu.memory_space<vmem>>, vector<128x128xbf16>
    %convert_element_type3A = arith.truncf %get3A_1 : vector<2000x128xf32> to vector<2000x128xbf16>
    %dot_general3A = arith.constant dense<0.000000e+00> : vector<2000x128xf32>
    %dot_general3A_5 = tpu.matmul %convert_element_type3A, %get3A_4, %dot_general3A {dimension_numbers = #tpu.dot_dimension_numbers<[1], [0], [0], [1], [0, 0, 1, 1], [], []>, transpose_lhs_hint = false} : vector<2000x128xbf16>, vector<128x128xbf16>, vector<2000x128xf32> -> vector<2000x128xf32>
    %get3A_6 = arith.constant 0 : index
    %get3A_7 = arith.constant 0 : index
    %get3A_8 = vector.load %arg3[%get3A_6, %get3A_7] : memref<1x128xf32, #tpu.memory_space<vmem>>, vector<1x128xf32>
    %add3A = vector.broadcast %get3A_8 : vector<1x128xf32> to vector<2000x128xf32>
    %add3A_9 = arith.addf %dot_general3A_5, %add3A : vector<2000x128xf32>
    %max3A = arith.constant 0.000000e+00 : f32
    %max3A_10 = vector.broadcast %max3A : f32 to vector<2000x128xf32>
    %max3A_11 = arith.maximumf %add3A_9, %max3A_10 : vector<2000x128xf32>
    %get3A_12 = arith.constant 0 : index
    %get3A_13 = arith.constant 0 : index
    %get3A_14 = vector.load %arg4[%get3A_12, %get3A_13] : memref<128x128xbf16, #tpu.memory_space<vmem>>, vector<128x128xbf16>
    %convert_element_type3A_15 = arith.truncf %max3A_11 : vector<2000x128xf32> to vector<2000x128xbf16>
    %dot_general3A_16 = arith.constant dense<0.000000e+00> : vector<2000x128xf32>
    %dot_general3A_17 = tpu.matmul %convert_element_type3A_15, %get3A_14, %dot_general3A_16 {dimension_numbers = #tpu.dot_dimension_numbers<[1], [0], [0], [1], [0, 0, 1, 1], [], []>, transpose_lhs_hint = false} : vector<2000x128xbf16>, vector<128x128xbf16>, vector<2000x128xf32> -> vector<2000x128xf32>
    %get3A_18 = arith.constant 0 : index
    %get3A_19 = arith.constant 0 : index
    %get3A_20 = vector.load %arg5[%get3A_18, %get3A_19] : memref<1x128xf32, #tpu.memory_space<vmem>>, vector<1x128xf32>
    %add3A_21 = vector.broadcast %get3A_20 : vector<1x128xf32> to vector<2000x128xf32>
    %add3A_22 = arith.addf %dot_general3A_17, %add3A_21 : vector<2000x128xf32>
    %swap3A = arith.constant 0 : index
    %swap3A_23 = arith.constant 0 : index
    %swap3A_24 = vector.load %arg6[%swap3A, %swap3A_23] : memref<2000x128xf32, #tpu.memory_space<vmem>>, vector<2000x128xf32>
    tpu.vector_store %arg6[%swap3A, %swap3A_23], %add3A_22 {strides = array<i32>} : memref<2000x128xf32, #tpu.memory_space<vmem>>, vector<2000x128xf32>,
    return
  }
  func.func @transform_0(%arg0: i32) -> (i32, i32) {
    %c0_i32 = arith.constant 0 : i32
    %c0_i32_0 = arith.constant 0 : i32
    return %arg0, %c0_i32 : i32, i32
  }
  func.func @transform_1(%arg0: i32) -> (i32, i32) {
    %c0_i32 = arith.constant 0 : i32
    %c0_i32_0 = arith.constant 0 : i32
    %c0_i32_1 = arith.constant 0 : i32
    return %c0_i32, %c0_i32_0 : i32, i32
  }
  func.func @transform_2(%arg0: i32) -> (i32, i32) {
    %c0_i32 = arith.constant 0 : i32
    %c0_i32_0 = arith.constant 0 : i32
    %c0_i32_1 = arith.constant 0 : i32
    return %c0_i32, %c0_i32_0 : i32, i32
  }
  func.func @transform_3(%arg0: i32) -> (i32, i32) {
    %c0_i32 = arith.constant 0 : i32
    %c0_i32_0 = arith.constant 0 : i32
    %c0_i32_1 = arith.constant 0 : i32
    return %c0_i32, %c0_i32_0 : i32, i32
  }
  func.func @transform_4(%arg0: i32) -> (i32, i32) {
    %c0_i32 = arith.constant 0 : i32
    %c0_i32_0 = arith.constant 0 : i32
    %c0_i32_1 = arith.constant 0 : i32
    return %c0_i32, %c0_i32_0 : i32, i32
  }
  func.func @transform_5(%arg0: i32) -> (i32, i32) {
    %c0_i32 = arith.constant 0 : i32
    %c0_i32_0 = arith.constant 0 : i32
    return %arg0, %c0_i32 : i32, i32
  }
}

module attributes {stable_mosaic.version = 14 : i64} {
  func.func @_seg_body(%arg0: i32, %arg1: memref<2000x128xf32, #tpu.memory_space<vmem>>, %arg2: memref<1x1x2000xi32, #tpu.memory_space<vmem>>, %arg3: memref<128x128xbf16, #tpu.memory_space<vmem>>, %arg4: memref<1x128xf32, #tpu.memory_space<vmem>>, %arg5: memref<128x128xbf16, #tpu.memory_space<vmem>>, %arg6: memref<1x128xf32, #tpu.memory_space<vmem>>, %arg7: memref<1024x128xf32, #tpu.memory_space<vmem>>, %arg8: memref<1024x128xf32, #tpu.memory_space<vmem>>) attributes {dimension_semantics = [#tpu.dimension_semantics<arbitrary>], iteration_bounds = array<i64: 25>, scalar_prefetch = 0 : i64, scratch_operands = 0 : i64, tpu.core_type = #tpu.core_type<tc>, window_params = [{transform_indices = @transform_0, window_bounds = array<i64: 2000, 128>}, {transform_indices = @transform_1, window_bounds = array<i64: 1, 1, 2000>}, {pipeline_mode = #tpu.pipeline_mode<synchronous>, transform_indices = @transform_2, window_bounds = array<i64: 128, 128>}, {pipeline_mode = #tpu.pipeline_mode<synchronous>, transform_indices = @transform_3, window_bounds = array<i64: 1, 128>}, {pipeline_mode = #tpu.pipeline_mode<synchronous>, transform_indices = @transform_4, window_bounds = array<i64: 128, 128>}, {pipeline_mode = #tpu.pipeline_mode<synchronous>, transform_indices = @transform_5, window_bounds = array<i64: 1, 128>}, {pipeline_mode = #tpu.pipeline_mode<synchronous>, transform_indices = @transform_6, window_bounds = array<i64: 1024, 128>}, {pipeline_mode = #tpu.pipeline_mode<synchronous>, transform_indices = @transform_7, window_bounds = array<i64: 1024, 128>}]} {
    %get3A = arith.constant 0 : index
    %get3A_0 = arith.constant 0 : index
    %get3A_1 = vector.load %arg1[%get3A, %get3A_0] : memref<2000x128xf32, #tpu.memory_space<vmem>>, vector<2000x128xf32>
    %get3A_2 = arith.constant 0 : index
    %get3A_3 = arith.constant 0 : index
    %get3A_4 = vector.load %arg3[%get3A_2, %get3A_3] : memref<128x128xbf16, #tpu.memory_space<vmem>>, vector<128x128xbf16>
    %convert_element_type3A = arith.truncf %get3A_1 : vector<2000x128xf32> to vector<2000x128xbf16>
    %dot_general3A = arith.constant dense<0.000000e+00> : vector<2000x128xf32>
    %dot_general3A_5 = tpu.matmul %convert_element_type3A, %get3A_4, %dot_general3A {dimension_numbers = #tpu.dot_dimension_numbers<[1], [0], [0], [1], [0, 0, 1, 1], [], []>, transpose_lhs_hint = false} : vector<2000x128xbf16>, vector<128x128xbf16>, vector<2000x128xf32> -> vector<2000x128xf32>
    %get3A_6 = arith.constant 0 : index
    %get3A_7 = arith.constant 0 : index
    %get3A_8 = vector.load %arg4[%get3A_6, %get3A_7] : memref<1x128xf32, #tpu.memory_space<vmem>>, vector<1x128xf32>
    %add3A = vector.broadcast %get3A_8 : vector<1x128xf32> to vector<2000x128xf32>
    %add3A_9 = arith.addf %dot_general3A_5, %add3A : vector<2000x128xf32>
    %max3A = arith.constant 0.000000e+00 : f32
    %max3A_10 = vector.broadcast %max3A : f32 to vector<2000x128xf32>
    %max3A_11 = arith.maximumf %add3A_9, %max3A_10 : vector<2000x128xf32>
    %get3A_12 = arith.constant 0 : index
    %get3A_13 = arith.constant 0 : index
    %get3A_14 = vector.load %arg5[%get3A_12, %get3A_13] : memref<128x128xbf16, #tpu.memory_space<vmem>>, vector<128x128xbf16>
    %convert_element_type3A_15 = arith.truncf %max3A_11 : vector<2000x128xf32> to vector<2000x128xbf16>
    %dot_general3A_16 = arith.constant dense<0.000000e+00> : vector<2000x128xf32>
    %dot_general3A_17 = tpu.matmul %convert_element_type3A_15, %get3A_14, %dot_general3A_16 {dimension_numbers = #tpu.dot_dimension_numbers<[1], [0], [0], [1], [0, 0, 1, 1], [], []>, transpose_lhs_hint = false} : vector<2000x128xbf16>, vector<128x128xbf16>, vector<2000x128xf32> -> vector<2000x128xf32>
    %get3A_18 = arith.constant 0 : index
    %get3A_19 = arith.constant 0 : index
    %get3A_20 = vector.load %arg6[%get3A_18, %get3A_19] : memref<1x128xf32, #tpu.memory_space<vmem>>, vector<1x128xf32>
    %add3A_21 = vector.broadcast %get3A_20 : vector<1x128xf32> to vector<2000x128xf32>
    %add3A_22 = arith.addf %dot_general3A_17, %add3A_21 : vector<2000x128xf32>
    %get3A_23 = arith.constant 0 : index
    %get3A_24 = arith.constant 0 : index
    %get3A_25 = arith.constant 0 : index
    %get3A_26 = vector.load %arg2[%get3A_23, %get3A_24, %get3A_25] : memref<1x1x2000xi32, #tpu.memory_space<vmem>>, vector<1x1x2000xi32>
    %get3A_27 = vector.shape_cast %get3A_26 : vector<1x1x2000xi32> to vector<2000xi32>
    %iota3A = tpu.iota {dimensions = array<i32: 0>} : vector<1024x1xi32>
    %broadcast_in_dim3A = vector.shape_cast %get3A_27 : vector<2000xi32> to vector<1x2000xi32>
    %eq3A = vector.broadcast %iota3A : vector<1024x1xi32> to vector<1024x2000xi32>
    %eq3A_28 = vector.broadcast %broadcast_in_dim3A : vector<1x2000xi32> to vector<1024x2000xi32>
    %eq3A_29 = arith.cmpi eq, %eq3A, %eq3A_28 : vector<1024x2000xi32>
    %eq3A_30 = arith.constant 0 : i32
    %eq3A_31 = arith.cmpi eq, %arg0, %eq3A_30 : i32
    %convert_element_type3A_32 = arith.extui %eq3A_31 : i1 to i32
    %cond3A = arith.constant 0 : i32
    %cond3A_33 = arith.cmpi ne, %convert_element_type3A_32, %cond3A : i32
    scf.if %cond3A_33 {
      %broadcast_in_dim3A_58 = arith.constant 0.000000e+00 : f32
      %broadcast_in_dim3A_59 = vector.broadcast %broadcast_in_dim3A_58 : f32 to vector<1024x128xf32>
      %swap3A_60 = arith.constant 0 : index
      %swap3A_61 = arith.constant 0 : index
      %swap3A_62 = vector.load %arg7[%swap3A_60, %swap3A_61] : memref<1024x128xf32, #tpu.memory_space<vmem>>, vector<1024x128xf32>
      tpu.vector_store %arg7[%swap3A_60, %swap3A_61], %broadcast_in_dim3A_59 {strides = array<i32>} : memref<1024x128xf32, #tpu.memory_space<vmem>>, vector<1024x128xf32>,
      %broadcast_in_dim3A_63 = arith.constant 0.000000e+00 : f32
      %broadcast_in_dim3A_64 = vector.broadcast %broadcast_in_dim3A_63 : f32 to vector<1024x128xf32>
      %swap3A_65 = arith.constant 0 : index
      %swap3A_66 = arith.constant 0 : index
      %swap3A_67 = vector.load %arg8[%swap3A_65, %swap3A_66] : memref<1024x128xf32, #tpu.memory_space<vmem>>, vector<1024x128xf32>
      tpu.vector_store %arg8[%swap3A_65, %swap3A_66], %broadcast_in_dim3A_64 {strides = array<i32>} : memref<1024x128xf32, #tpu.memory_space<vmem>>, vector<1024x128xf32>,
    } else {
    }
    %get3A_34 = arith.constant 0 : index
    %get3A_35 = arith.constant 0 : index
    %get3A_36 = vector.load %arg7[%get3A_34, %get3A_35] : memref<1024x128xf32, #tpu.memory_space<vmem>>, vector<1024x128xf32>
    %convert_element_type3A_37 = arith.extui %eq3A_29 : vector<1024x2000xi1> to vector<1024x2000xi32>
    %convert_element_type3A_38 = arith.sitofp %convert_element_type3A_37 : vector<1024x2000xi32> to vector<1024x2000xf32>
    %convert_element_type3A_39 = arith.truncf %convert_element_type3A_38 : vector<1024x2000xf32> to vector<1024x2000xbf16>
    %convert_element_type3A_40 = arith.truncf %add3A_22 : vector<2000x128xf32> to vector<2000x128xbf16>
    %dot_general3A_41 = arith.constant dense<0.000000e+00> : vector<1024x128xf32>
    %dot_general3A_42 = tpu.matmul %convert_element_type3A_39, %convert_element_type3A_40, %dot_general3A_41 {dimension_numbers = #tpu.dot_dimension_numbers<[1], [0], [0], [1], [0, 0, 1, 1], [], []>, transpose_lhs_hint = false} : vector<1024x2000xbf16>, vector<2000x128xbf16>, vector<1024x128xf32> -> vector<1024x128xf32>
    %add3A_43 = arith.addf %get3A_36, %dot_general3A_42 : vector<1024x128xf32>
    %swap3A = arith.constant 0 : index
    %swap3A_44 = arith.constant 0 : index
    %swap3A_45 = vector.load %arg7[%swap3A, %swap3A_44] : memref<1024x128xf32, #tpu.memory_space<vmem>>, vector<1024x128xf32>
    tpu.vector_store %arg7[%swap3A, %swap3A_44], %add3A_43 {strides = array<i32>} : memref<1024x128xf32, #tpu.memory_space<vmem>>, vector<1024x128xf32>,
    %get3A_46 = arith.constant 0 : index
    %get3A_47 = arith.constant 0 : index
    %get3A_48 = vector.load %arg8[%get3A_46, %get3A_47] : memref<1024x128xf32, #tpu.memory_space<vmem>>, vector<1024x128xf32>
    %convert_element_type3A_49 = arith.extui %eq3A_29 : vector<1024x2000xi1> to vector<1024x2000xi32>
    %convert_element_type3A_50 = arith.sitofp %convert_element_type3A_49 : vector<1024x2000xi32> to vector<1024x2000xf32>
    %reduce_sum3A = arith.constant dense<0.000000e+00> : vector<1024xf32>
    %reduce_sum3A_51 = vector.multi_reduction <add>, %convert_element_type3A_50, %reduce_sum3A [1] : vector<1024x2000xf32> to vector<1024xf32>
    %broadcast_in_dim3A_52 = vector.shape_cast %reduce_sum3A_51 : vector<1024xf32> to vector<1024x1xf32>
    %add3A_53 = vector.broadcast %broadcast_in_dim3A_52 : vector<1024x1xf32> to vector<1024x128xf32>
    %add3A_54 = arith.addf %get3A_48, %add3A_53 : vector<1024x128xf32>
    %swap3A_55 = arith.constant 0 : index
    %swap3A_56 = arith.constant 0 : index
    %swap3A_57 = vector.load %arg8[%swap3A_55, %swap3A_56] : memref<1024x128xf32, #tpu.memory_space<vmem>>, vector<1024x128xf32>
    tpu.vector_store %arg8[%swap3A_55, %swap3A_56], %add3A_54 {strides = array<i32>} : memref<1024x128xf32, #tpu.memory_space<vmem>>, vector<1024x128xf32>,
    return
  }
  func.func @transform_0(%arg0: i32) -> (i32, i32) {
    %c0_i32 = arith.constant 0 : i32
    %c0_i32_0 = arith.constant 0 : i32
    return %arg0, %c0_i32 : i32, i32
  }
  func.func @transform_1(%arg0: i32) -> (i32, i32, i32) {
    %c0_i32 = arith.constant 0 : i32
    %c0_i32_0 = arith.constant 0 : i32
    %c0_i32_1 = arith.constant 0 : i32
    return %arg0, %c0_i32, %c0_i32_0 : i32, i32, i32
  }
  func.func @transform_2(%arg0: i32) -> (i32, i32) {
    %c0_i32 = arith.constant 0 : i32
    %c0_i32_0 = arith.constant 0 : i32
    %c0_i32_1 = arith.constant 0 : i32
    return %c0_i32, %c0_i32_0 : i32, i32
  }
  func.func @transform_3(%arg0: i32) -> (i32, i32) {
    %c0_i32 = arith.constant 0 : i32
    %c0_i32_0 = arith.constant 0 : i32
    %c0_i32_1 = arith.constant 0 : i32
    return %c0_i32, %c0_i32_0 : i32, i32
  }
  func.func @transform_4(%arg0: i32) -> (i32, i32) {
    %c0_i32 = arith.constant 0 : i32
    %c0_i32_0 = arith.constant 0 : i32
    %c0_i32_1 = arith.constant 0 : i32
    return %c0_i32, %c0_i32_0 : i32, i32
  }
  func.func @transform_5(%arg0: i32) -> (i32, i32) {
    %c0_i32 = arith.constant 0 : i32
    %c0_i32_0 = arith.constant 0 : i32
    %c0_i32_1 = arith.constant 0 : i32
    return %c0_i32, %c0_i32_0 : i32, i32
  }
  func.func @transform_6(%arg0: i32) -> (i32, i32) {
    %c0_i32 = arith.constant 0 : i32
    %c0_i32_0 = arith.constant 0 : i32
    %c0_i32_1 = arith.constant 0 : i32
    return %c0_i32, %c0_i32_0 : i32, i32
  }
  func.func @transform_7(%arg0: i32) -> (i32, i32) {
    %c0_i32 = arith.constant 0 : i32
    %c0_i32_0 = arith.constant 0 : i32
    %c0_i32_1 = arith.constant 0 : i32
    return %c0_i32, %c0_i32_0 : i32, i32
  }
}

module attributes {stable_mosaic.version = 14 : i64} {
  func.func @_h2p_body(%arg0: i32, %arg1: memref<2000x128xf32, #tpu.memory_space<vmem>>, %arg2: memref<2000x128xf32, #tpu.memory_space<vmem>>, %arg3: memref<2000x128xf32, #tpu.memory_space<vmem>>, %arg4: memref<2000x128xf32, #tpu.memory_space<vmem>>, %arg5: memref<2000x128xf32, #tpu.memory_space<vmem>>, %arg6: memref<2000x128xf32, #tpu.memory_space<vmem>>, %arg7: memref<2000x128xf32, #tpu.memory_space<vmem>>, %arg8: memref<2000x128xf32, #tpu.memory_space<vmem>>, %arg9: memref<128x128xbf16, #tpu.memory_space<vmem>>, %arg10: memref<128x128xbf16, #tpu.memory_space<vmem>>, %arg11: memref<128x128xbf16, #tpu.memory_space<vmem>>, %arg12: memref<128x128xbf16, #tpu.memory_space<vmem>>, %arg13: memref<1x128xf32, #tpu.memory_space<vmem>>, %arg14: memref<128x128xbf16, #tpu.memory_space<vmem>>, %arg15: memref<1x128xf32, #tpu.memory_space<vmem>>, %arg16: memref<128x128xbf16, #tpu.memory_space<vmem>>, %arg17: memref<1x128xf32, #tpu.memory_space<vmem>>, %arg18: memref<128x128xbf16, #tpu.memory_space<vmem>>, %arg19: memref<1x128xf32, #tpu.memory_space<vmem>>, %arg20: memref<2000x128xf32, #tpu.memory_space<vmem>>, %arg21: memref<2000x128xf32, #tpu.memory_space<vmem>>) attributes {dimension_semantics = [#tpu.dimension_semantics<arbitrary>], iteration_bounds = array<i64: 50>, scalar_prefetch = 0 : i64, scratch_operands = 0 : i64, tpu.core_type = #tpu.core_type<tc>, window_params = [{transform_indices = @transform_0, window_bounds = array<i64: 2000, 128>}, {transform_indices = @transform_1, window_bounds = array<i64: 2000, 128>}, {transform_indices = @transform_2, window_bounds = array<i64: 2000, 128>}, {transform_indices = @transform_3, window_bounds = array<i64: 2000, 128>}, {transform_indices = @transform_4, window_bounds = array<i64: 2000, 128>}, {transform_indices = @transform_5, window_bounds = array<i64: 2000, 128>}, {transform_indices = @transform_6, window_bounds = array<i64: 2000, 128>}, {transform_indices = @transform_7, window_bounds = array<i64: 2000, 128>}, {pipeline_mode = #tpu.pipeline_mode<synchronous>, transform_indices = @transform_8, window_bounds = array<i64: 128, 128>}, {pipeline_mode = #tpu.pipeline_mode<synchronous>, transform_indices = @transform_9, window_bounds = array<i64: 128, 128>}, {pipeline_mode = #tpu.pipeline_mode<synchronous>, transform_indices = @transform_10, window_bounds = array<i64: 128, 128>}, {pipeline_mode = #tpu.pipeline_mode<synchronous>, transform_indices = @transform_11, window_bounds = array<i64: 128, 128>}, {pipeline_mode = #tpu.pipeline_mode<synchronous>, transform_indices = @transform_12, window_bounds = array<i64: 1, 128>}, {pipeline_mode = #tpu.pipeline_mode<synchronous>, transform_indices = @transform_13, window_bounds = array<i64: 128, 128>}, {pipeline_mode = #tpu.pipeline_mode<synchronous>, transform_indices = @transform_14, window_bounds = array<i64: 1, 128>}, {pipeline_mode = #tpu.pipeline_mode<synchronous>, transform_indices = @transform_15, window_bounds = array<i64: 128, 128>}, {pipeline_mode = #tpu.pipeline_mode<synchronous>, transform_indices = @transform_16, window_bounds = array<i64: 1, 128>}, {pipeline_mode = #tpu.pipeline_mode<synchronous>, transform_indices = @transform_17, window_bounds = array<i64: 128, 128>}, {pipeline_mode = #tpu.pipeline_mode<synchronous>, transform_indices = @transform_18, window_bounds = array<i64: 1, 128>}, {transform_indices = @transform_19, window_bounds = array<i64: 2000, 128>}, {transform_indices = @transform_20, window_bounds = array<i64: 2000, 128>}]} {
    %get3A = arith.constant 0 : index
    %get3A_0 = arith.constant 0 : index
    %get3A_1 = vector.load %arg2[%get3A, %get3A_0] : memref<2000x128xf32, #tpu.memory_space<vmem>>, vector<2000x128xf32>
    %get3A_2 = arith.constant 0 : index
    %get3A_3 = arith.constant 0 : index
    %get3A_4 = vector.load %arg3[%get3A_2, %get3A_3] : memref<2000x128xf32, #tpu.memory_space<vmem>>, vector<2000x128xf32>
    %add3A = arith.addf %get3A_1, %get3A_4 : vector<2000x128xf32>
    %get3A_5 = arith.constant 0 : index
    %get3A_6 = arith.constant 0 : index
    %get3A_7 = vector.load %arg4[%get3A_5, %get3A_6] : memref<2000x128xf32, #tpu.memory_space<vmem>>, vector<2000x128xf32>
    %add3A_8 = arith.addf %add3A, %get3A_7 : vector<2000x128xf32>
    %get3A_9 = arith.constant 0 : index
    %get3A_10 = arith.constant 0 : index
    %get3A_11 = vector.load %arg5[%get3A_9, %get3A_10] : memref<2000x128xf32, #tpu.memory_space<vmem>>, vector<2000x128xf32>
    %get3A_12 = arith.constant 0 : index
    %get3A_13 = arith.constant 0 : index
    %get3A_14 = vector.load %arg6[%get3A_12, %get3A_13] : memref<2000x128xf32, #tpu.memory_space<vmem>>, vector<2000x128xf32>
    %add3A_15 = arith.addf %get3A_11, %get3A_14 : vector<2000x128xf32>
    %get3A_16 = arith.constant 0 : index
    %get3A_17 = arith.constant 0 : index
    %get3A_18 = vector.load %arg7[%get3A_16, %get3A_17] : memref<2000x128xf32, #tpu.memory_space<vmem>>, vector<2000x128xf32>
    %add3A_19 = arith.addf %add3A_15, %get3A_18 : vector<2000x128xf32>
    %get3A_20 = arith.constant 0 : index
    %get3A_21 = arith.constant 0 : index
    %get3A_22 = vector.load %arg1[%get3A_20, %get3A_21] : memref<2000x128xf32, #tpu.memory_space<vmem>>, vector<2000x128xf32>
    %get3A_23 = arith.constant 0 : index
    %get3A_24 = arith.constant 0 : index
    %get3A_25 = vector.load %arg9[%get3A_23, %get3A_24] : memref<128x128xbf16, #tpu.memory_space<vmem>>, vector<128x128xbf16>
    %convert_element_type3A = arith.truncf %get3A_22 : vector<2000x128xf32> to vector<2000x128xbf16>
    %dot_general3A = arith.constant dense<0.000000e+00> : vector<2000x128xf32>
    %dot_general3A_26 = tpu.matmul %convert_element_type3A, %get3A_25, %dot_general3A {dimension_numbers = #tpu.dot_dimension_numbers<[1], [0], [0], [1], [0, 0, 1, 1], [], []>, transpose_lhs_hint = false} : vector<2000x128xbf16>, vector<128x128xbf16>, vector<2000x128xf32> -> vector<2000x128xf32>
    %get3A_27 = arith.constant 0 : index
    %get3A_28 = arith.constant 0 : index
    %get3A_29 = vector.load %arg10[%get3A_27, %get3A_28] : memref<128x128xbf16, #tpu.memory_space<vmem>>, vector<128x128xbf16>
    %convert_element_type3A_30 = arith.truncf %add3A_8 : vector<2000x128xf32> to vector<2000x128xbf16>
    %dot_general3A_31 = arith.constant dense<0.000000e+00> : vector<2000x128xf32>
    %dot_general3A_32 = tpu.matmul %convert_element_type3A_30, %get3A_29, %dot_general3A_31 {dimension_numbers = #tpu.dot_dimension_numbers<[1], [0], [0], [1], [0, 0, 1, 1], [], []>, transpose_lhs_hint = false} : vector<2000x128xbf16>, vector<128x128xbf16>, vector<2000x128xf32> -> vector<2000x128xf32>
    %add3A_33 = arith.addf %dot_general3A_26, %dot_general3A_32 : vector<2000x128xf32>
    %get3A_34 = arith.constant 0 : index
    %get3A_35 = arith.constant 0 : index
    %get3A_36 = vector.load %arg11[%get3A_34, %get3A_35] : memref<128x128xbf16, #tpu.memory_space<vmem>>, vector<128x128xbf16>
    %convert_element_type3A_37 = arith.truncf %add3A_19 : vector<2000x128xf32> to vector<2000x128xbf16>
    %dot_general3A_38 = arith.constant dense<0.000000e+00> : vector<2000x128xf32>
    %dot_general3A_39 = tpu.matmul %convert_element_type3A_37, %get3A_36, %dot_general3A_38 {dimension_numbers = #tpu.dot_dimension_numbers<[1], [0], [0], [1], [0, 0, 1, 1], [], []>, transpose_lhs_hint = false} : vector<2000x128xbf16>, vector<128x128xbf16>, vector<2000x128xf32> -> vector<2000x128xf32>
    %add3A_40 = arith.addf %add3A_33, %dot_general3A_39 : vector<2000x128xf32>
    %get3A_41 = arith.constant 0 : index
    %get3A_42 = arith.constant 0 : index
    %get3A_43 = vector.load %arg8[%get3A_41, %get3A_42] : memref<2000x128xf32, #tpu.memory_space<vmem>>, vector<2000x128xf32>
    %get3A_44 = arith.constant 0 : index
    %get3A_45 = arith.constant 0 : index
    %get3A_46 = vector.load %arg12[%get3A_44, %get3A_45] : memref<128x128xbf16, #tpu.memory_space<vmem>>, vector<128x128xbf16>
    %convert_element_type3A_47 = arith.truncf %get3A_43 : vector<2000x128xf32> to vector<2000x128xbf16>
    %dot_general3A_48 = arith.constant dense<0.000000e+00> : vector<2000x128xf32>
    %dot_general3A_49 = tpu.matmul %convert_element_type3A_47, %get3A_46, %dot_general3A_48 {dimension_numbers = #tpu.dot_dimension_numbers<[1], [0], [0], [1], [0, 0, 1, 1], [], []>, transpose_lhs_hint = false} : vector<2000x128xbf16>, vector<128x128xbf16>, vector<2000x128xf32> -> vector<2000x128xf32>
    %add3A_50 = arith.addf %add3A_40, %dot_general3A_49 : vector<2000x128xf32>
    %get3A_51 = arith.constant 0 : index
    %get3A_52 = arith.constant 0 : index
    %get3A_53 = vector.load %arg13[%get3A_51, %get3A_52] : memref<1x128xf32, #tpu.memory_space<vmem>>, vector<1x128xf32>
    %add3A_54 = vector.broadcast %get3A_53 : vector<1x128xf32> to vector<2000x128xf32>
    %add3A_55 = arith.addf %add3A_50, %add3A_54 : vector<2000x128xf32>
    %max3A = arith.constant 0.000000e+00 : f32
    %max3A_56 = vector.broadcast %max3A : f32 to vector<2000x128xf32>
    %max3A_57 = arith.maximumf %add3A_55, %max3A_56 : vector<2000x128xf32>
    %get3A_58 = arith.constant 0 : index
    %get3A_59 = arith.constant 0 : index
    %get3A_60 = vector.load %arg14[%get3A_58, %get3A_59] : memref<128x128xbf16, #tpu.memory_space<vmem>>, vector<128x128xbf16>
    %convert_element_type3A_61 = arith.truncf %max3A_57 : vector<2000x128xf32> to vector<2000x128xbf16>
    %dot_general3A_62 = arith.constant dense<0.000000e+00> : vector<2000x128xf32>
    %dot_general3A_63 = tpu.matmul %convert_element_type3A_61, %get3A_60, %dot_general3A_62 {dimension_numbers = #tpu.dot_dimension_numbers<[1], [0], [0], [1], [0, 0, 1, 1], [], []>, transpose_lhs_hint = false} : vector<2000x128xbf16>, vector<128x128xbf16>, vector<2000x128xf32> -> vector<2000x128xf32>
    %get3A_64 = arith.constant 0 : index
    %get3A_65 = arith.constant 0 : index
    %get3A_66 = vector.load %arg15[%get3A_64, %get3A_65] : memref<1x128xf32, #tpu.memory_space<vmem>>, vector<1x128xf32>
    %add3A_67 = vector.broadcast %get3A_66 : vector<1x128xf32> to vector<2000x128xf32>
    %add3A_68 = arith.addf %dot_general3A_63, %add3A_67 : vector<2000x128xf32>
    %swap3A = arith.constant 0 : index
    %swap3A_69 = arith.constant 0 : index
    %swap3A_70 = vector.load %arg20[%swap3A, %swap3A_69] : memref<2000x128xf32, #tpu.memory_space<vmem>>, vector<2000x128xf32>
    tpu.vector_store %arg20[%swap3A, %swap3A_69], %add3A_68 {strides = array<i32>} : memref<2000x128xf32, #tpu.memory_space<vmem>>, vector<2000x128xf32>,
    %get3A_71 = arith.constant 0 : index
    %get3A_72 = arith.constant 0 : index
    %get3A_73 = vector.load %arg16[%get3A_71, %get3A_72] : memref<128x128xbf16, #tpu.memory_space<vmem>>, vector<128x128xbf16>
    %convert_element_type3A_74 = arith.truncf %add3A_68 : vector<2000x128xf32> to vector<2000x128xbf16>
    %dot_general3A_75 = arith.constant dense<0.000000e+00> : vector<2000x128xf32>
    %dot_general3A_76 = tpu.matmul %convert_element_type3A_74, %get3A_73, %dot_general3A_75 {dimension_numbers = #tpu.dot_dimension_numbers<[1], [0], [0], [1], [0, 0, 1, 1], [], []>, transpose_lhs_hint = false} : vector<2000x128xbf16>, vector<128x128xbf16>, vector<2000x128xf32> -> vector<2000x128xf32>
    %get3A_77 = arith.constant 0 : index
    %get3A_78 = arith.constant 0 : index
    %get3A_79 = vector.load %arg17[%get3A_77, %get3A_78] : memref<1x128xf32, #tpu.memory_space<vmem>>, vector<1x128xf32>
    %add3A_80 = vector.broadcast %get3A_79 : vector<1x128xf32> to vector<2000x128xf32>
    %add3A_81 = arith.addf %dot_general3A_76, %add3A_80 : vector<2000x128xf32>
    %max3A_82 = arith.constant 0.000000e+00 : f32
    %max3A_83 = vector.broadcast %max3A_82 : f32 to vector<2000x128xf32>
    %max3A_84 = arith.maximumf %add3A_81, %max3A_83 : vector<2000x128xf32>
    %get3A_85 = arith.constant 0 : index
    %get3A_86 = arith.constant 0 : index
    %get3A_87 = vector.load %arg18[%get3A_85, %get3A_86] : memref<128x128xbf16, #tpu.memory_space<vmem>>, vector<128x128xbf16>
    %convert_element_type3A_88 = arith.truncf %max3A_84 : vector<2000x128xf32> to vector<2000x128xbf16>
    %dot_general3A_89 = arith.constant dense<0.000000e+00> : vector<2000x128xf32>
    %dot_general3A_90 = tpu.matmul %convert_element_type3A_88, %get3A_87, %dot_general3A_89 {dimension_numbers = #tpu.dot_dimension_numbers<[1], [0], [0], [1], [0, 0, 1, 1], [], []>, transpose_lhs_hint = false} : vector<2000x128xbf16>, vector<128x128xbf16>, vector<2000x128xf32> -> vector<2000x128xf32>
    %get3A_91 = arith.constant 0 : index
    %get3A_92 = arith.constant 0 : index
    %get3A_93 = vector.load %arg19[%get3A_91, %get3A_92] : memref<1x128xf32, #tpu.memory_space<vmem>>, vector<1x128xf32>
    %add3A_94 = vector.broadcast %get3A_93 : vector<1x128xf32> to vector<2000x128xf32>
    %add3A_95 = arith.addf %dot_general3A_90, %add3A_94 : vector<2000x128xf32>
    %swap3A_96 = arith.constant 0 : index
    %swap3A_97 = arith.constant 0 : index
    %swap3A_98 = vector.load %arg21[%swap3A_96, %swap3A_97] : memref<2000x128xf32, #tpu.memory_space<vmem>>, vector<2000x128xf32>
    tpu.vector_store %arg21[%swap3A_96, %swap3A_97], %add3A_95 {strides = array<i32>} : memref<2000x128xf32, #tpu.memory_space<vmem>>, vector<2000x128xf32>,
    return
  }
  func.func @transform_0(%arg0: i32) -> (i32, i32) {
    %c0_i32 = arith.constant 0 : i32
    %c0_i32_0 = arith.constant 0 : i32
    return %arg0, %c0_i32 : i32, i32
  }
  func.func @transform_1(%arg0: i32) -> (i32, i32) {
    %c0_i32 = arith.constant 0 : i32
    %c0_i32_0 = arith.constant 0 : i32
    return %arg0, %c0_i32 : i32, i32
  }
  func.func @transform_2(%arg0: i32) -> (i32, i32) {
    %add3A = arith.constant 50 : i32
    %add3A_0 = arith.addi %arg0, %add3A : i32
    %c0_i32 = arith.constant 0 : i32
    %c0_i32_1 = arith.constant 0 : i32
    return %add3A_0, %c0_i32 : i32, i32
  }
  func.func @transform_3(%arg0: i32) -> (i32, i32) {
    %add3A = arith.constant 100 : i32
    %add3A_0 = arith.addi %arg0, %add3A : i32
    %c0_i32 = arith.constant 0 : i32
    %c0_i32_1 = arith.constant 0 : i32
    return %add3A_0, %c0_i32 : i32, i32
  }
  func.func @transform_4(%arg0: i32) -> (i32, i32) {
    %c0_i32 = arith.constant 0 : i32
    %c0_i32_0 = arith.constant 0 : i32
    return %arg0, %c0_i32 : i32, i32
  }
  func.func @transform_5(%arg0: i32) -> (i32, i32) {
    %add3A = arith.constant 50 : i32
    %add3A_0 = arith.addi %arg0, %add3A : i32
    %c0_i32 = arith.constant 0 : i32
    %c0_i32_1 = arith.constant 0 : i32
    return %add3A_0, %c0_i32 : i32, i32
  }
  func.func @transform_6(%arg0: i32) -> (i32, i32) {
    %add3A = arith.constant 100 : i32
    %add3A_0 = arith.addi %arg0, %add3A : i32
    %c0_i32 = arith.constant 0 : i32
    %c0_i32_1 = arith.constant 0 : i32
    return %add3A_0, %c0_i32 : i32, i32
  }
  func.func @transform_7(%arg0: i32) -> (i32, i32) {
    %c0_i32 = arith.constant 0 : i32
    %c0_i32_0 = arith.constant 0 : i32
    return %arg0, %c0_i32 : i32, i32
  }
  func.func @transform_8(%arg0: i32) -> (i32, i32) {
    %c0_i32 = arith.constant 0 : i32
    %c0_i32_0 = arith.constant 0 : i32
    %c0_i32_1 = arith.constant 0 : i32
    return %c0_i32, %c0_i32_0 : i32, i32
  }
  func.func @transform_9(%arg0: i32) -> (i32, i32) {
    %c0_i32 = arith.constant 0 : i32
    %c0_i32_0 = arith.constant 0 : i32
    %c0_i32_1 = arith.constant 0 : i32
    return %c0_i32, %c0_i32_0 : i32, i32
  }
  func.func @transform_10(%arg0: i32) -> (i32, i32) {
    %c0_i32 = arith.constant 0 : i32
    %c0_i32_0 = arith.constant 0 : i32
    %c0_i32_1 = arith.constant 0 : i32
    return %c0_i32, %c0_i32_0 : i32, i32
  }
  func.func @transform_11(%arg0: i32) -> (i32, i32) {
    %c0_i32 = arith.constant 0 : i32
    %c0_i32_0 = arith.constant 0 : i32
    %c0_i32_1 = arith.constant 0 : i32
    return %c0_i32, %c0_i32_0 : i32, i32
  }
  func.func @transform_12(%arg0: i32) -> (i32, i32) {
    %c0_i32 = arith.constant 0 : i32
    %c0_i32_0 = arith.constant 0 : i32
    %c0_i32_1 = arith.constant 0 : i32
    return %c0_i32, %c0_i32_0 : i32, i32
  }
  func.func @transform_13(%arg0: i32) -> (i32, i32) {
    %c0_i32 = arith.constant 0 : i32
    %c0_i32_0 = arith.constant 0 : i32
    %c0_i32_1 = arith.constant 0 : i32
    return %c0_i32, %c0_i32_0 : i32, i32
  }
  func.func @transform_14(%arg0: i32) -> (i32, i32) {
    %c0_i32 = arith.constant 0 : i32
    %c0_i32_0 = arith.constant 0 : i32
    %c0_i32_1 = arith.constant 0 : i32
    return %c0_i32, %c0_i32_0 : i32, i32
  }
  func.func @transform_15(%arg0: i32) -> (i32, i32) {
    %c0_i32 = arith.constant 0 : i32
    %c0_i32_0 = arith.constant 0 : i32
    %c0_i32_1 = arith.constant 0 : i32
    return %c0_i32, %c0_i32_0 : i32, i32
  }
  func.func @transform_16(%arg0: i32) -> (i32, i32) {
    %c0_i32 = arith.constant 0 : i32
    %c0_i32_0 = arith.constant 0 : i32
    %c0_i32_1 = arith.constant 0 : i32
    return %c0_i32, %c0_i32_0 : i32, i32
  }
  func.func @transform_17(%arg0: i32) -> (i32, i32) {
    %c0_i32 = arith.constant 0 : i32
    %c0_i32_0 = arith.constant 0 : i32
    %c0_i32_1 = arith.constant 0 : i32
    return %c0_i32, %c0_i32_0 : i32, i32
  }
  func.func @transform_18(%arg0: i32) -> (i32, i32) {
    %c0_i32 = arith.constant 0 : i32
    %c0_i32_0 = arith.constant 0 : i32
    %c0_i32_1 = arith.constant 0 : i32
    return %c0_i32, %c0_i32_0 : i32, i32
  }
  func.func @transform_19(%arg0: i32) -> (i32, i32) {
    %c0_i32 = arith.constant 0 : i32
    %c0_i32_0 = arith.constant 0 : i32
    return %arg0, %c0_i32 : i32, i32
  }
  func.func @transform_20(%arg0: i32) -> (i32, i32) {
    %c0_i32 = arith.constant 0 : i32
    %c0_i32_0 = arith.constant 0 : i32
    return %arg0, %c0_i32 : i32, i32
  }
}

module attributes {stable_mosaic.version = 14 : i64} {
  func.func @_h3_body(%arg0: i32, %arg1: memref<2000x128xf32, #tpu.memory_space<vmem>>, %arg2: memref<2000x128xf32, #tpu.memory_space<vmem>>, %arg3: memref<4000x128xf32, #tpu.memory_space<vmem>>, %arg4: memref<128x128xbf16, #tpu.memory_space<vmem>>, %arg5: memref<128x128xbf16, #tpu.memory_space<vmem>>, %arg6: memref<128x128xbf16, #tpu.memory_space<vmem>>, %arg7: memref<1x128xf32, #tpu.memory_space<vmem>>, %arg8: memref<128x128xbf16, #tpu.memory_space<vmem>>, %arg9: memref<1x128xf32, #tpu.memory_space<vmem>>, %arg10: memref<2000x128xf32, #tpu.memory_space<vmem>>, %arg11: memref<2000x128xf32, #tpu.memory_space<vmem>>) attributes {dimension_semantics = [#tpu.dimension_semantics<arbitrary>], iteration_bounds = array<i64: 25>, scalar_prefetch = 0 : i64, scratch_operands = 0 : i64, tpu.core_type = #tpu.core_type<tc>, window_params = [{transform_indices = @transform_0, window_bounds = array<i64: 2000, 128>}, {transform_indices = @transform_1, window_bounds = array<i64: 2000, 128>}, {transform_indices = @transform_2, window_bounds = array<i64: 4000, 128>}, {pipeline_mode = #tpu.pipeline_mode<synchronous>, transform_indices = @transform_3, window_bounds = array<i64: 128, 128>}, {pipeline_mode = #tpu.pipeline_mode<synchronous>, transform_indices = @transform_4, window_bounds = array<i64: 128, 128>}, {pipeline_mode = #tpu.pipeline_mode<synchronous>, transform_indices = @transform_5, window_bounds = array<i64: 128, 128>}, {pipeline_mode = #tpu.pipeline_mode<synchronous>, transform_indices = @transform_6, window_bounds = array<i64: 1, 128>}, {pipeline_mode = #tpu.pipeline_mode<synchronous>, transform_indices = @transform_7, window_bounds = array<i64: 128, 128>}, {pipeline_mode = #tpu.pipeline_mode<synchronous>, transform_indices = @transform_8, window_bounds = array<i64: 1, 128>}, {transform_indices = @transform_9, window_bounds = array<i64: 2000, 128>}, {transform_indices = @transform_10, window_bounds = array<i64: 2000, 128>}]} {
    %get3A = arith.constant 0 : index
    %get3A_0 = arith.constant 0 : index
    %get3A_1 = vector.load %arg3[%get3A, %get3A_0] : memref<4000x128xf32, #tpu.memory_space<vmem>>, vector<4000x128xf32>
    %reshape3A = vector.shape_cast %get3A_1 : vector<4000x128xf32> to vector<2000x2x128xf32>
    %slice3A = vector.extract_strided_slice %reshape3A {offsets = [0, 0, 0], sizes = [2000, 1, 128], strides = [1, 1, 1]} : vector<2000x2x128xf32> to vector<2000x1x128xf32>
    %squeeze3A = vector.shape_cast %slice3A : vector<2000x1x128xf32> to vector<2000x128xf32>
    %slice3A_2 = vector.extract_strided_slice %reshape3A {offsets = [0, 1, 0], sizes = [2000, 1, 128], strides = [1, 1, 1]} : vector<2000x2x128xf32> to vector<2000x1x128xf32>
    %squeeze3A_3 = vector.shape_cast %slice3A_2 : vector<2000x1x128xf32> to vector<2000x128xf32>
    %get3A_4 = arith.constant 0 : index
    %get3A_5 = arith.constant 0 : index
    %get3A_6 = vector.load %arg5[%get3A_4, %get3A_5] : memref<128x128xbf16, #tpu.memory_space<vmem>>, vector<128x128xbf16>
    %convert_element_type3A = arith.truncf %squeeze3A : vector<2000x128xf32> to vector<2000x128xbf16>
    %dot_general3A = arith.constant dense<0.000000e+00> : vector<2000x128xf32>
    %dot_general3A_7 = tpu.matmul %convert_element_type3A, %get3A_6, %dot_general3A {dimension_numbers = #tpu.dot_dimension_numbers<[1], [0], [0], [1], [0, 0, 1, 1], [], []>, transpose_lhs_hint = false} : vector<2000x128xbf16>, vector<128x128xbf16>, vector<2000x128xf32> -> vector<2000x128xf32>
    %get3A_8 = arith.constant 0 : index
    %get3A_9 = arith.constant 0 : index
    %get3A_10 = vector.load %arg6[%get3A_8, %get3A_9] : memref<128x128xbf16, #tpu.memory_space<vmem>>, vector<128x128xbf16>
    %convert_element_type3A_11 = arith.truncf %squeeze3A : vector<2000x128xf32> to vector<2000x128xbf16>
    %dot_general3A_12 = arith.constant dense<0.000000e+00> : vector<2000x128xf32>
    %dot_general3A_13 = tpu.matmul %convert_element_type3A_11, %get3A_10, %dot_general3A_12 {dimension_numbers = #tpu.dot_dimension_numbers<[1], [0], [0], [1], [0, 0, 1, 1], [], []>, transpose_lhs_hint = false} : vector<2000x128xbf16>, vector<128x128xbf16>, vector<2000x128xf32> -> vector<2000x128xf32>
    %get3A_14 = arith.constant 0 : index
    %get3A_15 = arith.constant 0 : index
    %get3A_16 = vector.load %arg5[%get3A_14, %get3A_15] : memref<128x128xbf16, #tpu.memory_space<vmem>>, vector<128x128xbf16>
    %convert_element_type3A_17 = arith.truncf %squeeze3A_3 : vector<2000x128xf32> to vector<2000x128xbf16>
    %dot_general3A_18 = arith.constant dense<0.000000e+00> : vector<2000x128xf32>
    %dot_general3A_19 = tpu.matmul %convert_element_type3A_17, %get3A_16, %dot_general3A_18 {dimension_numbers = #tpu.dot_dimension_numbers<[1], [0], [0], [1], [0, 0, 1, 1], [], []>, transpose_lhs_hint = false} : vector<2000x128xbf16>, vector<128x128xbf16>, vector<2000x128xf32> -> vector<2000x128xf32>
    %get3A_20 = arith.constant 0 : index
    %get3A_21 = arith.constant 0 : index
    %get3A_22 = vector.load %arg6[%get3A_20, %get3A_21] : memref<128x128xbf16, #tpu.memory_space<vmem>>, vector<128x128xbf16>
    %convert_element_type3A_23 = arith.truncf %squeeze3A_3 : vector<2000x128xf32> to vector<2000x128xbf16>
    %dot_general3A_24 = arith.constant dense<0.000000e+00> : vector<2000x128xf32>
    %dot_general3A_25 = tpu.matmul %convert_element_type3A_23, %get3A_22, %dot_general3A_24 {dimension_numbers = #tpu.dot_dimension_numbers<[1], [0], [0], [1], [0, 0, 1, 1], [], []>, transpose_lhs_hint = false} : vector<2000x128xbf16>, vector<128x128xbf16>, vector<2000x128xf32> -> vector<2000x128xf32>
    %get3A_26 = arith.constant 0 : index
    %get3A_27 = arith.constant 0 : index
    %get3A_28 = vector.load %arg1[%get3A_26, %get3A_27] : memref<2000x128xf32, #tpu.memory_space<vmem>>, vector<2000x128xf32>
    %get3A_29 = arith.constant 0 : index
    %get3A_30 = arith.constant 0 : index
    %get3A_31 = vector.load %arg4[%get3A_29, %get3A_30] : memref<128x128xbf16, #tpu.memory_space<vmem>>, vector<128x128xbf16>
    %convert_element_type3A_32 = arith.truncf %get3A_28 : vector<2000x128xf32> to vector<2000x128xbf16>
    %dot_general3A_33 = arith.constant dense<0.000000e+00> : vector<2000x128xf32>
    %dot_general3A_34 = tpu.matmul %convert_element_type3A_32, %get3A_31, %dot_general3A_33 {dimension_numbers = #tpu.dot_dimension_numbers<[1], [0], [0], [1], [0, 0, 1, 1], [], []>, transpose_lhs_hint = false} : vector<2000x128xbf16>, vector<128x128xbf16>, vector<2000x128xf32> -> vector<2000x128xf32>
    %add3A = arith.addf %dot_general3A_34, %dot_general3A_19 : vector<2000x128xf32>
    %add3A_35 = arith.addf %add3A, %dot_general3A_13 : vector<2000x128xf32>
    %get3A_36 = arith.constant 0 : index
    %get3A_37 = arith.constant 0 : index
    %get3A_38 = vector.load %arg7[%get3A_36, %get3A_37] : memref<1x128xf32, #tpu.memory_space<vmem>>, vector<1x128xf32>
    %add3A_39 = vector.broadcast %get3A_38 : vector<1x128xf32> to vector<2000x128xf32>
    %add3A_40 = arith.addf %add3A_35, %add3A_39 : vector<2000x128xf32>
    %max3A = arith.constant 0.000000e+00 : f32
    %max3A_41 = vector.broadcast %max3A : f32 to vector<2000x128xf32>
    %max3A_42 = arith.maximumf %add3A_40, %max3A_41 : vector<2000x128xf32>
    %get3A_43 = arith.constant 0 : index
    %get3A_44 = arith.constant 0 : index
    %get3A_45 = vector.load %arg8[%get3A_43, %get3A_44] : memref<128x128xbf16, #tpu.memory_space<vmem>>, vector<128x128xbf16>
    %convert_element_type3A_46 = arith.truncf %max3A_42 : vector<2000x128xf32> to vector<2000x128xbf16>
    %dot_general3A_47 = arith.constant dense<0.000000e+00> : vector<2000x128xf32>
    %dot_general3A_48 = tpu.matmul %convert_element_type3A_46, %get3A_45, %dot_general3A_47 {dimension_numbers = #tpu.dot_dimension_numbers<[1], [0], [0], [1], [0, 0, 1, 1], [], []>, transpose_lhs_hint = false} : vector<2000x128xbf16>, vector<128x128xbf16>, vector<2000x128xf32> -> vector<2000x128xf32>
    %get3A_49 = arith.constant 0 : index
    %get3A_50 = arith.constant 0 : index
    %get3A_51 = vector.load %arg9[%get3A_49, %get3A_50] : memref<1x128xf32, #tpu.memory_space<vmem>>, vector<1x128xf32>
    %add3A_52 = vector.broadcast %get3A_51 : vector<1x128xf32> to vector<2000x128xf32>
    %add3A_53 = arith.addf %dot_general3A_48, %add3A_52 : vector<2000x128xf32>
    %swap3A = arith.constant 0 : index
    %swap3A_54 = arith.constant 0 : index
    %swap3A_55 = vector.load %arg10[%swap3A, %swap3A_54] : memref<2000x128xf32, #tpu.memory_space<vmem>>, vector<2000x128xf32>
    tpu.vector_store %arg10[%swap3A, %swap3A_54], %add3A_53 {strides = array<i32>} : memref<2000x128xf32, #tpu.memory_space<vmem>>, vector<2000x128xf32>,
    %get3A_56 = arith.constant 0 : index
    %get3A_57 = arith.constant 0 : index
    %get3A_58 = vector.load %arg2[%get3A_56, %get3A_57] : memref<2000x128xf32, #tpu.memory_space<vmem>>, vector<2000x128xf32>
    %get3A_59 = arith.constant 0 : index
    %get3A_60 = arith.constant 0 : index
    %get3A_61 = vector.load %arg4[%get3A_59, %get3A_60] : memref<128x128xbf16, #tpu.memory_space<vmem>>, vector<128x128xbf16>
    %convert_element_type3A_62 = arith.truncf %get3A_58 : vector<2000x128xf32> to vector<2000x128xbf16>
    %dot_general3A_63 = arith.constant dense<0.000000e+00> : vector<2000x128xf32>
    %dot_general3A_64 = tpu.matmul %convert_element_type3A_62, %get3A_61, %dot_general3A_63 {dimension_numbers = #tpu.dot_dimension_numbers<[1], [0], [0], [1], [0, 0, 1, 1], [], []>, transpose_lhs_hint = false} : vector<2000x128xbf16>, vector<128x128xbf16>, vector<2000x128xf32> -> vector<2000x128xf32>
    %add3A_65 = arith.addf %dot_general3A_64, %dot_general3A_7 : vector<2000x128xf32>
    %add3A_66 = arith.addf %add3A_65, %dot_general3A_25 : vector<2000x128xf32>
    %get3A_67 = arith.constant 0 : index
    %get3A_68 = arith.constant 0 : index
    %get3A_69 = vector.load %arg7[%get3A_67, %get3A_68] : memref<1x128xf32, #tpu.memory_space<vmem>>, vector<1x128xf32>
    %add3A_70 = vector.broadcast %get3A_69 : vector<1x128xf32> to vector<2000x128xf32>
    %add3A_71 = arith.addf %add3A_66, %add3A_70 : vector<2000x128xf32>
    %max3A_72 = arith.constant 0.000000e+00 : f32
    %max3A_73 = vector.broadcast %max3A_72 : f32 to vector<2000x128xf32>
    %max3A_74 = arith.maximumf %add3A_71, %max3A_73 : vector<2000x128xf32>
    %get3A_75 = arith.constant 0 : index
    %get3A_76 = arith.constant 0 : index
    %get3A_77 = vector.load %arg8[%get3A_75, %get3A_76] : memref<128x128xbf16, #tpu.memory_space<vmem>>, vector<128x128xbf16>
    %convert_element_type3A_78 = arith.truncf %max3A_74 : vector<2000x128xf32> to vector<2000x128xbf16>
    %dot_general3A_79 = arith.constant dense<0.000000e+00> : vector<2000x128xf32>
    %dot_general3A_80 = tpu.matmul %convert_element_type3A_78, %get3A_77, %dot_general3A_79 {dimension_numbers = #tpu.dot_dimension_numbers<[1], [0], [0], [1], [0, 0, 1, 1], [], []>, transpose_lhs_hint = false} : vector<2000x128xbf16>, vector<128x128xbf16>, vector<2000x128xf32> -> vector<2000x128xf32>
    %get3A_81 = arith.constant 0 : index
    %get3A_82 = arith.constant 0 : index
    %get3A_83 = vector.load %arg9[%get3A_81, %get3A_82] : memref<1x128xf32, #tpu.memory_space<vmem>>, vector<1x128xf32>
    %add3A_84 = vector.broadcast %get3A_83 : vector<1x128xf32> to vector<2000x128xf32>
    %add3A_85 = arith.addf %dot_general3A_80, %add3A_84 : vector<2000x128xf32>
    %swap3A_86 = arith.constant 0 : index
    %swap3A_87 = arith.constant 0 : index
    %swap3A_88 = vector.load %arg11[%swap3A_86, %swap3A_87] : memref<2000x128xf32, #tpu.memory_space<vmem>>, vector<2000x128xf32>
    tpu.vector_store %arg11[%swap3A_86, %swap3A_87], %add3A_85 {strides = array<i32>} : memref<2000x128xf32, #tpu.memory_space<vmem>>, vector<2000x128xf32>,
    return
  }
  func.func @transform_0(%arg0: i32) -> (i32, i32) {
    %c0_i32 = arith.constant 0 : i32
    %c0_i32_0 = arith.constant 0 : i32
    return %arg0, %c0_i32 : i32, i32
  }
  func.func @transform_1(%arg0: i32) -> (i32, i32) {
    %c0_i32 = arith.constant 0 : i32
    %c0_i32_0 = arith.constant 0 : i32
    return %arg0, %c0_i32 : i32, i32
  }
  func.func @transform_2(%arg0: i32) -> (i32, i32) {
    %c0_i32 = arith.constant 0 : i32
    %c0_i32_0 = arith.constant 0 : i32
    return %arg0, %c0_i32 : i32, i32
  }
  func.func @transform_3(%arg0: i32) -> (i32, i32) {
    %c0_i32 = arith.constant 0 : i32
    %c0_i32_0 = arith.constant 0 : i32
    %c0_i32_1 = arith.constant 0 : i32
    return %c0_i32, %c0_i32_0 : i32, i32
  }
  func.func @transform_4(%arg0: i32) -> (i32, i32) {
    %c0_i32 = arith.constant 0 : i32
    %c0_i32_0 = arith.constant 0 : i32
    %c0_i32_1 = arith.constant 0 : i32
    return %c0_i32, %c0_i32_0 : i32, i32
  }
  func.func @transform_5(%arg0: i32) -> (i32, i32) {
    %c0_i32 = arith.constant 0 : i32
    %c0_i32_0 = arith.constant 0 : i32
    %c0_i32_1 = arith.constant 0 : i32
    return %c0_i32, %c0_i32_0 : i32, i32
  }
  func.func @transform_6(%arg0: i32) -> (i32, i32) {
    %c0_i32 = arith.constant 0 : i32
    %c0_i32_0 = arith.constant 0 : i32
    %c0_i32_1 = arith.constant 0 : i32
    return %c0_i32, %c0_i32_0 : i32, i32
  }
  func.func @transform_7(%arg0: i32) -> (i32, i32) {
    %c0_i32 = arith.constant 0 : i32
    %c0_i32_0 = arith.constant 0 : i32
    %c0_i32_1 = arith.constant 0 : i32
    return %c0_i32, %c0_i32_0 : i32, i32
  }
  func.func @transform_8(%arg0: i32) -> (i32, i32) {
    %c0_i32 = arith.constant 0 : i32
    %c0_i32_0 = arith.constant 0 : i32
    %c0_i32_1 = arith.constant 0 : i32
    return %c0_i32, %c0_i32_0 : i32, i32
  }
  func.func @transform_9(%arg0: i32) -> (i32, i32) {
    %c0_i32 = arith.constant 0 : i32
    %c0_i32_0 = arith.constant 0 : i32
    return %arg0, %c0_i32 : i32, i32
  }
  func.func @transform_10(%arg0: i32) -> (i32, i32) {
    %c0_i32 = arith.constant 0 : i32
    %c0_i32_0 = arith.constant 0 : i32
    return %arg0, %c0_i32 : i32, i32
  }
}

module attributes {stable_mosaic.version = 14 : i64} {
  func.func @_h2pp_body(%arg0: i32, %arg1: memref<2000x128xf32, #tpu.memory_space<vmem>>, %arg2: memref<1000x128xf32, #tpu.memory_space<vmem>>, %arg3: memref<1000x128xf32, #tpu.memory_space<vmem>>, %arg4: memref<1x1x2000xi32, #tpu.memory_space<vmem>>, %arg5: memref<128x128xbf16, #tpu.memory_space<vmem>>, %arg6: memref<128x128xbf16, #tpu.memory_space<vmem>>, %arg7: memref<1x128xf32, #tpu.memory_space<vmem>>, %arg8: memref<128x128xbf16, #tpu.memory_space<vmem>>, %arg9: memref<1x128xf32, #tpu.memory_space<vmem>>, %arg10: memref<128x128xbf16, #tpu.memory_space<vmem>>, %arg11: memref<1x128xf32, #tpu.memory_space<vmem>>, %arg12: memref<128x128xbf16, #tpu.memory_space<vmem>>, %arg13: memref<1x128xf32, #tpu.memory_space<vmem>>, %arg14: memref<2000x128xf32, #tpu.memory_space<vmem>>, %arg15: memref<1024x128xf32, #tpu.memory_space<vmem>>, %arg16: memref<1024x128xf32, #tpu.memory_space<vmem>>) attributes {dimension_semantics = [#tpu.dimension_semantics<arbitrary>], iteration_bounds = array<i64: 50>, scalar_prefetch = 0 : i64, scratch_operands = 0 : i64, tpu.core_type = #tpu.core_type<tc>, window_params = [{transform_indices = @transform_0, window_bounds = array<i64: 2000, 128>}, {transform_indices = @transform_1, window_bounds = array<i64: 1000, 128>}, {transform_indices = @transform_2, window_bounds = array<i64: 1000, 128>}, {transform_indices = @transform_3, window_bounds = array<i64: 1, 1, 2000>}, {pipeline_mode = #tpu.pipeline_mode<synchronous>, transform_indices = @transform_4, window_bounds = array<i64: 128, 128>}, {pipeline_mode = #tpu.pipeline_mode<synchronous>, transform_indices = @transform_5, window_bounds = array<i64: 128, 128>}, {pipeline_mode = #tpu.pipeline_mode<synchronous>, transform_indices = @transform_6, window_bounds = array<i64: 1, 128>}, {pipeline_mode = #tpu.pipeline_mode<synchronous>, transform_indices = @transform_7, window_bounds = array<i64: 128, 128>}, {pipeline_mode = #tpu.pipeline_mode<synchronous>, transform_indices = @transform_8, window_bounds = array<i64: 1, 128>}, {pipeline_mode = #tpu.pipeline_mode<synchronous>, transform_indices = @transform_9, window_bounds = array<i64: 128, 128>}, {pipeline_mode = #tpu.pipeline_mode<synchronous>, transform_indices = @transform_10, window_bounds = array<i64: 1, 128>}, {pipeline_mode = #tpu.pipeline_mode<synchronous>, transform_indices = @transform_11, window_bounds = array<i64: 128, 128>}, {pipeline_mode = #tpu.pipeline_mode<synchronous>, transform_indices = @transform_12, window_bounds = array<i64: 1, 128>}, {transform_indices = @transform_13, window_bounds = array<i64: 2000, 128>}, {pipeline_mode = #tpu.pipeline_mode<synchronous>, transform_indices = @transform_14, window_bounds = array<i64: 1024, 128>}, {pipeline_mode = #tpu.pipeline_mode<synchronous>, transform_indices = @transform_15, window_bounds = array<i64: 1024, 128>}]} {
    %get3A = arith.constant 0 : index
    %get3A_0 = arith.constant 0 : index
    %get3A_1 = vector.load %arg2[%get3A, %get3A_0] : memref<1000x128xf32, #tpu.memory_space<vmem>>, vector<1000x128xf32>
    %get3A_2 = arith.constant 0 : index
    %get3A_3 = arith.constant 0 : index
    %get3A_4 = vector.load %arg3[%get3A_2, %get3A_3] : memref<1000x128xf32, #tpu.memory_space<vmem>>, vector<1000x128xf32>
    %stack3A = vector.shape_cast %get3A_1 : vector<1000x128xf32> to vector<1000x1x128xf32>
    %stack3A_5 = vector.shape_cast %get3A_4 : vector<1000x128xf32> to vector<1000x1x128xf32>
    %stack3A_6 = tpu.concatenate %stack3A, %stack3A_5 in 1 : vector<1000x1x128xf32>, vector<1000x1x128xf32> -> vector<1000x2x128xf32>
    %reshape3A = vector.shape_cast %stack3A_6 : vector<1000x2x128xf32> to vector<2000x128xf32>
    %get3A_7 = arith.constant 0 : index
    %get3A_8 = arith.constant 0 : index
    %get3A_9 = vector.load %arg1[%get3A_7, %get3A_8] : memref<2000x128xf32, #tpu.memory_space<vmem>>, vector<2000x128xf32>
    %get3A_10 = arith.constant 0 : index
    %get3A_11 = arith.constant 0 : index
    %get3A_12 = vector.load %arg5[%get3A_10, %get3A_11] : memref<128x128xbf16, #tpu.memory_space<vmem>>, vector<128x128xbf16>
    %convert_element_type3A = arith.truncf %get3A_9 : vector<2000x128xf32> to vector<2000x128xbf16>
    %dot_general3A = arith.constant dense<0.000000e+00> : vector<2000x128xf32>
    %dot_general3A_13 = tpu.matmul %convert_element_type3A, %get3A_12, %dot_general3A {dimension_numbers = #tpu.dot_dimension_numbers<[1], [0], [0], [1], [0, 0, 1, 1], [], []>, transpose_lhs_hint = false} : vector<2000x128xbf16>, vector<128x128xbf16>, vector<2000x128xf32> -> vector<2000x128xf32>
    %get3A_14 = arith.constant 0 : index
    %get3A_15 = arith.constant 0 : index
    %get3A_16 = vector.load %arg6[%get3A_14, %get3A_15] : memref<128x128xbf16, #tpu.memory_space<vmem>>, vector<128x128xbf16>
    %convert_element_type3A_17 = arith.truncf %reshape3A : vector<2000x128xf32> to vector<2000x128xbf16>
    %dot_general3A_18 = arith.constant dense<0.000000e+00> : vector<2000x128xf32>
    %dot_general3A_19 = tpu.matmul %convert_element_type3A_17, %get3A_16, %dot_general3A_18 {dimension_numbers = #tpu.dot_dimension_numbers<[1], [0], [0], [1], [0, 0, 1, 1], [], []>, transpose_lhs_hint = false} : vector<2000x128xbf16>, vector<128x128xbf16>, vector<2000x128xf32> -> vector<2000x128xf32>
    %add3A = arith.addf %dot_general3A_13, %dot_general3A_19 : vector<2000x128xf32>
    %get3A_20 = arith.constant 0 : index
    %get3A_21 = arith.constant 0 : index
    %get3A_22 = vector.load %arg7[%get3A_20, %get3A_21] : memref<1x128xf32, #tpu.memory_space<vmem>>, vector<1x128xf32>
    %add3A_23 = vector.broadcast %get3A_22 : vector<1x128xf32> to vector<2000x128xf32>
    %add3A_24 = arith.addf %add3A, %add3A_23 : vector<2000x128xf32>
    %max3A = arith.constant 0.000000e+00 : f32
    %max3A_25 = vector.broadcast %max3A : f32 to vector<2000x128xf32>
    %max3A_26 = arith.maximumf %add3A_24, %max3A_25 : vector<2000x128xf32>
    %get3A_27 = arith.constant 0 : index
    %get3A_28 = arith.constant 0 : index
    %get3A_29 = vector.load %arg8[%get3A_27, %get3A_28] : memref<128x128xbf16, #tpu.memory_space<vmem>>, vector<128x128xbf16>
    %convert_element_type3A_30 = arith.truncf %max3A_26 : vector<2000x128xf32> to vector<2000x128xbf16>
    %dot_general3A_31 = arith.constant dense<0.000000e+00> : vector<2000x128xf32>
    %dot_general3A_32 = tpu.matmul %convert_element_type3A_30, %get3A_29, %dot_general3A_31 {dimension_numbers = #tpu.dot_dimension_numbers<[1], [0], [0], [1], [0, 0, 1, 1], [], []>, transpose_lhs_hint = false} : vector<2000x128xbf16>, vector<128x128xbf16>, vector<2000x128xf32> -> vector<2000x128xf32>
    %get3A_33 = arith.constant 0 : index
    %get3A_34 = arith.constant 0 : index
    %get3A_35 = vector.load %arg9[%get3A_33, %get3A_34] : memref<1x128xf32, #tpu.memory_space<vmem>>, vector<1x128xf32>
    %add3A_36 = vector.broadcast %get3A_35 : vector<1x128xf32> to vector<2000x128xf32>
    %add3A_37 = arith.addf %dot_general3A_32, %add3A_36 : vector<2000x128xf32>
    %swap3A = arith.constant 0 : index
    %swap3A_38 = arith.constant 0 : index
    %swap3A_39 = vector.load %arg14[%swap3A, %swap3A_38] : memref<2000x128xf32, #tpu.memory_space<vmem>>, vector<2000x128xf32>
    tpu.vector_store %arg14[%swap3A, %swap3A_38], %add3A_37 {strides = array<i32>} : memref<2000x128xf32, #tpu.memory_space<vmem>>, vector<2000x128xf32>,
    %get3A_40 = arith.constant 0 : index
    %get3A_41 = arith.constant 0 : index
    %get3A_42 = vector.load %arg10[%get3A_40, %get3A_41] : memref<128x128xbf16, #tpu.memory_space<vmem>>, vector<128x128xbf16>
    %convert_element_type3A_43 = arith.truncf %add3A_37 : vector<2000x128xf32> to vector<2000x128xbf16>
    %dot_general3A_44 = arith.constant dense<0.000000e+00> : vector<2000x128xf32>
    %dot_general3A_45 = tpu.matmul %convert_element_type3A_43, %get3A_42, %dot_general3A_44 {dimension_numbers = #tpu.dot_dimension_numbers<[1], [0], [0], [1], [0, 0, 1, 1], [], []>, transpose_lhs_hint = false} : vector<2000x128xbf16>, vector<128x128xbf16>, vector<2000x128xf32> -> vector<2000x128xf32>
    %get3A_46 = arith.constant 0 : index
    %get3A_47 = arith.constant 0 : index
    %get3A_48 = vector.load %arg11[%get3A_46, %get3A_47] : memref<1x128xf32, #tpu.memory_space<vmem>>, vector<1x128xf32>
    %add3A_49 = vector.broadcast %get3A_48 : vector<1x128xf32> to vector<2000x128xf32>
    %add3A_50 = arith.addf %dot_general3A_45, %add3A_49 : vector<2000x128xf32>
    %max3A_51 = arith.constant 0.000000e+00 : f32
    %max3A_52 = vector.broadcast %max3A_51 : f32 to vector<2000x128xf32>
    %max3A_53 = arith.maximumf %add3A_50, %max3A_52 : vector<2000x128xf32>
    %get3A_54 = arith.constant 0 : index
    %get3A_55 = arith.constant 0 : index
    %get3A_56 = vector.load %arg12[%get3A_54, %get3A_55] : memref<128x128xbf16, #tpu.memory_space<vmem>>, vector<128x128xbf16>
    %convert_element_type3A_57 = arith.truncf %max3A_53 : vector<2000x128xf32> to vector<2000x128xbf16>
    %dot_general3A_58 = arith.constant dense<0.000000e+00> : vector<2000x128xf32>
    %dot_general3A_59 = tpu.matmul %convert_element_type3A_57, %get3A_56, %dot_general3A_58 {dimension_numbers = #tpu.dot_dimension_numbers<[1], [0], [0], [1], [0, 0, 1, 1], [], []>, transpose_lhs_hint = false} : vector<2000x128xbf16>, vector<128x128xbf16>, vector<2000x128xf32> -> vector<2000x128xf32>
    %get3A_60 = arith.constant 0 : index
    %get3A_61 = arith.constant 0 : index
    %get3A_62 = vector.load %arg13[%get3A_60, %get3A_61] : memref<1x128xf32, #tpu.memory_space<vmem>>, vector<1x128xf32>
    %add3A_63 = vector.broadcast %get3A_62 : vector<1x128xf32> to vector<2000x128xf32>
    %add3A_64 = arith.addf %dot_general3A_59, %add3A_63 : vector<2000x128xf32>
    %get3A_65 = arith.constant 0 : index
    %get3A_66 = arith.constant 0 : index
    %get3A_67 = arith.constant 0 : index
    %get3A_68 = vector.load %arg4[%get3A_65, %get3A_66, %get3A_67] : memref<1x1x2000xi32, #tpu.memory_space<vmem>>, vector<1x1x2000xi32>
    %get3A_69 = vector.shape_cast %get3A_68 : vector<1x1x2000xi32> to vector<2000xi32>
    %iota3A = tpu.iota {dimensions = array<i32: 0>} : vector<1024x1xi32>
    %broadcast_in_dim3A = vector.shape_cast %get3A_69 : vector<2000xi32> to vector<1x2000xi32>
    %eq3A = vector.broadcast %iota3A : vector<1024x1xi32> to vector<1024x2000xi32>
    %eq3A_70 = vector.broadcast %broadcast_in_dim3A : vector<1x2000xi32> to vector<1024x2000xi32>
    %eq3A_71 = arith.cmpi eq, %eq3A, %eq3A_70 : vector<1024x2000xi32>
    %eq3A_72 = arith.constant 0 : i32
    %eq3A_73 = arith.cmpi eq, %arg0, %eq3A_72 : i32
    %convert_element_type3A_74 = arith.extui %eq3A_73 : i1 to i32
    %cond3A = arith.constant 0 : i32
    %cond3A_75 = arith.cmpi ne, %convert_element_type3A_74, %cond3A : i32
    scf.if %cond3A_75 {
      %broadcast_in_dim3A_101 = arith.constant 0.000000e+00 : f32
      %broadcast_in_dim3A_102 = vector.broadcast %broadcast_in_dim3A_101 : f32 to vector<1024x128xf32>
      %swap3A_103 = arith.constant 0 : index
      %swap3A_104 = arith.constant 0 : index
      %swap3A_105 = vector.load %arg15[%swap3A_103, %swap3A_104] : memref<1024x128xf32, #tpu.memory_space<vmem>>, vector<1024x128xf32>
      tpu.vector_store %arg15[%swap3A_103, %swap3A_104], %broadcast_in_dim3A_102 {strides = array<i32>} : memref<1024x128xf32, #tpu.memory_space<vmem>>, vector<1024x128xf32>,
      %broadcast_in_dim3A_106 = arith.constant 0.000000e+00 : f32
      %broadcast_in_dim3A_107 = vector.broadcast %broadcast_in_dim3A_106 : f32 to vector<1024x128xf32>
      %swap3A_108 = arith.constant 0 : index
      %swap3A_109 = arith.constant 0 : index
      %swap3A_110 = vector.load %arg16[%swap3A_108, %swap3A_109] : memref<1024x128xf32, #tpu.memory_space<vmem>>, vector<1024x128xf32>
      tpu.vector_store %arg16[%swap3A_108, %swap3A_109], %broadcast_in_dim3A_107 {strides = array<i32>} : memref<1024x128xf32, #tpu.memory_space<vmem>>, vector<1024x128xf32>,
    } else {
    }
    %get3A_76 = arith.constant 0 : index
    %get3A_77 = arith.constant 0 : index
    %get3A_78 = vector.load %arg15[%get3A_76, %get3A_77] : memref<1024x128xf32, #tpu.memory_space<vmem>>, vector<1024x128xf32>
    %convert_element_type3A_79 = arith.extui %eq3A_71 : vector<1024x2000xi1> to vector<1024x2000xi32>
    %convert_element_type3A_80 = arith.sitofp %convert_element_type3A_79 : vector<1024x2000xi32> to vector<1024x2000xf32>
    %convert_element_type3A_81 = arith.truncf %convert_element_type3A_80 : vector<1024x2000xf32> to vector<1024x2000xbf16>
    %convert_element_type3A_82 = arith.truncf %add3A_64 : vector<2000x128xf32> to vector<2000x128xbf16>
    %dot_general3A_83 = arith.constant dense<0.000000e+00> : vector<1024x128xf32>
    %dot_general3A_84 = tpu.matmul %convert_element_type3A_81, %convert_element_type3A_82, %dot_general3A_83 {dimension_numbers = #tpu.dot_dimension_numbers<[1], [0], [0], [1], [0, 0, 1, 1], [], []>, transpose_lhs_hint = false} : vector<1024x2000xbf16>, vector<2000x128xbf16>, vector<1024x128xf32> -> vector<1024x128xf32>
    %add3A_85 = arith.addf %get3A_78, %dot_general3A_84 : vector<1024x128xf32>
    %swap3A_86 = arith.constant 0 : index
    %swap3A_87 = arith.constant 0 : index
    %swap3A_88 = vector.load %arg15[%swap3A_86, %swap3A_87] : memref<1024x128xf32, #tpu.memory_space<vmem>>, vector<1024x128xf32>
    tpu.vector_store %arg15[%swap3A_86, %swap3A_87], %add3A_85 {strides = array<i32>} : memref<1024x128xf32, #tpu.memory_space<vmem>>, vector<1024x128xf32>,
    %get3A_89 = arith.constant 0 : index
    %get3A_90 = arith.constant 0 : index
    %get3A_91 = vector.load %arg16[%get3A_89, %get3A_90] : memref<1024x128xf32, #tpu.memory_space<vmem>>, vector<1024x128xf32>
    %convert_element_type3A_92 = arith.extui %eq3A_71 : vector<1024x2000xi1> to vector<1024x2000xi32>
    %convert_element_type3A_93 = arith.sitofp %convert_element_type3A_92 : vector<1024x2000xi32> to vector<1024x2000xf32>
    %reduce_sum3A = arith.constant dense<0.000000e+00> : vector<1024xf32>
    %reduce_sum3A_94 = vector.multi_reduction <add>, %convert_element_type3A_93, %reduce_sum3A [1] : vector<1024x2000xf32> to vector<1024xf32>
    %broadcast_in_dim3A_95 = vector.shape_cast %reduce_sum3A_94 : vector<1024xf32> to vector<1024x1xf32>
    %add3A_96 = vector.broadcast %broadcast_in_dim3A_95 : vector<1024x1xf32> to vector<1024x128xf32>
    %add3A_97 = arith.addf %get3A_91, %add3A_96 : vector<1024x128xf32>
    %swap3A_98 = arith.constant 0 : index
    %swap3A_99 = arith.constant 0 : index
    %swap3A_100 = vector.load %arg16[%swap3A_98, %swap3A_99] : memref<1024x128xf32, #tpu.memory_space<vmem>>, vector<1024x128xf32>
    tpu.vector_store %arg16[%swap3A_98, %swap3A_99], %add3A_97 {strides = array<i32>} : memref<1024x128xf32, #tpu.memory_space<vmem>>, vector<1024x128xf32>,
    return
  }
  func.func @transform_0(%arg0: i32) -> (i32, i32) {
    %c0_i32 = arith.constant 0 : i32
    %c0_i32_0 = arith.constant 0 : i32
    return %arg0, %c0_i32 : i32, i32
  }
  func.func @transform_1(%arg0: i32) -> (i32, i32) {
    %c0_i32 = arith.constant 0 : i32
    %c0_i32_0 = arith.constant 0 : i32
    return %arg0, %c0_i32 : i32, i32
  }
  func.func @transform_2(%arg0: i32) -> (i32, i32) {
    %c0_i32 = arith.constant 0 : i32
    %c0_i32_0 = arith.constant 0 : i32
    return %arg0, %c0_i32 : i32, i32
  }
  func.func @transform_3(%arg0: i32) -> (i32, i32, i32) {
    %c0_i32 = arith.constant 0 : i32
    %c0_i32_0 = arith.constant 0 : i32
    %c0_i32_1 = arith.constant 0 : i32
    return %arg0, %c0_i32, %c0_i32_0 : i32, i32, i32
  }
  func.func @transform_4(%arg0: i32) -> (i32, i32) {
    %c0_i32 = arith.constant 0 : i32
    %c0_i32_0 = arith.constant 0 : i32
    %c0_i32_1 = arith.constant 0 : i32
    return %c0_i32, %c0_i32_0 : i32, i32
  }
  func.func @transform_5(%arg0: i32) -> (i32, i32) {
    %c0_i32 = arith.constant 0 : i32
    %c0_i32_0 = arith.constant 0 : i32
    %c0_i32_1 = arith.constant 0 : i32
    return %c0_i32, %c0_i32_0 : i32, i32
  }
  func.func @transform_6(%arg0: i32) -> (i32, i32) {
    %c0_i32 = arith.constant 0 : i32
    %c0_i32_0 = arith.constant 0 : i32
    %c0_i32_1 = arith.constant 0 : i32
    return %c0_i32, %c0_i32_0 : i32, i32
  }
  func.func @transform_7(%arg0: i32) -> (i32, i32) {
    %c0_i32 = arith.constant 0 : i32
    %c0_i32_0 = arith.constant 0 : i32
    %c0_i32_1 = arith.constant 0 : i32
    return %c0_i32, %c0_i32_0 : i32, i32
  }
  func.func @transform_8(%arg0: i32) -> (i32, i32) {
    %c0_i32 = arith.constant 0 : i32
    %c0_i32_0 = arith.constant 0 : i32
    %c0_i32_1 = arith.constant 0 : i32
    return %c0_i32, %c0_i32_0 : i32, i32
  }
  func.func @transform_9(%arg0: i32) -> (i32, i32) {
    %c0_i32 = arith.constant 0 : i32
    %c0_i32_0 = arith.constant 0 : i32
    %c0_i32_1 = arith.constant 0 : i32
    return %c0_i32, %c0_i32_0 : i32, i32
  }
  func.func @transform_10(%arg0: i32) -> (i32, i32) {
    %c0_i32 = arith.constant 0 : i32
    %c0_i32_0 = arith.constant 0 : i32
    %c0_i32_1 = arith.constant 0 : i32
    return %c0_i32, %c0_i32_0 : i32, i32
  }
  func.func @transform_11(%arg0: i32) -> (i32, i32) {
    %c0_i32 = arith.constant 0 : i32
    %c0_i32_0 = arith.constant 0 : i32
    %c0_i32_1 = arith.constant 0 : i32
    return %c0_i32, %c0_i32_0 : i32, i32
  }
  func.func @transform_12(%arg0: i32) -> (i32, i32) {
    %c0_i32 = arith.constant 0 : i32
    %c0_i32_0 = arith.constant 0 : i32
    %c0_i32_1 = arith.constant 0 : i32
    return %c0_i32, %c0_i32_0 : i32, i32
  }
  func.func @transform_13(%arg0: i32) -> (i32, i32) {
    %c0_i32 = arith.constant 0 : i32
    %c0_i32_0 = arith.constant 0 : i32
    return %arg0, %c0_i32 : i32, i32
  }
  func.func @transform_14(%arg0: i32) -> (i32, i32) {
    %c0_i32 = arith.constant 0 : i32
    %c0_i32_0 = arith.constant 0 : i32
    %c0_i32_1 = arith.constant 0 : i32
    return %c0_i32, %c0_i32_0 : i32, i32
  }
  func.func @transform_15(%arg0: i32) -> (i32, i32) {
    %c0_i32 = arith.constant 0 : i32
    %c0_i32_0 = arith.constant 0 : i32
    %c0_i32_1 = arith.constant 0 : i32
    return %c0_i32, %c0_i32_0 : i32, i32
  }
}

module attributes {stable_mosaic.version = 14 : i64} {
  func.func @_h4_body(%arg0: i32, %arg1: memref<1000x128xf32, #tpu.memory_space<vmem>>, %arg2: memref<1024x128xf32, #tpu.memory_space<vmem>>, %arg3: memref<1024x128xf32, #tpu.memory_space<vmem>>, %arg4: memref<1024x128xf32, #tpu.memory_space<vmem>>, %arg5: memref<1024x128xf32, #tpu.memory_space<vmem>>, %arg6: memref<128x128xf32, #tpu.memory_space<vmem>>, %arg7: memref<128x128xf32, #tpu.memory_space<vmem>>, %arg8: memref<1x128xf32, #tpu.memory_space<vmem>>, %arg9: memref<128x128xf32, #tpu.memory_space<vmem>>, %arg10: memref<1x128xf32, #tpu.memory_space<vmem>>, %arg11: memref<128x128xf32, #tpu.memory_space<vmem>>, %arg12: memref<1x128xf32, #tpu.memory_space<vmem>>, %arg13: memref<128x128xf32, #tpu.memory_space<vmem>>, %arg14: memref<1x128xf32, #tpu.memory_space<vmem>>, %arg15: memref<128x128xf32, #tpu.memory_space<vmem>>, %arg16: memref<128x128xf32, #tpu.memory_space<vmem>>, %arg17: memref<1x128xf32, #tpu.memory_space<vmem>>, %arg18: memref<128x128xf32, #tpu.memory_space<vmem>>, %arg19: memref<1x128xf32, #tpu.memory_space<vmem>>, %arg20: memref<1000x128xf32, #tpu.memory_space<vmem>>, %arg21: memref<1000x128xf32, #tpu.memory_space<vmem>>, %arg22: memref<1000x128xf32, #tpu.memory_space<vmem>>) attributes {dimension_semantics = [#tpu.dimension_semantics<arbitrary>], iteration_bounds = array<i64: 1>, scalar_prefetch = 0 : i64, scratch_operands = 0 : i64, tpu.core_type = #tpu.core_type<tc>, window_params = [{pipeline_mode = #tpu.pipeline_mode<synchronous>, transform_indices = @transform_0, window_bounds = array<i64: 1000, 128>}, {pipeline_mode = #tpu.pipeline_mode<synchronous>, transform_indices = @transform_1, window_bounds = array<i64: 1024, 128>}, {pipeline_mode = #tpu.pipeline_mode<synchronous>, transform_indices = @transform_2, window_bounds = array<i64: 1024, 128>}, {pipeline_mode = #tpu.pipeline_mode<synchronous>, transform_indices = @transform_3, window_bounds = array<i64: 1024, 128>}, {pipeline_mode = #tpu.pipeline_mode<synchronous>, transform_indices = @transform_4, window_bounds = array<i64: 1024, 128>}, {pipeline_mode = #tpu.pipeline_mode<synchronous>, transform_indices = @transform_5, window_bounds = array<i64: 128, 128>}, {pipeline_mode = #tpu.pipeline_mode<synchronous>, transform_indices = @transform_6, window_bounds = array<i64: 128, 128>}, {pipeline_mode = #tpu.pipeline_mode<synchronous>, transform_indices = @transform_7, window_bounds = array<i64: 1, 128>}, {pipeline_mode = #tpu.pipeline_mode<synchronous>, transform_indices = @transform_8, window_bounds = array<i64: 128, 128>}, {pipeline_mode = #tpu.pipeline_mode<synchronous>, transform_indices = @transform_9, window_bounds = array<i64: 1, 128>}, {pipeline_mode = #tpu.pipeline_mode<synchronous>, transform_indices = @transform_10, window_bounds = array<i64: 128, 128>}, {pipeline_mode = #tpu.pipeline_mode<synchronous>, transform_indices = @transform_11, window_bounds = array<i64: 1, 128>}, {pipeline_mode = #tpu.pipeline_mode<synchronous>, transform_indices = @transform_12, window_bounds = array<i64: 128, 128>}, {pipeline_mode = #tpu.pipeline_mode<synchronous>, transform_indices = @transform_13, window_bounds = array<i64: 1, 128>}, {pipeline_mode = #tpu.pipeline_mode<synchronous>, transform_indices = @transform_14, window_bounds = array<i64: 128, 128>}, {pipeline_mode = #tpu.pipeline_mode<synchronous>, transform_indices = @transform_15, window_bounds = array<i64: 128, 128>}, {pipeline_mode = #tpu.pipeline_mode<synchronous>, transform_indices = @transform_16, window_bounds = array<i64: 1, 128>}, {pipeline_mode = #tpu.pipeline_mode<synchronous>, transform_indices = @transform_17, window_bounds = array<i64: 128, 128>}, {pipeline_mode = #tpu.pipeline_mode<synchronous>, transform_indices = @transform_18, window_bounds = array<i64: 1, 128>}, {pipeline_mode = #tpu.pipeline_mode<synchronous>, transform_indices = @transform_19, window_bounds = array<i64: 1000, 128>}, {pipeline_mode = #tpu.pipeline_mode<synchronous>, transform_indices = @transform_20, window_bounds = array<i64: 1000, 128>}, {pipeline_mode = #tpu.pipeline_mode<synchronous>, transform_indices = @transform_21, window_bounds = array<i64: 1000, 128>}]} {
    %get3A = arith.constant 0 : index
    %get3A_0 = arith.constant 0 : index
    %get3A_1 = vector.load %arg2[%get3A, %get3A_0] : memref<1024x128xf32, #tpu.memory_space<vmem>>, vector<1024x128xf32>
    %slice3A = vector.extract_strided_slice %get3A_1 {offsets = [0, 0], sizes = [1000, 128], strides = [1, 1]} : vector<1024x128xf32> to vector<1000x128xf32>
    %get3A_2 = arith.constant 0 : index
    %get3A_3 = arith.constant 0 : index
    %get3A_4 = vector.load %arg3[%get3A_2, %get3A_3] : memref<1024x128xf32, #tpu.memory_space<vmem>>, vector<1024x128xf32>
    %slice3A_5 = vector.extract_strided_slice %get3A_4 {offsets = [0, 0], sizes = [1000, 1], strides = [1, 1]} : vector<1024x128xf32> to vector<1000x1xf32>
    %max3A = arith.constant 1.000000e+00 : f32
    %max3A_6 = vector.broadcast %max3A : f32 to vector<1000x1xf32>
    %max3A_7 = arith.maximumf %slice3A_5, %max3A_6 : vector<1000x1xf32>
    %div3A = vector.broadcast %max3A_7 : vector<1000x1xf32> to vector<1000x128xf32>
    %div3A_8 = arith.divf %slice3A, %div3A : vector<1000x128xf32>
    %get3A_9 = arith.constant 0 : index
    %get3A_10 = arith.constant 0 : index
    %get3A_11 = vector.load %arg4[%get3A_9, %get3A_10] : memref<1024x128xf32, #tpu.memory_space<vmem>>, vector<1024x128xf32>
    %slice3A_12 = vector.extract_strided_slice %get3A_11 {offsets = [0, 0], sizes = [1000, 128], strides = [1, 1]} : vector<1024x128xf32> to vector<1000x128xf32>
    %get3A_13 = arith.constant 0 : index
    %get3A_14 = arith.constant 0 : index
    %get3A_15 = vector.load %arg5[%get3A_13, %get3A_14] : memref<1024x128xf32, #tpu.memory_space<vmem>>, vector<1024x128xf32>
    %slice3A_16 = vector.extract_strided_slice %get3A_15 {offsets = [0, 0], sizes = [1000, 1], strides = [1, 1]} : vector<1024x128xf32> to vector<1000x1xf32>
    %max3A_17 = arith.constant 1.000000e+00 : f32
    %max3A_18 = vector.broadcast %max3A_17 : f32 to vector<1000x1xf32>
    %max3A_19 = arith.maximumf %slice3A_16, %max3A_18 : vector<1000x1xf32>
    %div3A_20 = vector.broadcast %max3A_19 : vector<1000x1xf32> to vector<1000x128xf32>
    %div3A_21 = arith.divf %slice3A_12, %div3A_20 : vector<1000x128xf32>
    %get3A_22 = arith.constant 0 : index
    %get3A_23 = arith.constant 0 : index
    %get3A_24 = vector.load %arg1[%get3A_22, %get3A_23] : memref<1000x128xf32, #tpu.memory_space<vmem>>, vector<1000x128xf32>
    %get3A_25 = arith.constant 0 : index
    %get3A_26 = arith.constant 0 : index
    %get3A_27 = vector.load %arg6[%get3A_25, %get3A_26] : memref<128x128xf32, #tpu.memory_space<vmem>>, vector<128x128xf32>
    %dot_general3A = arith.constant dense<0.000000e+00> : vector<1000x128xf32>
    %dot_general3A_28 = tpu.matmul %get3A_24, %get3A_27, %dot_general3A {dimension_numbers = #tpu.dot_dimension_numbers<[1], [0], [0], [1], [0, 0, 1, 1], [], []>, transpose_lhs_hint = false} : vector<1000x128xf32>, vector<128x128xf32>, vector<1000x128xf32> -> vector<1000x128xf32>
    %get3A_29 = arith.constant 0 : index
    %get3A_30 = arith.constant 0 : index
    %get3A_31 = vector.load %arg7[%get3A_29, %get3A_30] : memref<128x128xf32, #tpu.memory_space<vmem>>, vector<128x128xf32>
    %dot_general3A_32 = arith.constant dense<0.000000e+00> : vector<1000x128xf32>
    %dot_general3A_33 = tpu.matmul %div3A_8, %get3A_31, %dot_general3A_32 {dimension_numbers = #tpu.dot_dimension_numbers<[1], [0], [0], [1], [0, 0, 1, 1], [], []>, transpose_lhs_hint = false} : vector<1000x128xf32>, vector<128x128xf32>, vector<1000x128xf32> -> vector<1000x128xf32>
    %add3A = arith.addf %dot_general3A_28, %dot_general3A_33 : vector<1000x128xf32>
    %get3A_34 = arith.constant 0 : index
    %get3A_35 = arith.constant 0 : index
    %get3A_36 = vector.load %arg8[%get3A_34, %get3A_35] : memref<1x128xf32, #tpu.memory_space<vmem>>, vector<1x128xf32>
    %add3A_37 = vector.broadcast %get3A_36 : vector<1x128xf32> to vector<1000x128xf32>
    %add3A_38 = arith.addf %add3A, %add3A_37 : vector<1000x128xf32>
    %max3A_39 = arith.constant 0.000000e+00 : f32
    %max3A_40 = vector.broadcast %max3A_39 : f32 to vector<1000x128xf32>
    %max3A_41 = arith.maximumf %add3A_38, %max3A_40 : vector<1000x128xf32>
    %get3A_42 = arith.constant 0 : index
    %get3A_43 = arith.constant 0 : index
    %get3A_44 = vector.load %arg9[%get3A_42, %get3A_43] : memref<128x128xf32, #tpu.memory_space<vmem>>, vector<128x128xf32>
    %dot_general3A_45 = arith.constant dense<0.000000e+00> : vector<1000x128xf32>
    %dot_general3A_46 = tpu.matmul %max3A_41, %get3A_44, %dot_general3A_45 {dimension_numbers = #tpu.dot_dimension_numbers<[1], [0], [0], [1], [0, 0, 1, 1], [], []>, transpose_lhs_hint = false} : vector<1000x128xf32>, vector<128x128xf32>, vector<1000x128xf32> -> vector<1000x128xf32>
    %get3A_47 = arith.constant 0 : index
    %get3A_48 = arith.constant 0 : index
    %get3A_49 = vector.load %arg10[%get3A_47, %get3A_48] : memref<1x128xf32, #tpu.memory_space<vmem>>, vector<1x128xf32>
    %add3A_50 = vector.broadcast %get3A_49 : vector<1x128xf32> to vector<1000x128xf32>
    %add3A_51 = arith.addf %dot_general3A_46, %add3A_50 : vector<1000x128xf32>
    %swap3A = arith.constant 0 : index
    %swap3A_52 = arith.constant 0 : index
    %swap3A_53 = vector.load %arg20[%swap3A, %swap3A_52] : memref<1000x128xf32, #tpu.memory_space<vmem>>, vector<1000x128xf32>
    tpu.vector_store %arg20[%swap3A, %swap3A_52], %add3A_51 {strides = array<i32>} : memref<1000x128xf32, #tpu.memory_space<vmem>>, vector<1000x128xf32>,
    %get3A_54 = arith.constant 0 : index
    %get3A_55 = arith.constant 0 : index
    %get3A_56 = vector.load %arg11[%get3A_54, %get3A_55] : memref<128x128xf32, #tpu.memory_space<vmem>>, vector<128x128xf32>
    %dot_general3A_57 = arith.constant dense<0.000000e+00> : vector<1000x128xf32>
    %dot_general3A_58 = tpu.matmul %add3A_51, %get3A_56, %dot_general3A_57 {dimension_numbers = #tpu.dot_dimension_numbers<[1], [0], [0], [1], [0, 0, 1, 1], [], []>, transpose_lhs_hint = false} : vector<1000x128xf32>, vector<128x128xf32>, vector<1000x128xf32> -> vector<1000x128xf32>
    %get3A_59 = arith.constant 0 : index
    %get3A_60 = arith.constant 0 : index
    %get3A_61 = vector.load %arg12[%get3A_59, %get3A_60] : memref<1x128xf32, #tpu.memory_space<vmem>>, vector<1x128xf32>
    %add3A_62 = vector.broadcast %get3A_61 : vector<1x128xf32> to vector<1000x128xf32>
    %add3A_63 = arith.addf %dot_general3A_58, %add3A_62 : vector<1000x128xf32>
    %max3A_64 = arith.constant 0.000000e+00 : f32
    %max3A_65 = vector.broadcast %max3A_64 : f32 to vector<1000x128xf32>
    %max3A_66 = arith.maximumf %add3A_63, %max3A_65 : vector<1000x128xf32>
    %get3A_67 = arith.constant 0 : index
    %get3A_68 = arith.constant 0 : index
    %get3A_69 = vector.load %arg13[%get3A_67, %get3A_68] : memref<128x128xf32, #tpu.memory_space<vmem>>, vector<128x128xf32>
    %dot_general3A_70 = arith.constant dense<0.000000e+00> : vector<1000x128xf32>
    %dot_general3A_71 = tpu.matmul %max3A_66, %get3A_69, %dot_general3A_70 {dimension_numbers = #tpu.dot_dimension_numbers<[1], [0], [0], [1], [0, 0, 1, 1], [], []>, transpose_lhs_hint = false} : vector<1000x128xf32>, vector<128x128xf32>, vector<1000x128xf32> -> vector<1000x128xf32>
    %get3A_72 = arith.constant 0 : index
    %get3A_73 = arith.constant 0 : index
    %get3A_74 = vector.load %arg14[%get3A_72, %get3A_73] : memref<1x128xf32, #tpu.memory_space<vmem>>, vector<1x128xf32>
    %add3A_75 = vector.broadcast %get3A_74 : vector<1x128xf32> to vector<1000x128xf32>
    %add3A_76 = arith.addf %dot_general3A_71, %add3A_75 : vector<1000x128xf32>
    %swap3A_77 = arith.constant 0 : index
    %swap3A_78 = arith.constant 0 : index
    %swap3A_79 = vector.load %arg21[%swap3A_77, %swap3A_78] : memref<1000x128xf32, #tpu.memory_space<vmem>>, vector<1000x128xf32>
    tpu.vector_store %arg21[%swap3A_77, %swap3A_78], %add3A_76 {strides = array<i32>} : memref<1000x128xf32, #tpu.memory_space<vmem>>, vector<1000x128xf32>,
    %get3A_80 = arith.constant 0 : index
    %get3A_81 = arith.constant 0 : index
    %get3A_82 = vector.load %arg15[%get3A_80, %get3A_81] : memref<128x128xf32, #tpu.memory_space<vmem>>, vector<128x128xf32>
    %dot_general3A_83 = arith.constant dense<0.000000e+00> : vector<1000x128xf32>
    %dot_general3A_84 = tpu.matmul %add3A_51, %get3A_82, %dot_general3A_83 {dimension_numbers = #tpu.dot_dimension_numbers<[1], [0], [0], [1], [0, 0, 1, 1], [], []>, transpose_lhs_hint = false} : vector<1000x128xf32>, vector<128x128xf32>, vector<1000x128xf32> -> vector<1000x128xf32>
    %get3A_85 = arith.constant 0 : index
    %get3A_86 = arith.constant 0 : index
    %get3A_87 = vector.load %arg16[%get3A_85, %get3A_86] : memref<128x128xf32, #tpu.memory_space<vmem>>, vector<128x128xf32>
    %dot_general3A_88 = arith.constant dense<0.000000e+00> : vector<1000x128xf32>
    %dot_general3A_89 = tpu.matmul %div3A_21, %get3A_87, %dot_general3A_88 {dimension_numbers = #tpu.dot_dimension_numbers<[1], [0], [0], [1], [0, 0, 1, 1], [], []>, transpose_lhs_hint = false} : vector<1000x128xf32>, vector<128x128xf32>, vector<1000x128xf32> -> vector<1000x128xf32>
    %add3A_90 = arith.addf %dot_general3A_84, %dot_general3A_89 : vector<1000x128xf32>
    %get3A_91 = arith.constant 0 : index
    %get3A_92 = arith.constant 0 : index
    %get3A_93 = vector.load %arg17[%get3A_91, %get3A_92] : memref<1x128xf32, #tpu.memory_space<vmem>>, vector<1x128xf32>
    %add3A_94 = vector.broadcast %get3A_93 : vector<1x128xf32> to vector<1000x128xf32>
    %add3A_95 = arith.addf %add3A_90, %add3A_94 : vector<1000x128xf32>
    %max3A_96 = arith.constant 0.000000e+00 : f32
    %max3A_97 = vector.broadcast %max3A_96 : f32 to vector<1000x128xf32>
    %max3A_98 = arith.maximumf %add3A_95, %max3A_97 : vector<1000x128xf32>
    %get3A_99 = arith.constant 0 : index
    %get3A_100 = arith.constant 0 : index
    %get3A_101 = vector.load %arg18[%get3A_99, %get3A_100] : memref<128x128xf32, #tpu.memory_space<vmem>>, vector<128x128xf32>
    %dot_general3A_102 = arith.constant dense<0.000000e+00> : vector<1000x128xf32>
    %dot_general3A_103 = tpu.matmul %max3A_98, %get3A_101, %dot_general3A_102 {dimension_numbers = #tpu.dot_dimension_numbers<[1], [0], [0], [1], [0, 0, 1, 1], [], []>, transpose_lhs_hint = false} : vector<1000x128xf32>, vector<128x128xf32>, vector<1000x128xf32> -> vector<1000x128xf32>
    %get3A_104 = arith.constant 0 : index
    %get3A_105 = arith.constant 0 : index
    %get3A_106 = vector.load %arg19[%get3A_104, %get3A_105] : memref<1x128xf32, #tpu.memory_space<vmem>>, vector<1x128xf32>
    %add3A_107 = vector.broadcast %get3A_106 : vector<1x128xf32> to vector<1000x128xf32>
    %add3A_108 = arith.addf %dot_general3A_103, %add3A_107 : vector<1000x128xf32>
    %swap3A_109 = arith.constant 0 : index
    %swap3A_110 = arith.constant 0 : index
    %swap3A_111 = vector.load %arg22[%swap3A_109, %swap3A_110] : memref<1000x128xf32, #tpu.memory_space<vmem>>, vector<1000x128xf32>
    tpu.vector_store %arg22[%swap3A_109, %swap3A_110], %add3A_108 {strides = array<i32>} : memref<1000x128xf32, #tpu.memory_space<vmem>>, vector<1000x128xf32>,
    return
  }
  func.func @transform_0(%arg0: i32) -> (i32, i32) {
    %c0_i32 = arith.constant 0 : i32
    %c0_i32_0 = arith.constant 0 : i32
    %c0_i32_1 = arith.constant 0 : i32
    return %c0_i32, %c0_i32_0 : i32, i32
  }
  func.func @transform_1(%arg0: i32) -> (i32, i32) {
    %c0_i32 = arith.constant 0 : i32
    %c0_i32_0 = arith.constant 0 : i32
    %c0_i32_1 = arith.constant 0 : i32
    return %c0_i32, %c0_i32_0 : i32, i32
  }
  func.func @transform_2(%arg0: i32) -> (i32, i32) {
    %c0_i32 = arith.constant 0 : i32
    %c0_i32_0 = arith.constant 0 : i32
    %c0_i32_1 = arith.constant 0 : i32
    return %c0_i32, %c0_i32_0 : i32, i32
  }
  func.func @transform_3(%arg0: i32) -> (i32, i32) {
    %c0_i32 = arith.constant 0 : i32
    %c0_i32_0 = arith.constant 0 : i32
    %c0_i32_1 = arith.constant 0 : i32
    return %c0_i32, %c0_i32_0 : i32, i32
  }
  func.func @transform_4(%arg0: i32) -> (i32, i32) {
    %c0_i32 = arith.constant 0 : i32
    %c0_i32_0 = arith.constant 0 : i32
    %c0_i32_1 = arith.constant 0 : i32
    return %c0_i32, %c0_i32_0 : i32, i32
  }
  func.func @transform_5(%arg0: i32) -> (i32, i32) {
    %c0_i32 = arith.constant 0 : i32
    %c0_i32_0 = arith.constant 0 : i32
    %c0_i32_1 = arith.constant 0 : i32
    return %c0_i32, %c0_i32_0 : i32, i32
  }
  func.func @transform_6(%arg0: i32) -> (i32, i32) {
    %c0_i32 = arith.constant 0 : i32
    %c0_i32_0 = arith.constant 0 : i32
    %c0_i32_1 = arith.constant 0 : i32
    return %c0_i32, %c0_i32_0 : i32, i32
  }
  func.func @transform_7(%arg0: i32) -> (i32, i32) {
    %c0_i32 = arith.constant 0 : i32
    %c0_i32_0 = arith.constant 0 : i32
    %c0_i32_1 = arith.constant 0 : i32
    return %c0_i32, %c0_i32_0 : i32, i32
  }
  func.func @transform_8(%arg0: i32) -> (i32, i32) {
    %c0_i32 = arith.constant 0 : i32
    %c0_i32_0 = arith.constant 0 : i32
    %c0_i32_1 = arith.constant 0 : i32
    return %c0_i32, %c0_i32_0 : i32, i32
  }
  func.func @transform_9(%arg0: i32) -> (i32, i32) {
    %c0_i32 = arith.constant 0 : i32
    %c0_i32_0 = arith.constant 0 : i32
    %c0_i32_1 = arith.constant 0 : i32
    return %c0_i32, %c0_i32_0 : i32, i32
  }
  func.func @transform_10(%arg0: i32) -> (i32, i32) {
    %c0_i32 = arith.constant 0 : i32
    %c0_i32_0 = arith.constant 0 : i32
    %c0_i32_1 = arith.constant 0 : i32
    return %c0_i32, %c0_i32_0 : i32, i32
  }
  func.func @transform_11(%arg0: i32) -> (i32, i32) {
    %c0_i32 = arith.constant 0 : i32
    %c0_i32_0 = arith.constant 0 : i32
    %c0_i32_1 = arith.constant 0 : i32
    return %c0_i32, %c0_i32_0 : i32, i32
  }
  func.func @transform_12(%arg0: i32) -> (i32, i32) {
    %c0_i32 = arith.constant 0 : i32
    %c0_i32_0 = arith.constant 0 : i32
    %c0_i32_1 = arith.constant 0 : i32
    return %c0_i32, %c0_i32_0 : i32, i32
  }
  func.func @transform_13(%arg0: i32) -> (i32, i32) {
    %c0_i32 = arith.constant 0 : i32
    %c0_i32_0 = arith.constant 0 : i32
    %c0_i32_1 = arith.constant 0 : i32
    return %c0_i32, %c0_i32_0 : i32, i32
  }
  func.func @transform_14(%arg0: i32) -> (i32, i32) {
    %c0_i32 = arith.constant 0 : i32
    %c0_i32_0 = arith.constant 0 : i32
    %c0_i32_1 = arith.constant 0 : i32
    return %c0_i32, %c0_i32_0 : i32, i32
  }
  func.func @transform_15(%arg0: i32) -> (i32, i32) {
    %c0_i32 = arith.constant 0 : i32
    %c0_i32_0 = arith.constant 0 : i32
    %c0_i32_1 = arith.constant 0 : i32
    return %c0_i32, %c0_i32_0 : i32, i32
  }
  func.func @transform_16(%arg0: i32) -> (i32, i32) {
    %c0_i32 = arith.constant 0 : i32
    %c0_i32_0 = arith.constant 0 : i32
    %c0_i32_1 = arith.constant 0 : i32
    return %c0_i32, %c0_i32_0 : i32, i32
  }
  func.func @transform_17(%arg0: i32) -> (i32, i32) {
    %c0_i32 = arith.constant 0 : i32
    %c0_i32_0 = arith.constant 0 : i32
    %c0_i32_1 = arith.constant 0 : i32
    return %c0_i32, %c0_i32_0 : i32, i32
  }
  func.func @transform_18(%arg0: i32) -> (i32, i32) {
    %c0_i32 = arith.constant 0 : i32
    %c0_i32_0 = arith.constant 0 : i32
    %c0_i32_1 = arith.constant 0 : i32
    return %c0_i32, %c0_i32_0 : i32, i32
  }
  func.func @transform_19(%arg0: i32) -> (i32, i32) {
    %c0_i32 = arith.constant 0 : i32
    %c0_i32_0 = arith.constant 0 : i32
    %c0_i32_1 = arith.constant 0 : i32
    return %c0_i32, %c0_i32_0 : i32, i32
  }
  func.func @transform_20(%arg0: i32) -> (i32, i32) {
    %c0_i32 = arith.constant 0 : i32
    %c0_i32_0 = arith.constant 0 : i32
    %c0_i32_1 = arith.constant 0 : i32
    return %c0_i32, %c0_i32_0 : i32, i32
  }
  func.func @transform_21(%arg0: i32) -> (i32, i32) {
    %c0_i32 = arith.constant 0 : i32
    %c0_i32_0 = arith.constant 0 : i32
    %c0_i32_1 = arith.constant 0 : i32
    return %c0_i32, %c0_i32_0 : i32, i32
  }
}

module attributes {stable_mosaic.version = 14 : i64} {
  func.func @_concat2_body(%arg0: i32, %arg1: memref<2000x128xf32, #tpu.memory_space<vmem>>, %arg2: memref<2000x128xf32, #tpu.memory_space<vmem>>, %arg3: memref<128x128xbf16, #tpu.memory_space<vmem>>, %arg4: memref<128x128xbf16, #tpu.memory_space<vmem>>, %arg5: memref<1x128xf32, #tpu.memory_space<vmem>>, %arg6: memref<128x128xbf16, #tpu.memory_space<vmem>>, %arg7: memref<1x128xf32, #tpu.memory_space<vmem>>, %arg8: memref<2000x128xf32, #tpu.memory_space<vmem>>) attributes {dimension_semantics = [#tpu.dimension_semantics<arbitrary>], iteration_bounds = array<i64: 25>, scalar_prefetch = 0 : i64, scratch_operands = 0 : i64, tpu.core_type = #tpu.core_type<tc>, window_params = [{transform_indices = @transform_0, window_bounds = array<i64: 2000, 128>}, {transform_indices = @transform_1, window_bounds = array<i64: 2000, 128>}, {pipeline_mode = #tpu.pipeline_mode<synchronous>, transform_indices = @transform_2, window_bounds = array<i64: 128, 128>}, {pipeline_mode = #tpu.pipeline_mode<synchronous>, transform_indices = @transform_3, window_bounds = array<i64: 128, 128>}, {pipeline_mode = #tpu.pipeline_mode<synchronous>, transform_indices = @transform_4, window_bounds = array<i64: 1, 128>}, {pipeline_mode = #tpu.pipeline_mode<synchronous>, transform_indices = @transform_5, window_bounds = array<i64: 128, 128>}, {pipeline_mode = #tpu.pipeline_mode<synchronous>, transform_indices = @transform_6, window_bounds = array<i64: 1, 128>}, {transform_indices = @transform_7, window_bounds = array<i64: 2000, 128>}]} {
    %get3A = arith.constant 0 : index
    %get3A_0 = arith.constant 0 : index
    %get3A_1 = vector.load %arg1[%get3A, %get3A_0] : memref<2000x128xf32, #tpu.memory_space<vmem>>, vector<2000x128xf32>
    %get3A_2 = arith.constant 0 : index
    %get3A_3 = arith.constant 0 : index
    %get3A_4 = vector.load %arg3[%get3A_2, %get3A_3] : memref<128x128xbf16, #tpu.memory_space<vmem>>, vector<128x128xbf16>
    %convert_element_type3A = arith.truncf %get3A_1 : vector<2000x128xf32> to vector<2000x128xbf16>
    %dot_general3A = arith.constant dense<0.000000e+00> : vector<2000x128xf32>
    %dot_general3A_5 = tpu.matmul %convert_element_type3A, %get3A_4, %dot_general3A {dimension_numbers = #tpu.dot_dimension_numbers<[1], [0], [0], [1], [0, 0, 1, 1], [], []>, transpose_lhs_hint = false} : vector<2000x128xbf16>, vector<128x128xbf16>, vector<2000x128xf32> -> vector<2000x128xf32>
    %get3A_6 = arith.constant 0 : index
    %get3A_7 = arith.constant 0 : index
    %get3A_8 = vector.load %arg2[%get3A_6, %get3A_7] : memref<2000x128xf32, #tpu.memory_space<vmem>>, vector<2000x128xf32>
    %get3A_9 = arith.constant 0 : index
    %get3A_10 = arith.constant 0 : index
    %get3A_11 = vector.load %arg4[%get3A_9, %get3A_10] : memref<128x128xbf16, #tpu.memory_space<vmem>>, vector<128x128xbf16>
    %convert_element_type3A_12 = arith.truncf %get3A_8 : vector<2000x128xf32> to vector<2000x128xbf16>
    %dot_general3A_13 = arith.constant dense<0.000000e+00> : vector<2000x128xf32>
    %dot_general3A_14 = tpu.matmul %convert_element_type3A_12, %get3A_11, %dot_general3A_13 {dimension_numbers = #tpu.dot_dimension_numbers<[1], [0], [0], [1], [0, 0, 1, 1], [], []>, transpose_lhs_hint = false} : vector<2000x128xbf16>, vector<128x128xbf16>, vector<2000x128xf32> -> vector<2000x128xf32>
    %add3A = arith.addf %dot_general3A_5, %dot_general3A_14 : vector<2000x128xf32>
    %get3A_15 = arith.constant 0 : index
    %get3A_16 = arith.constant 0 : index
    %get3A_17 = vector.load %arg5[%get3A_15, %get3A_16] : memref<1x128xf32, #tpu.memory_space<vmem>>, vector<1x128xf32>
    %add3A_18 = vector.broadcast %get3A_17 : vector<1x128xf32> to vector<2000x128xf32>
    %add3A_19 = arith.addf %add3A, %add3A_18 : vector<2000x128xf32>
    %max3A = arith.constant 0.000000e+00 : f32
    %max3A_20 = vector.broadcast %max3A : f32 to vector<2000x128xf32>
    %max3A_21 = arith.maximumf %add3A_19, %max3A_20 : vector<2000x128xf32>
    %get3A_22 = arith.constant 0 : index
    %get3A_23 = arith.constant 0 : index
    %get3A_24 = vector.load %arg6[%get3A_22, %get3A_23] : memref<128x128xbf16, #tpu.memory_space<vmem>>, vector<128x128xbf16>
    %convert_element_type3A_25 = arith.truncf %max3A_21 : vector<2000x128xf32> to vector<2000x128xbf16>
    %dot_general3A_26 = arith.constant dense<0.000000e+00> : vector<2000x128xf32>
    %dot_general3A_27 = tpu.matmul %convert_element_type3A_25, %get3A_24, %dot_general3A_26 {dimension_numbers = #tpu.dot_dimension_numbers<[1], [0], [0], [1], [0, 0, 1, 1], [], []>, transpose_lhs_hint = false} : vector<2000x128xbf16>, vector<128x128xbf16>, vector<2000x128xf32> -> vector<2000x128xf32>
    %get3A_28 = arith.constant 0 : index
    %get3A_29 = arith.constant 0 : index
    %get3A_30 = vector.load %arg7[%get3A_28, %get3A_29] : memref<1x128xf32, #tpu.memory_space<vmem>>, vector<1x128xf32>
    %add3A_31 = vector.broadcast %get3A_30 : vector<1x128xf32> to vector<2000x128xf32>
    %add3A_32 = arith.addf %dot_general3A_27, %add3A_31 : vector<2000x128xf32>
    %swap3A = arith.constant 0 : index
    %swap3A_33 = arith.constant 0 : index
    %swap3A_34 = vector.load %arg8[%swap3A, %swap3A_33] : memref<2000x128xf32, #tpu.memory_space<vmem>>, vector<2000x128xf32>
    tpu.vector_store %arg8[%swap3A, %swap3A_33], %add3A_32 {strides = array<i32>} : memref<2000x128xf32, #tpu.memory_space<vmem>>, vector<2000x128xf32>,
    return
  }
  func.func @transform_0(%arg0: i32) -> (i32, i32) {
    %c0_i32 = arith.constant 0 : i32
    %c0_i32_0 = arith.constant 0 : i32
    return %arg0, %c0_i32 : i32, i32
  }
  func.func @transform_1(%arg0: i32) -> (i32, i32) {
    %c0_i32 = arith.constant 0 : i32
    %c0_i32_0 = arith.constant 0 : i32
    return %arg0, %c0_i32 : i32, i32
  }
  func.func @transform_2(%arg0: i32) -> (i32, i32) {
    %c0_i32 = arith.constant 0 : i32
    %c0_i32_0 = arith.constant 0 : i32
    %c0_i32_1 = arith.constant 0 : i32
    return %c0_i32, %c0_i32_0 : i32, i32
  }
  func.func @transform_3(%arg0: i32) -> (i32, i32) {
    %c0_i32 = arith.constant 0 : i32
    %c0_i32_0 = arith.constant 0 : i32
    %c0_i32_1 = arith.constant 0 : i32
    return %c0_i32, %c0_i32_0 : i32, i32
  }
  func.func @transform_4(%arg0: i32) -> (i32, i32) {
    %c0_i32 = arith.constant 0 : i32
    %c0_i32_0 = arith.constant 0 : i32
    %c0_i32_1 = arith.constant 0 : i32
    return %c0_i32, %c0_i32_0 : i32, i32
  }
  func.func @transform_5(%arg0: i32) -> (i32, i32) {
    %c0_i32 = arith.constant 0 : i32
    %c0_i32_0 = arith.constant 0 : i32
    %c0_i32_1 = arith.constant 0 : i32
    return %c0_i32, %c0_i32_0 : i32, i32
  }
  func.func @transform_6(%arg0: i32) -> (i32, i32) {
    %c0_i32 = arith.constant 0 : i32
    %c0_i32_0 = arith.constant 0 : i32
    %c0_i32_1 = arith.constant 0 : i32
    return %c0_i32, %c0_i32_0 : i32, i32
  }
  func.func @transform_7(%arg0: i32) -> (i32, i32) {
    %c0_i32 = arith.constant 0 : i32
    %c0_i32_0 = arith.constant 0 : i32
    return %arg0, %c0_i32 : i32, i32
  }
}

</mosaic_0001>

<sc_bundles>
// kernel: kernel.15.cloned.1.call-start
scs
__scs_entry_jumppad:
0x0: {  	(pc) =	sbr.rel $0x88, $3  }
0x1: {  	(tag) =	ssettag $0x0;
	lr =	simm.s32 $0x1  }
0x2: {  	[smem:$0x3F63] =	sst lr;
	_ =	strace $0xD0000000  }
0x3: {  	_ = 	snop  }
0x4: {  	_ = 	snop  }
0x5: {  	_ = 	snop  }
0x6: {  	_ = 	snop  }
0x7: {  	_ = 	snop  }
__scs_overlays_trampoline_lowered:
0x8: {  	[smem:$0x3F72] =	sst s0  }
0x9: {  	[smem:$0x3F73] =	sst s1  }
0xa: {  	[smem:$0x3F74] =	sst s2  }
0xb: {  	[smem:$0x3F75] =	sst s3  }
0xc: {  	[smem:$0x3F76] =	sst s4  }
0xd: {  	[smem:$0x3F77] =	sst s5  }
0xe: {  	[smem:$0x3F78] =	sst s6  }
0xf: {  	[smem:$0x3F79] =	sst s7  }
0x10: {  	[smem:$0x3F7A] =	sst s8  }
0x11: {  	[smem:$0x3F7B] =	sst s9;
	s0 =	simm.s32 @!p0 $0x0  }
0x12: {  	s1 =	sld [smem:$0x3F61];
	s0 =	simm.s32 @p0 $0x1  }
0x13: {  	[smem:$0x3F7C] =	sst s0;
	s0 =	simm.s32 @!p1 $0x0  }
0x14: {  	s2 =	sld [smem:$0x3F60];
	s0 =	simm.s32 @p1 $0x1  }
0x15: {  	[smem:$0x3F7D] =	sst s0;
	s0 =	simm.s32 @!p2 $0x0  }
0x16: {  	s3 =	sld [smem:$0x3FDB];
	s0 =	simm.s32 @p2 $0x1  }
0x17: {  	s4 =	simm.s32 $0x1BF5;
	[smem:$0x3F7F] =	sst s0  }
0x18: {  	s0 =	sld [smem:$0x3F62];
	_ =	swait.ge [sflag:s4], $0x0  }
0x19: {  	s7 =	sld [smem:$0x3F63]  }
0x1a: {  	s8 =	sadd.s32 $0xFFFFE003, lr  }
0x1b: {  	s9 =	sadd.s32 $0xFFFFFEF7, lr;
	s5 =	simm.s32 $0xFFFFFFFF;
	p2 =	slt.u32 s8, $0xFFFFF086  }
0x1c: {  	p1 =	slt.u32 s9, $0xF7A;
	s5 =	simm.s32 @!p2 $0x0  }
0x1d: {  	s5 =	simm.s32 @p1 $0x1;
	p0 =	seq.s32 s7, s2  }
0x1e: {  	s7 =	smul.u32 @!p0 $0xF7A, s2;
	p2 =	seq.s32 @!p0 s5, $0x0  }
0x1f: {  	s9 =	smul.u32 $0xF7A, s1;
	s8 =	simm.s32 @!p0 $0x1BF5;
	p2 =	por !p2, p0  }
0x20: {  	[sflag:s8] =	ssyncset.s32 @!p0 $0xFFFFF086;
	s6 =	sadd.s32 @!p0 s3, s7;
	s7 =	simm.s32 @!p0 $0x108  }
0x21: {  	s3 =	sadd.s32 s3, s9;
	s6 =	sadd.s32 @!p0 $0x88, s6;
	s7 =	simm.s32 @p2 $0x1082  }
0x22: {  	[simem:s7], [sflag:s8] =	dma.local @!p0 [hbm:s6], $0xF7A  }
0x23: {  	s9 =	sor.u32 $0xD0000000, s2;
	s6 =	simm.s32 $0x108;
	_ =	swait.ge @!p0 [sflag:s8], $0x0  }
0x24: {  	s3 =	sadd.s32 $0x88, s3;
	s6 =	simm.s32 @!p1 $0x1082;
	[sflag:s4] =	ssyncset.s32 $0xFFFFF086  }
0x25: {  	[simem:s6], [sflag:s4] =	dma.local [hbm:s3], $0xF7A  }
0x26: {  	[smem:$0x3F63] =	sst s1;
	(tag) =	ssettag s2;
	_ =	strace s9  }
0x27: {  	s1 =	sld [smem:$0x3F73]  }
0x28: {  	s2 =	sld [smem:$0x3F74]  }
0x29: {  	s4 =	sld [smem:$0x3F76]  }
0x2a: {  	p0 =	seq.s32 s5, $0x0;
	s5 =	sld [smem:$0x3F77]  }
0x2b: {  	s6 =	sld [smem:$0x3F78]  }
0x2c: {  	s7 =	sld [smem:$0x3F79]  }
0x2d: {  	s3 =	simm.s32 $0x108;
	s8 =	sld [smem:$0x3F7A]  }
0x2e: {  	s3 =	simm.s32 @!p0 $0x1082;
	s9 =	sld [smem:$0x3F7B]  }
0x2f: {  	lr =	sadd.s32 s0, s3;
	s0 =	sld [smem:$0x3F72]  }
0x30: {  	s3 =	sld [smem:$0x3F75]  }
0x31: {  	[smem:$0x3F7E] =	sst s10  }
0x32: {  	s10 =	sld [smem:$0x3F7C];
	_ =	sdelay $0x3  }
0x33: {  	p0 =	seq.s32 s10, $0x1;
	s10 =	sld [smem:$0x3F7E];
	_ =	sdelay $0x3  }
0x34: {  	[smem:$0x3F7E] =	sst s10  }
0x35: {  	s10 =	sld [smem:$0x3F7D];
	_ =	sdelay $0x3  }
0x36: {  	p1 =	seq.s32 s10, $0x1;
	s10 =	sld [smem:$0x3F7E];
	_ =	sdelay $0x3  }
0x37: {  	[smem:$0x3F7E] =	sst s10  }
0x38: {  	s10 =	sld [smem:$0x3F7F]  }
0x39: {  	_ = 	snop;
	(pc) =	sbr.ind lr, $3  }
0x3a: {  	_ = 	snop  }
0x3b: {  	_ = 	snop  }
0x3c: {  	p2 =	seq.s32 s10, $0x1;
	s10 =	sld [smem:$0x3F7E]  }
0x3d: {  	_ =	shalt  }
0x3e: {  	_ =	shalt  }
0x3f: {  	_ =	shalt  }
0x40: {  	_ =	shalt  }
0x41: {  	_ =	shalt  }
0x42: {  	_ =	shalt  }
0x43: {  	_ =	shalt  }
0x44: {  	_ =	shalt  }
0x45: {  	_ =	shalt  }
0x46: {  	_ =	shalt  }
0x47: {  	_ =	shalt  }
0x48: {  	_ =	shalt  }
0x49: {  	_ =	shalt  }
0x4a: {  	_ =	shalt  }
0x4b: {  	_ =	shalt  }
0x4c: {  	_ =	shalt  }
0x4d: {  	_ =	shalt  }
0x4e: {  	_ =	shalt  }
0x4f: {  	_ =	shalt  }
0x50: {  	_ =	shalt  }
0x51: {  	_ =	shalt  }
0x52: {  	_ =	shalt  }
0x53: {  	_ =	shalt  }
0x54: {  	_ =	shalt  }
0x55: {  	_ =	shalt  }
0x56: {  	_ =	shalt  }
0x57: {  	_ =	shalt  }
0x58: {  	_ =	shalt  }
0x59: {  	_ =	shalt  }
0x5a: {  	_ =	shalt  }
0x5b: {  	_ =	shalt  }
0x5c: {  	_ =	shalt  }
0x5d: {  	_ =	shalt  }
0x5e: {  	_ =	shalt  }
0x5f: {  	_ =	shalt  }
0x60: {  	_ =	shalt  }
0x61: {  	_ =	shalt  }
0x62: {  	_ =	shalt  }
0x63: {  	_ =	shalt  }
0x64: {  	_ =	shalt  }
0x65: {  	_ =	shalt  }
0x66: {  	_ =	shalt  }
0x67: {  	_ =	shalt  }
0x68: {  	_ =	shalt  }
0x69: {  	_ =	shalt  }
0x6a: {  	_ =	shalt  }
0x6b: {  	_ =	shalt  }
0x6c: {  	_ =	shalt  }
0x6d: {  	_ =	shalt  }
0x6e: {  	_ =	shalt  }
0x6f: {  	_ =	shalt  }
0x70: {  	_ =	shalt  }
0x71: {  	_ =	shalt  }
0x72: {  	_ =	shalt  }
0x73: {  	_ =	shalt  }
0x74: {  	_ =	shalt  }
0x75: {  	_ =	shalt  }
0x76: {  	_ =	shalt  }
0x77: {  	_ =	shalt  }
0x78: {  	_ =	shalt  }
0x79: {  	_ =	shalt  }
0x7a: {  	_ =	shalt  }
0x7b: {  	_ =	shalt  }
0x7c: {  	_ =	shalt  }
0x7d: {  	_ =	shalt  }
0x7e: {  	_ =	shalt  }
0x7f: {  	_ =	shalt  }
0x80: {  	_ =	shalt  }
0x81: {  	_ =	shalt  }
0x82: {  	_ =	shalt  }
0x83: {  	_ =	shalt  }
0x84: {  	_ =	shalt  }
0x85: {  	_ =	shalt  }
0x86: {  	_ =	shalt  }
0x87: {  	_ =	shalt  }
.Lfunc_end0:
.L_simem_size_0:
called_computation_lowered:
.L_overlay_start_0:
0x88: {  	s2 =	sld [smem:$0x3FD9]  }
0x89: {  	s3 =	sld [smem:$0x3FFE];
	_ =	sdelay $0x1  }
0x8a: {  	s1 =	srdreg.scid  }
0x8b: {  	s0 =	sand.u32 $0x1, s1  }
0x8c: {  	s15 =	sshll.u32 s0, $0xA;
	s2 =	sadd.s32 s3, s2  }
0x8d: {  	s2 =	sadd.s32 s2, s15  }
0x8e: {  	[smem:$0x3F8A] =	sst s2  }
0x8f: {  	_ = 	snop  }
0x90: {  	s2 =	sld [smem:$0x3FD0];
	_ =	sdelay $0x2  }
0x91: {  	s4 =	simm.s32 $0xC;
	s16 =	simm.s32 $0x10  }
0x92: {  	[smem:s16], [sflag:s4] =	dma.local [hbm:s2], $0x1  }
0x93: {  	_ =	swait.eq [sflag:s4], $0x1  }
0x94: {  	[sflag:s4] =	ssyncset.done $0x0  }
0x95: {  	s17 =	sld [smem:$0x10];
	[sflag:s4] =	ssyncadd.s32 $0xFFFFFFFF  }
0x96: {  	s18 =	sld [smem:$0x13];
	(tm) =	ssettm $0x1  }
0x97: {  	s19 =	sld [smem:$0x3FFB];
	_ =	sdelay $0x3  }
0x98: {  	_ =	strace s19  }
0x99: {  	s2 =	sld [smem:$0x3FFC];
	_ =	sdelay $0x3  }
0x9a: {  	_ =	strace s2  }
0x9b: {  	s2 =	sld [smem:$0x3FFD];
	_ =	sdelay $0x3  }
0x9c: {  	_ =	strace s2  }
0x9d: {  	_ =	strace $0x8FFFFFFF  }
0x9e: {  	s20 =	sld [smem:$0x3FDB];
	_ =	sdelay $0x1  }
0x9f: {  	s5 =	simm.s32 $_scs_section_size  }
0xa0: {  	s6 =	simm.s32 $_size__tile_overlayer_lowered;
	s7 =	simm.s32 $_tile_overlayer_lowered  }
0xa1: {  	s8 =	simm.s32 $0x1BFF;
	s21 =	sshll.u32 s7, $0x1;
	s5 =	sadd.s32 s5, s20  }
0xa2: {  	s22 =	simm.s32 $0x0;
	s6 =	sshll.u32 s6, $0x1;
	s7 =	sadd.s32 s21, s5  }
0xa3: {  	[timem:s22], [sflag:s8] =	dma.local [hbm:s7], s6  }
0xa4: {  	_ =	swait.ge [sflag:s8], s6  }
0xa5: {  	s6 =	ssub.s32 $0x0, s6;
	[sflag:s8] =	ssyncset.done $0x0  }
0xa6: {  	[sflag:s8] =	ssyncadd.s32 s6;
	_ =	sdelay $0x1  }
0xa7: {  	s23 =	simm.s32 $0x1B8B  }
0xa8: {  	_ =	swait.ge [sflag:s23], $0x1  }
0xa9: {  	[sflag:s23] =	ssyncset.done $0x0  }
0xaa: {  	[sflag:s23] =	ssyncadd.s32 $0xFFFFFFFF  }
0xab: {  	s6 =	sld [smem:$0x0]  }
0xac: {  	s7 =	sand.u32 $0xFFFFFFFE, s1  }
0xad: {  	p0 =	sne.s32 s1, s7  }
0xae: {  	s7 =	sshll.u32 @p0 s7, $0xE  }
0xaf: {  	s7 =	sadd.s32 @p0 $0x11B8D, s7;
	s8 =	sshll.u32 @p0 s6, $0x11  }
0xb0: {  	s7 =	sor.u32 @p0 s8, s7  }
0xb1: {  	[sflag:s7] =	ssyncadd.remote.s32 @p0 $0x1;
	_ =	sdelay $0x1  }
0xb2: {  	s7 =	simm.s32 @p0 $0x1B8D  }
0xb3: {  	_ =	swait.eq @p0 [sflag:s7], $0x1  }
0xb4: {  	[sflag:s7] =	ssyncadd.s32 @p0 $0xFFFFFFFF  }
0xb5: {  	s8 =	sshll.u32 @!p0 s1, $0xE  }
0xb6: {  	s8 =	sor.u32 @!p0 $0x4000, s8;
	s7 =	simm.s32 @!p0 $0x1B8D  }
0xb7: {  	s6 =	sshll.u32 @!p0 s6, $0x11;
	s8 =	sadd.s32 @!p0 $0x11B8D, s8;
	_ =	swait.eq @!p0 [sflag:s7], $0x1  }
0xb8: {  	s6 =	sor.u32 @!p0 s6, s8;
	[sflag:s7] =	ssyncadd.s32 @!p0 $0xFFFFFFFF  }
0xb9: {  	s25 =	simm.s32 $0x1B8E;
	s24 =	sld [smem:$0x3FFE];
	[sflag:s6] =	ssyncadd.remote.s32 @!p0 $0x1  }
0xba: {  	s26 =	simm.s32 $execute0_lowered;
	[smem:$0x3FD2] =	sst s25  }
0xbb: {  	s7 =	sshll.u32 s26, $0x1;
	_ =	strace $0x8000004C;
	[dreg:$0x1] =	wrdreg $0xFFFFFFFF  }
0xbc: {  	s28 =	simm.s32 $_size_execute0_lowered;
	s5 =	sadd.s32 s5, s7;
	[dreg:$0x0] =	wrdreg $0x0  }
0xbd: {  	s7 =	sshll.u32 s28, $0x1;
	[dreg:$0x2] =	wrdreg s5  }
0xbe: {  	[dreg:$0x3] =	wrdreg s7  }
0xbf: {  	[dreg:$0x4] =	wrdreg $0xC0  }
0xc0: {  	_ =	task [dreg:s22], $0x5FFFF  }
0xc1: {  	[dreg:$0x1] =	wrdreg $0xFFFFFFFF  }
0xc2: {  	[dreg:$0x0] =	wrdreg $0x60  }
0xc3: {  	[dreg:$0x2] =	wrdreg s17  }
0xc4: {  	[dreg:$0x3] =	wrdreg s18  }
0xc5: {  	[dreg:$0x4] =	wrdreg s24  }
0xc6: {  	[dreg:$0x5] =	wrdreg $0x9  }
0xc7: {  	_ =	task.clear_ibuf [dreg:s22], $0x6FFFF;
	_ =	strace $0x9000004C  }
0xc8: {  	s29 =	simm.s32 $0x9;
	_ =	strace $0x8000004E  }
0xc9: {  	_ =	swait.ge [sflag:s29], $0x1  }
0xca: {  	[sflag:s29] =	ssyncadd.s32 $0xFFFFFFFF  }
0xcb: {  	_ =	strace $0x9000004E  }
0xcc: {  	_ =	sfence  }
0xcd: {  	s30 =	sld [smem:$0x0];
	_ =	sdelay $0x2  }
0xce: {  	s31 =	sshll.u32 s1, $0xD;
	s1 =	sshrl.u32 s1, $0x2  }
0xcf: {  	s4 =	sand.u32 $0x4000, s31;
	s1 =	sadd.s32 s1, s30  }
0xd0: {  	s0 =	sor.u32 s4, s0;
	s1 =	sshll.u32 s1, $0x11  }
0xd1: {  	s0 =	sor.u32 s1, s0  }
0xd2: {  	s0 =	sadd.s32 $0x8F2B, s0  }
0xd3: {  	[sflag:s0] =	ssyncadd.remote.s32 $0x1  }
0xd4: {  	_ =	sfence.sel $0xFFFF  }
0xd5: {  	[dreg:$0x0] =	wrdreg $0xFFFFFFFF;
	(pc) =	sbr.abs _section_cstart, $3  }
0xd6: {  	[dreg:$0x1] =	wrdreg $0xFFFFFFFF  }
0xd7: {  	_ =	task.clear_ibuf [dreg:s22], $0x2FFFF;
	_ =	strace $0x9FFFFFFF  }
0xd8: {  	(tm) =	ssettm $0x7FFFFFFF  }
0xd9: {  	_ =	shalt  }
tec
execute0_lowered:
.L_overlay_start_1:
0x0: {  	(tag) =	ssettag $0x1  }
0x1: {  	s2 =	rddreg [dreg:$0x0]  }
0x2: {  	s5 =	rddreg [dreg:$0x1]  }
0x3: {  	s4 =	rddreg [dreg:$0x2]  }
0x4: {  	s0 =	rddreg [dreg:$0x3];
	s1 =	stileid.u32  }
0x5: {  	s6 =	srdreg.scid;
	s7 =	smul.u32 $0x4B00, s1  }
0x6: {  	s3 =	simm.s32 $0x0;
	s6 =	sand.u32 $0x1, s6;
	s10 =	smul.u32 $0x96, s1  }
0x7: {  	[smem:$0x7FF] =	sst s3;
	s9 =	smul.u32 $0x2580, s6  }
0x8: {  	s8 =	ssub.s32 $0x2, s6;
	_ =	strace $0x8000004D;
	s29 =	smul.u32 $0x4B, s6  }
0x9: {  	s4 =	sadd.s32 s7, s4;
	s28 =	sshrl.u32 s8, $0x1;
	s31 =	sadd.s32 s10, s5  }
0xa: {  	s7 =	ssub.s32 s8, s28;
	s30 =	sadd.s32 s9, s4;
	s4 =	sshll.u32 s1, $0x1  }
0xb: {  	s5 =	smax.u32 s7, $0x1;
	s6 =	sadd.s32 $0x625C00, s30;
	s7 =	sadd.s32 s29, s31  }
.LBB2_1:
0xc: {  	s8 =	sadd.s32 $0x0, s4  }
0xd: {  	p0 =	sgt.u32 s8, $0x1F3  }
0xe: {  	s8 =	simm.s32 @!p0 $0x0;
	s9 =	simm.s32 @!p0 $0x3  }
0xf: {  	[tilespmem:s8], [sflag:$0x3] =	stream.linear.gather @!p0 [hbm4b:s7+s8], $0x258, $0x38;
	[tilespmem:$0x12E80] =	vst v63  }
0x10: {  	_ =	swait.ge @!p0 [sflag:s9], $0x258  }
0x11: {  	s10 =	simm.s32 @!p0 $0x1;
	[sflag:s9] =	ssyncset.done @!p0 $0x0  }
0x12: {  	s12 =	simm.s32 @!p0 $0x280;
	[sflag:s9] =	ssyncadd.s32 @!p0 $0xFFFFFDA8;
	s9 =	simm.s32 @!p0 $0x258  }
0x13: {  	[tilespmem:s12], [sflag:$0x1] =	stream.indirect.gather @!p0 [hbm4b:s2+s9], $0x80, s8, s9, $0xb8;
	[tilespmem:$0x12E80] =	vst v63  }
0x14: {  	p1 =	por p0, p0;
	_ =	swait.ge @!p0 [sflag:s10], $0x12C00  }
0x15: {  	[sflag:s10] =	ssyncset.done @!p1 $0x0  }
0x16: {  	s31 =	sadd.s32 $0x20, s4;
	s11 =	simm.s32 @!p1 $0x2;
	[sflag:s10] =	ssyncadd.s32 @!p1 $0xFFFED400  }
0x17: {  	[hbm4b:s6+s8] =	stream.linear.scatter @!p1 [tilespmem:s12], [sflag:$0x2], $0x12C00, $0x38;
	[tilespmem:$0x12E80] =	vst v63  }
0x18: {  	s9 =	simm.s32 $0x40;
	p0 =	sgt.u32 s31, $0x1F3;
	_ =	swait.ge @!p1 [sflag:s11], $0x12C00  }
0x19: {  	s10 =	sadd.s32 $0x960, s7;
	s8 =	sadd.s32 $0x4B000, s6;
	[sflag:s11] =	ssyncset.done @!p1 $0x0  }
.LBB2_2:
0x1a: {  	s12 =	simm.s32 @!p0 $0x0;
	s13 =	simm.s32 @!p0 $0x3;
	[sflag:s11] =	ssyncadd.s32 @!p1 $0xFFFED400  }
0x1b: {  	[tilespmem:s12], [sflag:$0x3] =	stream.linear.gather @!p0 [hbm4b:s10+s12], $0x258, $0x38;
	[tilespmem:$0x12E80] =	vst v63  }
0x1c: {  	s14 =	smov.u32 s9;
	s9 =	sadd.s32 $0x20, s9;
	_ =	swait.ge @!p0 [sflag:s13], $0x258  }
0x1d: {  	s11 =	simm.s32 @!p0 $0x1;
	p2 =	sne.s32 s9, $0x200;
	[sflag:s13] =	ssyncset.done @!p0 $0x0  }
0x1e: {  	s15 =	simm.s32 @!p0 $0x280;
	[sflag:s13] =	ssyncadd.s32 @!p0 $0xFFFFFDA8;
	s13 =	simm.s32 @!p0 $0x258  }
0x1f: {  	[tilespmem:s15], [sflag:$0x1] =	stream.indirect.gather @!p0 [hbm4b:s2+s13], $0x80, s12, s13, $0xb8;
	[tilespmem:$0x12E80] =	vst v63  }
0x20: {  	p1 =	por p0, p0;
	_ =	swait.ge @!p0 [sflag:s11], $0x12C00  }
.Ltmp0:
0x21: {  	[sflag:s11] =	ssyncset.done @!p1 $0x0;
	(pc) =	sbr.rel @p2 .LBB2_2-.Ltmp0, $4  }
0x22: {  	[sflag:s11] =	ssyncadd.s32 @!p1 $0xFFFED400;
	s11 =	simm.s32 @!p1 $0x2  }
0x23: {  	[hbm4b:s8+s12] =	stream.linear.scatter @!p1 [tilespmem:s15], [sflag:$0x2], $0x12C00, $0x38;
	[tilespmem:$0x12E80] =	vst v63  }
0x24: {  	s10 =	sadd.s32 $0x960, s10;
	s12 =	sadd.s32 s14, s4;
	_ =	swait.ge @!p1 [sflag:s11], $0x12C00  }
0x25: {  	s8 =	sadd.s32 $0x4B000, s8;
	p0 =	sgt.u32 s12, $0x1F3;
	[sflag:s11] =	ssyncset.done @!p1 $0x0  }
0x26: {  	s9 =	simm.s32 @!p0 $0x0;
	s12 =	simm.s32 @!p0 $0x3;
	[sflag:s11] =	ssyncadd.s32 @!p1 $0xFFFED400  }
0x27: {  	[tilespmem:s9], [sflag:$0x3] =	stream.linear.gather @!p0 [hbm4b:s10+s9], $0x258, $0x38;
	[tilespmem:$0x12E80] =	vst v63  }
0x28: {  	_ =	swait.ge @!p0 [sflag:s12], $0x258  }
0x29: {  	s11 =	simm.s32 @!p0 $0x258;
	[sflag:s12] =	ssyncset.done @!p0 $0x0  }
0x2a: {  	s10 =	simm.s32 @!p0 $0x1;
	[sflag:s12] =	ssyncadd.s32 @!p0 $0xFFFFFDA8;
	s12 =	simm.s32 @!p0 $0x280  }
0x2b: {  	[tilespmem:s12], [sflag:$0x1] =	stream.indirect.gather @!p0 [hbm4b:s2+s11], $0x80, s9, s11, $0xb8;
	[tilespmem:$0x12E80] =	vst v63  }
0x2c: {  	s3 =	sadd.s32 $0x1, s3;
	_ =	swait.ge @!p0 [sflag:s10], $0x12C00;
	p0 =	por p0, p0  }
0x2d: {  	p1 =	sne.s32 s3, s5;
	[sflag:s10] =	ssyncset.done @!p0 $0x0  }
.Ltmp1:
0x2e: {  	[sflag:s10] =	ssyncadd.s32 @!p0 $0xFFFED400;
	s10 =	simm.s32 @!p0 $0x2;
	(pc) =	sbr.rel @p1 .LBB2_1-.Ltmp1, $4  }
0x2f: {  	[hbm4b:s8+s9] =	stream.linear.scatter @!p0 [tilespmem:s12], [sflag:$0x2], $0x12C00, $0x38;
	[tilespmem:$0x12E80] =	vst v63  }
0x30: {  	_ =	swait.ge @!p0 [sflag:s10], $0x12C00  }
0x31: {  	[sflag:s10] =	ssyncset.done @!p0 $0x0  }
0x32: {  	[sflag:s10] =	ssyncadd.s32 @!p0 $0xFFFED400  }
0x33: {  	_ =	sfence.sel $0x180000  }
0x34: {  	[bflag:$0x0] =	sbarrier.arrive $0xFFFF  }
0x35: {  	p0 =	sne.s32 s1, $0x0;
	_ =	strace $0x9000004D  }
0x36: {  	s0 =	sadd.s32 @!p0 $0x100000, s0;
	[bflag:$0x2] =	sbarrier.arrive $0xFFFF  }
0x37: {  	[sflag:s0] =	ssyncadd.tile.s32 @!p0 $0x1;
	_ =	shalt  }
.Lfunc_end2:
_tile_overlayer_lowered:
.L_overlay_start_2:
0x38: {  	(tag) =	ssettag $0x2  }
0x39: {  	s0 =	rddreg [dreg:$0x0];
	s2 =	stileid.u32  }
0x3a: {  	s1 =	rddreg [dreg:$0x1];
	p0 =	sne.s32 s2, $0x0  }
0x3b: {  	s3 =	rddreg [dreg:$0x2];
	[bflag:$0x3] =	sbarrier.arrive $0xFFFF;
	s2 =	simm.s32 @!p0 $0x1C02  }
0x3c: {  	[timem:s3], [sflag:s2] =	dma.local @!p0 [hbm:s0], s1  }
0x3d: {  	s0 =	simm.s32 @!p0 $0x2  }
0x3e: {  	_ =	swait.ge @!p0 [sflag:s0], s1  }
0x3f: {  	s1 =	ssub.s32 @!p0 $0x0, s1;
	[sflag:s0] =	ssyncset.done @!p0 $0x0  }
0x40: {  	[sflag:s0] =	ssyncadd.s32 @!p0 s1  }
0x41: {  	[bflag:$0x3] =	sbarrier.arrive $0xFFFF  }
0x42: {  	_ =	shalt  }

// kernel: kernel.18.cloned.1.call-start
scs
__scs_entry_jumppad:
0x0: {  	(pc) =	sbr.rel $0x88, $3  }
0x1: {  	(tag) =	ssettag $0x0;
	lr =	simm.s32 $0x1  }
0x2: {  	[smem:$0x3F63] =	sst lr;
	_ =	strace $0xD0000000  }
0x3: {  	_ = 	snop  }
0x4: {  	_ = 	snop  }
0x5: {  	_ = 	snop  }
0x6: {  	_ = 	snop  }
0x7: {  	_ = 	snop  }
__scs_overlays_trampoline_lowered:
0x8: {  	[smem:$0x3F72] =	sst s0  }
0x9: {  	[smem:$0x3F73] =	sst s1  }
0xa: {  	[smem:$0x3F74] =	sst s2  }
0xb: {  	[smem:$0x3F75] =	sst s3  }
0xc: {  	[smem:$0x3F76] =	sst s4  }
0xd: {  	[smem:$0x3F77] =	sst s5  }
0xe: {  	[smem:$0x3F78] =	sst s6  }
0xf: {  	[smem:$0x3F79] =	sst s7  }
0x10: {  	[smem:$0x3F7A] =	sst s8  }
0x11: {  	[smem:$0x3F7B] =	sst s9;
	s0 =	simm.s32 @!p0 $0x0  }
0x12: {  	s1 =	sld [smem:$0x3F61];
	s0 =	simm.s32 @p0 $0x1  }
0x13: {  	[smem:$0x3F7C] =	sst s0;
	s0 =	simm.s32 @!p1 $0x0  }
0x14: {  	s2 =	sld [smem:$0x3F60];
	s0 =	simm.s32 @p1 $0x1  }
0x15: {  	[smem:$0x3F7D] =	sst s0;
	s0 =	simm.s32 @!p2 $0x0  }
0x16: {  	s3 =	sld [smem:$0x3FDB];
	s0 =	simm.s32 @p2 $0x1  }
0x17: {  	s4 =	simm.s32 $0x1BF5;
	[smem:$0x3F7F] =	sst s0  }
0x18: {  	s0 =	sld [smem:$0x3F62];
	_ =	swait.ge [sflag:s4], $0x0  }
0x19: {  	s7 =	sld [smem:$0x3F63]  }
0x1a: {  	s8 =	sadd.s32 $0xFFFFE003, lr  }
0x1b: {  	s9 =	sadd.s32 $0xFFFFFEF7, lr;
	s5 =	simm.s32 $0xFFFFFFFF;
	p2 =	slt.u32 s8, $0xFFFFF086  }
0x1c: {  	p1 =	slt.u32 s9, $0xF7A;
	s5 =	simm.s32 @!p2 $0x0  }
0x1d: {  	s5 =	simm.s32 @p1 $0x1;
	p0 =	seq.s32 s7, s2  }
0x1e: {  	s7 =	smul.u32 @!p0 $0xF7A, s2;
	p2 =	seq.s32 @!p0 s5, $0x0  }
0x1f: {  	s9 =	smul.u32 $0xF7A, s1;
	s8 =	simm.s32 @!p0 $0x1BF5;
	p2 =	por !p2, p0  }
0x20: {  	[sflag:s8] =	ssyncset.s32 @!p0 $0xFFFFF086;
	s6 =	sadd.s32 @!p0 s3, s7;
	s7 =	simm.s32 @!p0 $0x108  }
0x21: {  	s3 =	sadd.s32 s3, s9;
	s6 =	sadd.s32 @!p0 $0x88, s6;
	s7 =	simm.s32 @p2 $0x1082  }
0x22: {  	[simem:s7], [sflag:s8] =	dma.local @!p0 [hbm:s6], $0xF7A  }
0x23: {  	s9 =	sor.u32 $0xD0000000, s2;
	s6 =	simm.s32 $0x108;
	_ =	swait.ge @!p0 [sflag:s8], $0x0  }
0x24: {  	s3 =	sadd.s32 $0x88, s3;
	s6 =	simm.s32 @!p1 $0x1082;
	[sflag:s4] =	ssyncset.s32 $0xFFFFF086  }
0x25: {  	[simem:s6], [sflag:s4] =	dma.local [hbm:s3], $0xF7A  }
0x26: {  	[smem:$0x3F63] =	sst s1;
	(tag) =	ssettag s2;
	_ =	strace s9  }
0x27: {  	s1 =	sld [smem:$0x3F73]  }
0x28: {  	s2 =	sld [smem:$0x3F74]  }
0x29: {  	s4 =	sld [smem:$0x3F76]  }
0x2a: {  	p0 =	seq.s32 s5, $0x0;
	s5 =	sld [smem:$0x3F77]  }
0x2b: {  	s6 =	sld [smem:$0x3F78]  }
0x2c: {  	s7 =	sld [smem:$0x3F79]  }
0x2d: {  	s3 =	simm.s32 $0x108;
	s8 =	sld [smem:$0x3F7A]  }
0x2e: {  	s3 =	simm.s32 @!p0 $0x1082;
	s9 =	sld [smem:$0x3F7B]  }
0x2f: {  	lr =	sadd.s32 s0, s3;
	s0 =	sld [smem:$0x3F72]  }
0x30: {  	s3 =	sld [smem:$0x3F75]  }
0x31: {  	[smem:$0x3F7E] =	sst s10  }
0x32: {  	s10 =	sld [smem:$0x3F7C];
	_ =	sdelay $0x3  }
0x33: {  	p0 =	seq.s32 s10, $0x1;
	s10 =	sld [smem:$0x3F7E];
	_ =	sdelay $0x3  }
0x34: {  	[smem:$0x3F7E] =	sst s10  }
0x35: {  	s10 =	sld [smem:$0x3F7D];
	_ =	sdelay $0x3  }
0x36: {  	p1 =	seq.s32 s10, $0x1;
	s10 =	sld [smem:$0x3F7E];
	_ =	sdelay $0x3  }
0x37: {  	[smem:$0x3F7E] =	sst s10  }
0x38: {  	s10 =	sld [smem:$0x3F7F]  }
0x39: {  	_ = 	snop;
	(pc) =	sbr.ind lr, $3  }
0x3a: {  	_ = 	snop  }
0x3b: {  	_ = 	snop  }
0x3c: {  	p2 =	seq.s32 s10, $0x1;
	s10 =	sld [smem:$0x3F7E]  }
0x3d: {  	_ =	shalt  }
0x3e: {  	_ =	shalt  }
0x3f: {  	_ =	shalt  }
0x40: {  	_ =	shalt  }
0x41: {  	_ =	shalt  }
0x42: {  	_ =	shalt  }
0x43: {  	_ =	shalt  }
0x44: {  	_ =	shalt  }
0x45: {  	_ =	shalt  }
0x46: {  	_ =	shalt  }
0x47: {  	_ =	shalt  }
0x48: {  	_ =	shalt  }
0x49: {  	_ =	shalt  }
0x4a: {  	_ =	shalt  }
0x4b: {  	_ =	shalt  }
0x4c: {  	_ =	shalt  }
0x4d: {  	_ =	shalt  }
0x4e: {  	_ =	shalt  }
0x4f: {  	_ =	shalt  }
0x50: {  	_ =	shalt  }
0x51: {  	_ =	shalt  }
0x52: {  	_ =	shalt  }
0x53: {  	_ =	shalt  }
0x54: {  	_ =	shalt  }
0x55: {  	_ =	shalt  }
0x56: {  	_ =	shalt  }
0x57: {  	_ =	shalt  }
0x58: {  	_ =	shalt  }
0x59: {  	_ =	shalt  }
0x5a: {  	_ =	shalt  }
0x5b: {  	_ =	shalt  }
0x5c: {  	_ =	shalt  }
0x5d: {  	_ =	shalt  }
0x5e: {  	_ =	shalt  }
0x5f: {  	_ =	shalt  }
0x60: {  	_ =	shalt  }
0x61: {  	_ =	shalt  }
0x62: {  	_ =	shalt  }
0x63: {  	_ =	shalt  }
0x64: {  	_ =	shalt  }
0x65: {  	_ =	shalt  }
0x66: {  	_ =	shalt  }
0x67: {  	_ =	shalt  }
0x68: {  	_ =	shalt  }
0x69: {  	_ =	shalt  }
0x6a: {  	_ =	shalt  }
0x6b: {  	_ =	shalt  }
0x6c: {  	_ =	shalt  }
0x6d: {  	_ =	shalt  }
0x6e: {  	_ =	shalt  }
0x6f: {  	_ =	shalt  }
0x70: {  	_ =	shalt  }
0x71: {  	_ =	shalt  }
0x72: {  	_ =	shalt  }
0x73: {  	_ =	shalt  }
0x74: {  	_ =	shalt  }
0x75: {  	_ =	shalt  }
0x76: {  	_ =	shalt  }
0x77: {  	_ =	shalt  }
0x78: {  	_ =	shalt  }
0x79: {  	_ =	shalt  }
0x7a: {  	_ =	shalt  }
0x7b: {  	_ =	shalt  }
0x7c: {  	_ =	shalt  }
0x7d: {  	_ =	shalt  }
0x7e: {  	_ =	shalt  }
0x7f: {  	_ =	shalt  }
0x80: {  	_ =	shalt  }
0x81: {  	_ =	shalt  }
0x82: {  	_ =	shalt  }
0x83: {  	_ =	shalt  }
0x84: {  	_ =	shalt  }
0x85: {  	_ =	shalt  }
0x86: {  	_ =	shalt  }
0x87: {  	_ =	shalt  }
.Lfunc_end0:
.L_simem_size_0:
called_computation.1_lowered:
.L_overlay_start_0:
0x88: {  	s2 =	sld [smem:$0x3FD9]  }
0x89: {  	s3 =	sld [smem:$0x3FFE];
	_ =	sdelay $0x1  }
0x8a: {  	s1 =	srdreg.scid  }
0x8b: {  	s0 =	sand.u32 $0x1, s1  }
0x8c: {  	s15 =	sshll.u32 s0, $0xA;
	s2 =	sadd.s32 s3, s2  }
0x8d: {  	s2 =	sadd.s32 s2, s15  }
0x8e: {  	[smem:$0x3F8A] =	sst s2  }
0x8f: {  	_ = 	snop  }
0x90: {  	s2 =	sld [smem:$0x3FD0];
	_ =	sdelay $0x2  }
0x91: {  	s4 =	simm.s32 $0xC;
	s16 =	simm.s32 $0x10  }
0x92: {  	[smem:s16], [sflag:s4] =	dma.local [hbm:s2], $0x1  }
0x93: {  	_ =	swait.eq [sflag:s4], $0x1  }
0x94: {  	[sflag:s4] =	ssyncset.done $0x0  }
0x95: {  	s17 =	sld [smem:$0x11];
	[sflag:s4] =	ssyncadd.s32 $0xFFFFFFFF  }
0x96: {  	s18 =	sld [smem:$0x14];
	(tm) =	ssettm $0x1  }
0x97: {  	s19 =	sld [smem:$0x3FFB];
	_ =	sdelay $0x3  }
0x98: {  	_ =	strace s19  }
0x99: {  	s2 =	sld [smem:$0x3FFC];
	_ =	sdelay $0x3  }
0x9a: {  	_ =	strace s2  }
0x9b: {  	s2 =	sld [smem:$0x3FFD];
	_ =	sdelay $0x3  }
0x9c: {  	_ =	strace s2  }
0x9d: {  	_ =	strace $0x8FFFFFFF  }
0x9e: {  	s20 =	sld [smem:$0x3FDB];
	_ =	sdelay $0x1  }
0x9f: {  	s5 =	simm.s32 $_scs_section_size  }
0xa0: {  	s6 =	simm.s32 $_size__tile_overlayer_lowered;
	s7 =	simm.s32 $_tile_overlayer_lowered  }
0xa1: {  	s8 =	simm.s32 $0x1BFF;
	s21 =	sshll.u32 s7, $0x1;
	s5 =	sadd.s32 s5, s20  }
0xa2: {  	s22 =	simm.s32 $0x0;
	s6 =	sshll.u32 s6, $0x1;
	s7 =	sadd.s32 s21, s5  }
0xa3: {  	[timem:s22], [sflag:s8] =	dma.local [hbm:s7], s6  }
0xa4: {  	_ =	swait.ge [sflag:s8], s6  }
0xa5: {  	s6 =	ssub.s32 $0x0, s6;
	[sflag:s8] =	ssyncset.done $0x0  }
0xa6: {  	[sflag:s8] =	ssyncadd.s32 s6;
	_ =	sdelay $0x1  }
0xa7: {  	s23 =	simm.s32 $0x1B8B  }
0xa8: {  	_ =	swait.ge [sflag:s23], $0x1  }
0xa9: {  	[sflag:s23] =	ssyncset.done $0x0  }
0xaa: {  	[sflag:s23] =	ssyncadd.s32 $0xFFFFFFFF  }
0xab: {  	s6 =	sld [smem:$0x0]  }
0xac: {  	s7 =	sand.u32 $0xFFFFFFFE, s1  }
0xad: {  	p0 =	sne.s32 s1, s7  }
0xae: {  	s7 =	sshll.u32 @p0 s7, $0xE  }
0xaf: {  	s7 =	sadd.s32 @p0 $0x11B8D, s7;
	s8 =	sshll.u32 @p0 s6, $0x11  }
0xb0: {  	s7 =	sor.u32 @p0 s8, s7  }
0xb1: {  	[sflag:s7] =	ssyncadd.remote.s32 @p0 $0x1;
	_ =	sdelay $0x1  }
0xb2: {  	s7 =	simm.s32 @p0 $0x1B8D  }
0xb3: {  	_ =	swait.eq @p0 [sflag:s7], $0x1  }
0xb4: {  	[sflag:s7] =	ssyncadd.s32 @p0 $0xFFFFFFFF  }
0xb5: {  	s8 =	sshll.u32 @!p0 s1, $0xE  }
0xb6: {  	s8 =	sor.u32 @!p0 $0x4000, s8;
	s7 =	simm.s32 @!p0 $0x1B8D  }
0xb7: {  	s6 =	sshll.u32 @!p0 s6, $0x11;
	s8 =	sadd.s32 @!p0 $0x11B8D, s8;
	_ =	swait.eq @!p0 [sflag:s7], $0x1  }
0xb8: {  	s6 =	sor.u32 @!p0 s6, s8;
	[sflag:s7] =	ssyncadd.s32 @!p0 $0xFFFFFFFF  }
0xb9: {  	s25 =	simm.s32 $0x1B8E;
	s24 =	sld [smem:$0x3FFE];
	[sflag:s6] =	ssyncadd.remote.s32 @!p0 $0x1  }
0xba: {  	s26 =	simm.s32 $execute0_lowered;
	[smem:$0x3FD2] =	sst s25  }
0xbb: {  	s7 =	sshll.u32 s26, $0x1;
	_ =	strace $0x80000049;
	[dreg:$0x1] =	wrdreg $0xFFFFFFFF  }
0xbc: {  	s28 =	simm.s32 $_size_execute0_lowered;
	s5 =	sadd.s32 s5, s7;
	[dreg:$0x0] =	wrdreg $0x0  }
0xbd: {  	s7 =	sshll.u32 s28, $0x1;
	[dreg:$0x2] =	wrdreg s5  }
0xbe: {  	[dreg:$0x3] =	wrdreg s7  }
0xbf: {  	[dreg:$0x4] =	wrdreg $0xC0  }
0xc0: {  	_ =	task [dreg:s22], $0x5FFFF  }
0xc1: {  	[dreg:$0x1] =	wrdreg $0xFFFFFFFF  }
0xc2: {  	[dreg:$0x0] =	wrdreg $0x60  }
0xc3: {  	[dreg:$0x2] =	wrdreg s17  }
0xc4: {  	[dreg:$0x3] =	wrdreg s18  }
0xc5: {  	[dreg:$0x4] =	wrdreg s24  }
0xc6: {  	[dreg:$0x5] =	wrdreg $0xA  }
0xc7: {  	_ =	task.clear_ibuf [dreg:s22], $0x6FFFF;
	_ =	strace $0x90000049  }
0xc8: {  	s29 =	simm.s32 $0xA;
	_ =	strace $0x8000004B  }
0xc9: {  	_ =	swait.ge [sflag:s29], $0x1  }
0xca: {  	[sflag:s29] =	ssyncadd.s32 $0xFFFFFFFF  }
0xcb: {  	_ =	strace $0x9000004B  }
0xcc: {  	_ =	sfence  }
0xcd: {  	s30 =	sld [smem:$0x0];
	_ =	sdelay $0x2  }
0xce: {  	s31 =	sshll.u32 s1, $0xD;
	s1 =	sshrl.u32 s1, $0x2  }
0xcf: {  	s4 =	sand.u32 $0x4000, s31;
	s1 =	sadd.s32 s1, s30  }
0xd0: {  	s0 =	sor.u32 s4, s0;
	s1 =	sshll.u32 s1, $0x11  }
0xd1: {  	s0 =	sor.u32 s1, s0  }
0xd2: {  	s0 =	sadd.s32 $0x8F2B, s0  }
0xd3: {  	[sflag:s0] =	ssyncadd.remote.s32 $0x1  }
0xd4: {  	_ =	sfence.sel $0xFFFF  }
0xd5: {  	[dreg:$0x0] =	wrdreg $0xFFFFFFFF;
	(pc) =	sbr.abs _section_cstart, $3  }
0xd6: {  	[dreg:$0x1] =	wrdreg $0xFFFFFFFF  }
0xd7: {  	_ =	task.clear_ibuf [dreg:s22], $0x2FFFF;
	_ =	strace $0x9FFFFFFF  }
0xd8: {  	(tm) =	ssettm $0x7FFFFFFF  }
0xd9: {  	_ =	shalt  }
tec
execute0_lowered:
.L_overlay_start_1:
0x0: {  	(tag) =	ssettag $0x1  }
0x1: {  	s2 =	rddreg [dreg:$0x0]  }
0x2: {  	s5 =	rddreg [dreg:$0x1]  }
0x3: {  	s4 =	rddreg [dreg:$0x2]  }
0x4: {  	s0 =	rddreg [dreg:$0x3];
	s1 =	stileid.u32  }
0x5: {  	s6 =	srdreg.scid;
	s7 =	smul.u32 $0x4B00, s1  }
0x6: {  	s3 =	simm.s32 $0x0;
	s6 =	sand.u32 $0x1, s6;
	s10 =	smul.u32 $0x96, s1  }
0x7: {  	[smem:$0x7FF] =	sst s3;
	s9 =	smul.u32 $0x2580, s6  }
0x8: {  	s8 =	ssub.s32 $0x2, s6;
	_ =	strace $0x8000004A;
	s29 =	smul.u32 $0x4B, s6  }
0x9: {  	s4 =	sadd.s32 s7, s4;
	s28 =	sshrl.u32 s8, $0x1;
	s31 =	sadd.s32 s10, s5  }
0xa: {  	s7 =	ssub.s32 s8, s28;
	s30 =	sadd.s32 s9, s4;
	s4 =	sshll.u32 s1, $0x1  }
0xb: {  	s5 =	smax.u32 s7, $0x1;
	s6 =	sadd.s32 $0x191E00, s30;
	s7 =	sadd.s32 s29, s31  }
.LBB2_1:
0xc: {  	s8 =	sadd.s32 $0x0, s4  }
0xd: {  	p0 =	sgt.u32 s8, $0x1F3  }
0xe: {  	s8 =	simm.s32 @!p0 $0x0;
	s9 =	simm.s32 @!p0 $0x3  }
0xf: {  	[tilespmem:s8], [sflag:$0x3] =	stream.linear.gather @!p0 [hbm4b:s7+s8], $0x258, $0x38;
	[tilespmem:$0x12E80] =	vst v63  }
0x10: {  	_ =	swait.ge @!p0 [sflag:s9], $0x258  }
0x11: {  	s10 =	simm.s32 @!p0 $0x1;
	[sflag:s9] =	ssyncset.done @!p0 $0x0  }
0x12: {  	s12 =	simm.s32 @!p0 $0x280;
	[sflag:s9] =	ssyncadd.s32 @!p0 $0xFFFFFDA8;
	s9 =	simm.s32 @!p0 $0x258  }
0x13: {  	[tilespmem:s12], [sflag:$0x1] =	stream.indirect.gather @!p0 [hbm4b:s2+s9], $0x80, s8, s9, $0xb8;
	[tilespmem:$0x12E80] =	vst v63  }
0x14: {  	p1 =	por p0, p0;
	_ =	swait.ge @!p0 [sflag:s10], $0x12C00  }
0x15: {  	[sflag:s10] =	ssyncset.done @!p1 $0x0  }
0x16: {  	s31 =	sadd.s32 $0x20, s4;
	s11 =	simm.s32 @!p1 $0x2;
	[sflag:s10] =	ssyncadd.s32 @!p1 $0xFFFED400  }
0x17: {  	[hbm4b:s6+s8] =	stream.linear.scatter @!p1 [tilespmem:s12], [sflag:$0x2], $0x12C00, $0x38;
	[tilespmem:$0x12E80] =	vst v63  }
0x18: {  	s9 =	simm.s32 $0x40;
	p0 =	sgt.u32 s31, $0x1F3;
	_ =	swait.ge @!p1 [sflag:s11], $0x12C00  }
0x19: {  	s10 =	sadd.s32 $0x960, s7;
	s8 =	sadd.s32 $0x4B000, s6;
	[sflag:s11] =	ssyncset.done @!p1 $0x0  }
.LBB2_2:
0x1a: {  	s12 =	simm.s32 @!p0 $0x0;
	s13 =	simm.s32 @!p0 $0x3;
	[sflag:s11] =	ssyncadd.s32 @!p1 $0xFFFED400  }
0x1b: {  	[tilespmem:s12], [sflag:$0x3] =	stream.linear.gather @!p0 [hbm4b:s10+s12], $0x258, $0x38;
	[tilespmem:$0x12E80] =	vst v63  }
0x1c: {  	s14 =	smov.u32 s9;
	s9 =	sadd.s32 $0x20, s9;
	_ =	swait.ge @!p0 [sflag:s13], $0x258  }
0x1d: {  	s11 =	simm.s32 @!p0 $0x1;
	p2 =	sne.s32 s9, $0x200;
	[sflag:s13] =	ssyncset.done @!p0 $0x0  }
0x1e: {  	s15 =	simm.s32 @!p0 $0x280;
	[sflag:s13] =	ssyncadd.s32 @!p0 $0xFFFFFDA8;
	s13 =	simm.s32 @!p0 $0x258  }
0x1f: {  	[tilespmem:s15], [sflag:$0x1] =	stream.indirect.gather @!p0 [hbm4b:s2+s13], $0x80, s12, s13, $0xb8;
	[tilespmem:$0x12E80] =	vst v63  }
0x20: {  	p1 =	por p0, p0;
	_ =	swait.ge @!p0 [sflag:s11], $0x12C00  }
.Ltmp0:
0x21: {  	[sflag:s11] =	ssyncset.done @!p1 $0x0;
	(pc) =	sbr.rel @p2 .LBB2_2-.Ltmp0, $4  }
0x22: {  	[sflag:s11] =	ssyncadd.s32 @!p1 $0xFFFED400;
	s11 =	simm.s32 @!p1 $0x2  }
0x23: {  	[hbm4b:s8+s12] =	stream.linear.scatter @!p1 [tilespmem:s15], [sflag:$0x2], $0x12C00, $0x38;
	[tilespmem:$0x12E80] =	vst v63  }
0x24: {  	s10 =	sadd.s32 $0x960, s10;
	s12 =	sadd.s32 s14, s4;
	_ =	swait.ge @!p1 [sflag:s11], $0x12C00  }
0x25: {  	s8 =	sadd.s32 $0x4B000, s8;
	p0 =	sgt.u32 s12, $0x1F3;
	[sflag:s11] =	ssyncset.done @!p1 $0x0  }
0x26: {  	s9 =	simm.s32 @!p0 $0x0;
	s12 =	simm.s32 @!p0 $0x3;
	[sflag:s11] =	ssyncadd.s32 @!p1 $0xFFFED400  }
0x27: {  	[tilespmem:s9], [sflag:$0x3] =	stream.linear.gather @!p0 [hbm4b:s10+s9], $0x258, $0x38;
	[tilespmem:$0x12E80] =	vst v63  }
0x28: {  	_ =	swait.ge @!p0 [sflag:s12], $0x258  }
0x29: {  	s11 =	simm.s32 @!p0 $0x258;
	[sflag:s12] =	ssyncset.done @!p0 $0x0  }
0x2a: {  	s10 =	simm.s32 @!p0 $0x1;
	[sflag:s12] =	ssyncadd.s32 @!p0 $0xFFFFFDA8;
	s12 =	simm.s32 @!p0 $0x280  }
0x2b: {  	[tilespmem:s12], [sflag:$0x1] =	stream.indirect.gather @!p0 [hbm4b:s2+s11], $0x80, s9, s11, $0xb8;
	[tilespmem:$0x12E80] =	vst v63  }
0x2c: {  	s3 =	sadd.s32 $0x1, s3;
	_ =	swait.ge @!p0 [sflag:s10], $0x12C00;
	p0 =	por p0, p0  }
0x2d: {  	p1 =	sne.s32 s3, s5;
	[sflag:s10] =	ssyncset.done @!p0 $0x0  }
.Ltmp1:
0x2e: {  	[sflag:s10] =	ssyncadd.s32 @!p0 $0xFFFED400;
	s10 =	simm.s32 @!p0 $0x2;
	(pc) =	sbr.rel @p1 .LBB2_1-.Ltmp1, $4  }
0x2f: {  	[hbm4b:s8+s9] =	stream.linear.scatter @!p0 [tilespmem:s12], [sflag:$0x2], $0x12C00, $0x38;
	[tilespmem:$0x12E80] =	vst v63  }
0x30: {  	_ =	swait.ge @!p0 [sflag:s10], $0x12C00  }
0x31: {  	[sflag:s10] =	ssyncset.done @!p0 $0x0  }
0x32: {  	[sflag:s10] =	ssyncadd.s32 @!p0 $0xFFFED400  }
0x33: {  	_ =	sfence.sel $0x180000  }
0x34: {  	[bflag:$0x0] =	sbarrier.arrive $0xFFFF  }
0x35: {  	p0 =	sne.s32 s1, $0x0;
	_ =	strace $0x9000004A  }
0x36: {  	s0 =	sadd.s32 @!p0 $0x100000, s0;
	[bflag:$0x2] =	sbarrier.arrive $0xFFFF  }
0x37: {  	[sflag:s0] =	ssyncadd.tile.s32 @!p0 $0x1;
	_ =	shalt  }
.Lfunc_end2:
_tile_overlayer_lowered:
.L_overlay_start_2:
0x38: {  	(tag) =	ssettag $0x2  }
0x39: {  	s0 =	rddreg [dreg:$0x0];
	s2 =	stileid.u32  }
0x3a: {  	s1 =	rddreg [dreg:$0x1];
	p0 =	sne.s32 s2, $0x0  }
0x3b: {  	s3 =	rddreg [dreg:$0x2];
	[bflag:$0x3] =	sbarrier.arrive $0xFFFF;
	s2 =	simm.s32 @!p0 $0x1C02  }
0x3c: {  	[timem:s3], [sflag:s2] =	dma.local @!p0 [hbm:s0], s1  }
0x3d: {  	s0 =	simm.s32 @!p0 $0x2  }
0x3e: {  	_ =	swait.ge @!p0 [sflag:s0], s1  }
0x3f: {  	s1 =	ssub.s32 @!p0 $0x0, s1;
	[sflag:s0] =	ssyncset.done @!p0 $0x0  }
0x40: {  	[sflag:s0] =	ssyncadd.s32 @!p0 s1  }
0x41: {  	[bflag:$0x3] =	sbarrier.arrive $0xFFFF  }
0x42: {  	_ =	shalt  }

// kernel: kernel.21.cloned.1.call-start
scs
__scs_entry_jumppad:
0x0: {  	(pc) =	sbr.rel $0x88, $3  }
0x1: {  	(tag) =	ssettag $0x0;
	lr =	simm.s32 $0x1  }
0x2: {  	[smem:$0x3F63] =	sst lr;
	_ =	strace $0xD0000000  }
0x3: {  	_ = 	snop  }
0x4: {  	_ = 	snop  }
0x5: {  	_ = 	snop  }
0x6: {  	_ = 	snop  }
0x7: {  	_ = 	snop  }
__scs_overlays_trampoline_lowered:
0x8: {  	[smem:$0x3F72] =	sst s0  }
0x9: {  	[smem:$0x3F73] =	sst s1  }
0xa: {  	[smem:$0x3F74] =	sst s2  }
0xb: {  	[smem:$0x3F75] =	sst s3  }
0xc: {  	[smem:$0x3F76] =	sst s4  }
0xd: {  	[smem:$0x3F77] =	sst s5  }
0xe: {  	[smem:$0x3F78] =	sst s6  }
0xf: {  	[smem:$0x3F79] =	sst s7  }
0x10: {  	[smem:$0x3F7A] =	sst s8  }
0x11: {  	[smem:$0x3F7B] =	sst s9;
	s0 =	simm.s32 @!p0 $0x0  }
0x12: {  	s1 =	sld [smem:$0x3F61];
	s0 =	simm.s32 @p0 $0x1  }
0x13: {  	[smem:$0x3F7C] =	sst s0;
	s0 =	simm.s32 @!p1 $0x0  }
0x14: {  	s2 =	sld [smem:$0x3F60];
	s0 =	simm.s32 @p1 $0x1  }
0x15: {  	[smem:$0x3F7D] =	sst s0;
	s0 =	simm.s32 @!p2 $0x0  }
0x16: {  	s3 =	sld [smem:$0x3FDB];
	s0 =	simm.s32 @p2 $0x1  }
0x17: {  	s4 =	simm.s32 $0x1BF5;
	[smem:$0x3F7F] =	sst s0  }
0x18: {  	s0 =	sld [smem:$0x3F62];
	_ =	swait.ge [sflag:s4], $0x0  }
0x19: {  	s7 =	sld [smem:$0x3F63]  }
0x1a: {  	s8 =	sadd.s32 $0xFFFFE003, lr  }
0x1b: {  	s9 =	sadd.s32 $0xFFFFFEF7, lr;
	s5 =	simm.s32 $0xFFFFFFFF;
	p2 =	slt.u32 s8, $0xFFFFF086  }
0x1c: {  	p1 =	slt.u32 s9, $0xF7A;
	s5 =	simm.s32 @!p2 $0x0  }
0x1d: {  	s5 =	simm.s32 @p1 $0x1;
	p0 =	seq.s32 s7, s2  }
0x1e: {  	s7 =	smul.u32 @!p0 $0xF7A, s2;
	p2 =	seq.s32 @!p0 s5, $0x0  }
0x1f: {  	s9 =	smul.u32 $0xF7A, s1;
	s8 =	simm.s32 @!p0 $0x1BF5;
	p2 =	por !p2, p0  }
0x20: {  	[sflag:s8] =	ssyncset.s32 @!p0 $0xFFFFF086;
	s6 =	sadd.s32 @!p0 s3, s7;
	s7 =	simm.s32 @!p0 $0x108  }
0x21: {  	s3 =	sadd.s32 s3, s9;
	s6 =	sadd.s32 @!p0 $0x88, s6;
	s7 =	simm.s32 @p2 $0x1082  }
0x22: {  	[simem:s7], [sflag:s8] =	dma.local @!p0 [hbm:s6], $0xF7A  }
0x23: {  	s9 =	sor.u32 $0xD0000000, s2;
	s6 =	simm.s32 $0x108;
	_ =	swait.ge @!p0 [sflag:s8], $0x0  }
0x24: {  	s3 =	sadd.s32 $0x88, s3;
	s6 =	simm.s32 @!p1 $0x1082;
	[sflag:s4] =	ssyncset.s32 $0xFFFFF086  }
0x25: {  	[simem:s6], [sflag:s4] =	dma.local [hbm:s3], $0xF7A  }
0x26: {  	[smem:$0x3F63] =	sst s1;
	(tag) =	ssettag s2;
	_ =	strace s9  }
0x27: {  	s1 =	sld [smem:$0x3F73]  }
0x28: {  	s2 =	sld [smem:$0x3F74]  }
0x29: {  	s4 =	sld [smem:$0x3F76]  }
0x2a: {  	p0 =	seq.s32 s5, $0x0;
	s5 =	sld [smem:$0x3F77]  }
0x2b: {  	s6 =	sld [smem:$0x3F78]  }
0x2c: {  	s7 =	sld [smem:$0x3F79]  }
0x2d: {  	s3 =	simm.s32 $0x108;
	s8 =	sld [smem:$0x3F7A]  }
0x2e: {  	s3 =	simm.s32 @!p0 $0x1082;
	s9 =	sld [smem:$0x3F7B]  }
0x2f: {  	lr =	sadd.s32 s0, s3;
	s0 =	sld [smem:$0x3F72]  }
0x30: {  	s3 =	sld [smem:$0x3F75]  }
0x31: {  	[smem:$0x3F7E] =	sst s10  }
0x32: {  	s10 =	sld [smem:$0x3F7C];
	_ =	sdelay $0x3  }
0x33: {  	p0 =	seq.s32 s10, $0x1;
	s10 =	sld [smem:$0x3F7E];
	_ =	sdelay $0x3  }
0x34: {  	[smem:$0x3F7E] =	sst s10  }
0x35: {  	s10 =	sld [smem:$0x3F7D];
	_ =	sdelay $0x3  }
0x36: {  	p1 =	seq.s32 s10, $0x1;
	s10 =	sld [smem:$0x3F7E];
	_ =	sdelay $0x3  }
0x37: {  	[smem:$0x3F7E] =	sst s10  }
0x38: {  	s10 =	sld [smem:$0x3F7F]  }
0x39: {  	_ = 	snop;
	(pc) =	sbr.ind lr, $3  }
0x3a: {  	_ = 	snop  }
0x3b: {  	_ = 	snop  }
0x3c: {  	p2 =	seq.s32 s10, $0x1;
	s10 =	sld [smem:$0x3F7E]  }
0x3d: {  	_ =	shalt  }
0x3e: {  	_ =	shalt  }
0x3f: {  	_ =	shalt  }
0x40: {  	_ =	shalt  }
0x41: {  	_ =	shalt  }
0x42: {  	_ =	shalt  }
0x43: {  	_ =	shalt  }
0x44: {  	_ =	shalt  }
0x45: {  	_ =	shalt  }
0x46: {  	_ =	shalt  }
0x47: {  	_ =	shalt  }
0x48: {  	_ =	shalt  }
0x49: {  	_ =	shalt  }
0x4a: {  	_ =	shalt  }
0x4b: {  	_ =	shalt  }
0x4c: {  	_ =	shalt  }
0x4d: {  	_ =	shalt  }
0x4e: {  	_ =	shalt  }
0x4f: {  	_ =	shalt  }
0x50: {  	_ =	shalt  }
0x51: {  	_ =	shalt  }
0x52: {  	_ =	shalt  }
0x53: {  	_ =	shalt  }
0x54: {  	_ =	shalt  }
0x55: {  	_ =	shalt  }
0x56: {  	_ =	shalt  }
0x57: {  	_ =	shalt  }
0x58: {  	_ =	shalt  }
0x59: {  	_ =	shalt  }
0x5a: {  	_ =	shalt  }
0x5b: {  	_ =	shalt  }
0x5c: {  	_ =	shalt  }
0x5d: {  	_ =	shalt  }
0x5e: {  	_ =	shalt  }
0x5f: {  	_ =	shalt  }
0x60: {  	_ =	shalt  }
0x61: {  	_ =	shalt  }
0x62: {  	_ =	shalt  }
0x63: {  	_ =	shalt  }
0x64: {  	_ =	shalt  }
0x65: {  	_ =	shalt  }
0x66: {  	_ =	shalt  }
0x67: {  	_ =	shalt  }
0x68: {  	_ =	shalt  }
0x69: {  	_ =	shalt  }
0x6a: {  	_ =	shalt  }
0x6b: {  	_ =	shalt  }
0x6c: {  	_ =	shalt  }
0x6d: {  	_ =	shalt  }
0x6e: {  	_ =	shalt  }
0x6f: {  	_ =	shalt  }
0x70: {  	_ =	shalt  }
0x71: {  	_ =	shalt  }
0x72: {  	_ =	shalt  }
0x73: {  	_ =	shalt  }
0x74: {  	_ =	shalt  }
0x75: {  	_ =	shalt  }
0x76: {  	_ =	shalt  }
0x77: {  	_ =	shalt  }
0x78: {  	_ =	shalt  }
0x79: {  	_ =	shalt  }
0x7a: {  	_ =	shalt  }
0x7b: {  	_ =	shalt  }
0x7c: {  	_ =	shalt  }
0x7d: {  	_ =	shalt  }
0x7e: {  	_ =	shalt  }
0x7f: {  	_ =	shalt  }
0x80: {  	_ =	shalt  }
0x81: {  	_ =	shalt  }
0x82: {  	_ =	shalt  }
0x83: {  	_ =	shalt  }
0x84: {  	_ =	shalt  }
0x85: {  	_ =	shalt  }
0x86: {  	_ =	shalt  }
0x87: {  	_ =	shalt  }
.Lfunc_end0:
.L_simem_size_0:
called_computation.2_lowered:
.L_overlay_start_0:
0x88: {  	s2 =	sld [smem:$0x3FD9]  }
0x89: {  	s3 =	sld [smem:$0x3FFE];
	_ =	sdelay $0x1  }
0x8a: {  	s1 =	srdreg.scid  }
0x8b: {  	s0 =	sand.u32 $0x1, s1  }
0x8c: {  	s14 =	sshll.u32 s0, $0xA;
	s2 =	sadd.s32 s3, s2  }
0x8d: {  	s2 =	sadd.s32 s2, s14  }
0x8e: {  	[smem:$0x3F8A] =	sst s2  }
0x8f: {  	_ = 	snop  }
0x90: {  	s2 =	sld [smem:$0x3FD0];
	_ =	sdelay $0x2  }
0x91: {  	s15 =	simm.s32 $0xC;
	s4 =	simm.s32 $0x10  }
0x92: {  	[smem:s4], [sflag:s15] =	dma.local [hbm:s2], $0x1  }
0x93: {  	_ =	swait.eq [sflag:s15], $0x1  }
0x94: {  	[sflag:s15] =	ssyncset.done $0x0  }
0x95: {  	s16 =	sld [smem:$0x12];
	[sflag:s15] =	ssyncadd.s32 $0xFFFFFFFF  }
0x96: {  	s17 =	sld [smem:$0x15];
	(tm) =	ssettm $0x1  }
0x97: {  	s18 =	sld [smem:$0x3FFB];
	_ =	sdelay $0x3  }
0x98: {  	_ =	strace s18  }
0x99: {  	s4 =	sld [smem:$0x3FFC];
	_ =	sdelay $0x3  }
0x9a: {  	_ =	strace s4  }
0x9b: {  	s4 =	sld [smem:$0x3FFD];
	_ =	sdelay $0x3  }
0x9c: {  	_ =	strace s4  }
0x9d: {  	_ =	strace $0x8FFFFFFF  }
0x9e: {  	s19 =	sld [smem:$0x3FDB];
	_ =	sdelay $0x1  }
0x9f: {  	s5 =	simm.s32 $_scs_section_size  }
0xa0: {  	s6 =	simm.s32 $_size__tile_overlayer_lowered;
	s7 =	simm.s32 $_tile_overlayer_lowered  }
0xa1: {  	s22 =	simm.s32 $0x1BFF;
	s21 =	sshll.u32 s7, $0x1;
	s4 =	sadd.s32 s5, s19  }
0xa2: {  	s8 =	simm.s32 $0x0;
	s20 =	sshll.u32 s6, $0x1;
	s6 =	sadd.s32 s21, s4  }
0xa3: {  	[timem:s8], [sflag:s22] =	dma.local [hbm:s6], s20  }
0xa4: {  	_ =	swait.ge [sflag:s22], s20  }
0xa5: {  	s5 =	ssub.s32 $0x0, s20;
	[sflag:s22] =	ssyncset.done $0x0  }
0xa6: {  	[sflag:s22] =	ssyncadd.s32 s5;
	_ =	sdelay $0x1  }
0xa7: {  	s23 =	simm.s32 $0x1B8B  }
0xa8: {  	_ =	swait.ge [sflag:s23], $0x1  }
0xa9: {  	[sflag:s23] =	ssyncset.done $0x0  }
0xaa: {  	s25 =	simm.s32 $0x1B8E;
	s24 =	sld [smem:$0x3FFE];
	[sflag:s23] =	ssyncadd.s32 $0xFFFFFFFF  }
0xab: {  	s26 =	simm.s32 $execute0_lowered;
	[smem:$0x3FD2] =	sst s25  }
0xac: {  	s6 =	sshll.u32 s26, $0x1;
	_ =	strace $0x80000046;
	[dreg:$0x1] =	wrdreg $0xFFFFFFFF  }
0xad: {  	s28 =	simm.s32 $_size_execute0_lowered;
	s4 =	sadd.s32 s4, s6;
	[dreg:$0x0] =	wrdreg $0x0  }
0xae: {  	s6 =	sshll.u32 s28, $0x1;
	[dreg:$0x2] =	wrdreg s4  }
0xaf: {  	[dreg:$0x3] =	wrdreg s6  }
0xb0: {  	[dreg:$0x4] =	wrdreg $0xC0  }
0xb1: {  	_ =	task [dreg:s8], $0x5FFFF  }
0xb2: {  	[dreg:$0x1] =	wrdreg $0xFFFFFFFF  }
0xb3: {  	[dreg:$0x0] =	wrdreg $0x60  }
0xb4: {  	[dreg:$0x2] =	wrdreg s17  }
0xb5: {  	[dreg:$0x3] =	wrdreg s16  }
0xb6: {  	[dreg:$0x4] =	wrdreg s24  }
0xb7: {  	[dreg:$0x5] =	wrdreg $0xB  }
0xb8: {  	_ =	task.clear_ibuf [dreg:s8], $0x6FFFF;
	_ =	strace $0x90000046  }
0xb9: {  	s29 =	simm.s32 $0xB;
	_ =	strace $0x80000048  }
0xba: {  	_ =	swait.ge [sflag:s29], $0x1  }
0xbb: {  	[sflag:s29] =	ssyncadd.s32 $0xFFFFFFFF  }
0xbc: {  	_ =	strace $0x90000048  }
0xbd: {  	_ =	sfence  }
0xbe: {  	s30 =	sld [smem:$0x0];
	_ =	sdelay $0x2  }
0xbf: {  	s31 =	sshll.u32 s1, $0xD;
	s1 =	sshrl.u32 s1, $0x2  }
0xc0: {  	s3 =	sand.u32 $0x4000, s31;
	s1 =	sadd.s32 s1, s30  }
0xc1: {  	s0 =	sor.u32 s3, s0;
	s1 =	sshll.u32 s1, $0x11  }
0xc2: {  	s0 =	sor.u32 s1, s0  }
0xc3: {  	s0 =	sadd.s32 $0x8F2B, s0  }
0xc4: {  	[sflag:s0] =	ssyncadd.remote.s32 $0x1  }
0xc5: {  	_ =	sfence.sel $0xFFFF  }
0xc6: {  	[dreg:$0x0] =	wrdreg $0xFFFFFFFF;
	(pc) =	sbr.abs _section_cstart, $3  }
0xc7: {  	[dreg:$0x1] =	wrdreg $0xFFFFFFFF  }
0xc8: {  	_ =	task.clear_ibuf [dreg:s8], $0x2FFFF;
	_ =	strace $0x9FFFFFFF  }
0xc9: {  	(tm) =	ssettm $0x7FFFFFFF  }
tec
execute0_lowered:
.L_overlay_start_1:
0x0: {  	(tag) =	ssettag $0x1  }
0x1: {  	s2 =	rddreg [dreg:$0x0]  }
0x2: {  	s5 =	rddreg [dreg:$0x1]  }
0x3: {  	s4 =	rddreg [dreg:$0x2]  }
0x4: {  	s0 =	rddreg [dreg:$0x3];
	s1 =	stileid.u32  }
0x5: {  	s6 =	srdreg.scid;
	s7 =	smul.u32 $0x3200, s1  }
0x6: {  	s3 =	simm.s32 $0x0;
	s6 =	sand.u32 $0x1, s6;
	s10 =	smul.u32 $0x64, s1  }
0x7: {  	[smem:$0x7FF] =	sst s3;
	s9 =	smul.u32 $0x1900, s6  }
0x8: {  	s8 =	ssub.s32 $0x2, s6;
	_ =	strace $0x80000047;
	s29 =	smul.u32 $0x32, s6  }
0x9: {  	s4 =	sadd.s32 s7, s4;
	s28 =	sshrl.u32 s8, $0x1;
	s31 =	sadd.s32 s10, s5  }
0xa: {  	s7 =	ssub.s32 s8, s28;
	s30 =	sadd.s32 s9, s4;
	s4 =	sshll.u32 s1, $0x1  }
0xb: {  	s5 =	smax.u32 s7, $0x1;
	s6 =	sadd.s32 $0xB400, s30;
	s7 =	sadd.s32 s29, s31  }
.LBB2_1:
0xc: {  	s8 =	sadd.s32 $0x0, s4  }
0xd: {  	p0 =	sgt.u32 s8, $0xF9  }
0xe: {  	s8 =	simm.s32 @!p0 $0x0;
	s9 =	simm.s32 @!p0 $0x3  }
0xf: {  	[tilespmem:s8], [sflag:$0x3] =	stream.linear.gather @!p0 [hbm4b:s7+s8], $0x190, $0x38;
	[tilespmem:$0xCA00] =	vst v63  }
0x10: {  	_ =	swait.ge @!p0 [sflag:s9], $0x190  }
0x11: {  	s10 =	simm.s32 @!p0 $0x1;
	[sflag:s9] =	ssyncset.done @!p0 $0x0  }
0x12: {  	s12 =	simm.s32 @!p0 $0x200;
	[sflag:s9] =	ssyncadd.s32 @!p0 $0xFFFFFE70;
	s9 =	simm.s32 @!p0 $0x190  }
0x13: {  	[tilespmem:s12], [sflag:$0x1] =	stream.indirect.gather @!p0 [hbm4b:s2+s9], $0x80, s8, s9, $0xb8;
	[tilespmem:$0xCA00] =	vst v63  }
0x14: {  	p1 =	por p0, p0;
	_ =	swait.ge @!p0 [sflag:s10], $0xC800  }
0x15: {  	[sflag:s10] =	ssyncset.done @!p1 $0x0  }
0x16: {  	s31 =	sadd.s32 $0x20, s4;
	s11 =	simm.s32 @!p1 $0x2;
	[sflag:s10] =	ssyncadd.s32 @!p1 $0xFFFF3800  }
0x17: {  	[hbm4b:s6+s8] =	stream.linear.scatter @!p1 [tilespmem:s12], [sflag:$0x2], $0xC800, $0x38;
	[tilespmem:$0xCA00] =	vst v63  }
0x18: {  	s9 =	simm.s32 $0x40;
	p0 =	sgt.u32 s31, $0xF9;
	_ =	swait.ge @!p1 [sflag:s11], $0xC800  }
0x19: {  	s10 =	sadd.s32 $0x640, s7;
	s8 =	sadd.s32 $0x32000, s6;
	[sflag:s11] =	ssyncset.done @!p1 $0x0  }
.LBB2_2:
0x1a: {  	s12 =	simm.s32 @!p0 $0x0;
	s13 =	simm.s32 @!p0 $0x3;
	[sflag:s11] =	ssyncadd.s32 @!p1 $0xFFFF3800  }
0x1b: {  	[tilespmem:s12], [sflag:$0x3] =	stream.linear.gather @!p0 [hbm4b:s10+s12], $0x190, $0x38;
	[tilespmem:$0xCA00] =	vst v63  }
0x1c: {  	s14 =	smov.u32 s9;
	s9 =	sadd.s32 $0x20, s9;
	_ =	swait.ge @!p0 [sflag:s13], $0x190  }
0x1d: {  	s11 =	simm.s32 @!p0 $0x1;
	p2 =	sne.s32 s9, $0x100;
	[sflag:s13] =	ssyncset.done @!p0 $0x0  }
0x1e: {  	s15 =	simm.s32 @!p0 $0x200;
	[sflag:s13] =	ssyncadd.s32 @!p0 $0xFFFFFE70;
	s13 =	simm.s32 @!p0 $0x190  }
0x1f: {  	[tilespmem:s15], [sflag:$0x1] =	stream.indirect.gather @!p0 [hbm4b:s2+s13], $0x80, s12, s13, $0xb8;
	[tilespmem:$0xCA00] =	vst v63  }
0x20: {  	p1 =	por p0, p0;
	_ =	swait.ge @!p0 [sflag:s11], $0xC800  }
.Ltmp0:
0x21: {  	[sflag:s11] =	ssyncset.done @!p1 $0x0;
	(pc) =	sbr.rel @p2 .LBB2_2-.Ltmp0, $4  }
0x22: {  	[sflag:s11] =	ssyncadd.s32 @!p1 $0xFFFF3800;
	s11 =	simm.s32 @!p1 $0x2  }
0x23: {  	[hbm4b:s8+s12] =	stream.linear.scatter @!p1 [tilespmem:s15], [sflag:$0x2], $0xC800, $0x38;
	[tilespmem:$0xCA00] =	vst v63  }
0x24: {  	s10 =	sadd.s32 $0x640, s10;
	s12 =	sadd.s32 s14, s4;
	_ =	swait.ge @!p1 [sflag:s11], $0xC800  }
0x25: {  	s8 =	sadd.s32 $0x32000, s8;
	p0 =	sgt.u32 s12, $0xF9;
	[sflag:s11] =	ssyncset.done @!p1 $0x0  }
0x26: {  	s9 =	simm.s32 @!p0 $0x0;
	s12 =	simm.s32 @!p0 $0x3;
	[sflag:s11] =	ssyncadd.s32 @!p1 $0xFFFF3800  }
0x27: {  	[tilespmem:s9], [sflag:$0x3] =	stream.linear.gather @!p0 [hbm4b:s10+s9], $0x190, $0x38;
	[tilespmem:$0xCA00] =	vst v63  }
0x28: {  	_ =	swait.ge @!p0 [sflag:s12], $0x190  }
0x29: {  	s11 =	simm.s32 @!p0 $0x190;
	[sflag:s12] =	ssyncset.done @!p0 $0x0  }
0x2a: {  	s10 =	simm.s32 @!p0 $0x1;
	[sflag:s12] =	ssyncadd.s32 @!p0 $0xFFFFFE70;
	s12 =	simm.s32 @!p0 $0x200  }
0x2b: {  	[tilespmem:s12], [sflag:$0x1] =	stream.indirect.gather @!p0 [hbm4b:s2+s11], $0x80, s9, s11, $0xb8;
	[tilespmem:$0xCA00] =	vst v63  }
0x2c: {  	s3 =	sadd.s32 $0x1, s3;
	_ =	swait.ge @!p0 [sflag:s10], $0xC800;
	p0 =	por p0, p0  }
0x2d: {  	p1 =	sne.s32 s3, s5;
	[sflag:s10] =	ssyncset.done @!p0 $0x0  }
.Ltmp1:
0x2e: {  	[sflag:s10] =	ssyncadd.s32 @!p0 $0xFFFF3800;
	s10 =	simm.s32 @!p0 $0x2;
	(pc) =	sbr.rel @p1 .LBB2_1-.Ltmp1, $4  }
0x2f: {  	[hbm4b:s8+s9] =	stream.linear.scatter @!p0 [tilespmem:s12], [sflag:$0x2], $0xC800, $0x38;
	[tilespmem:$0xCA00] =	vst v63  }
0x30: {  	_ =	swait.ge @!p0 [sflag:s10], $0xC800  }
0x31: {  	[sflag:s10] =	ssyncset.done @!p0 $0x0  }
0x32: {  	[sflag:s10] =	ssyncadd.s32 @!p0 $0xFFFF3800  }
0x33: {  	_ =	sfence.sel $0x180000  }
0x34: {  	[bflag:$0x0] =	sbarrier.arrive $0xFFFF  }
0x35: {  	p0 =	sne.s32 s1, $0x0;
	_ =	strace $0x90000047  }
0x36: {  	s0 =	sadd.s32 @!p0 $0x100000, s0;
	[bflag:$0x2] =	sbarrier.arrive $0xFFFF  }
0x37: {  	[sflag:s0] =	ssyncadd.tile.s32 @!p0 $0x1;
	_ =	shalt  }
.Lfunc_end2:
_tile_overlayer_lowered:
.L_overlay_start_2:
0x38: {  	(tag) =	ssettag $0x2  }
0x39: {  	s0 =	rddreg [dreg:$0x0];
	s2 =	stileid.u32  }
0x3a: {  	s1 =	rddreg [dreg:$0x1];
	p0 =	sne.s32 s2, $0x0  }
0x3b: {  	s3 =	rddreg [dreg:$0x2];
	[bflag:$0x3] =	sbarrier.arrive $0xFFFF;
	s2 =	simm.s32 @!p0 $0x1C02  }
0x3c: {  	[timem:s3], [sflag:s2] =	dma.local @!p0 [hbm:s0], s1  }
0x3d: {  	s0 =	simm.s32 @!p0 $0x2  }
0x3e: {  	_ =	swait.ge @!p0 [sflag:s0], s1  }
0x3f: {  	s1 =	ssub.s32 @!p0 $0x0, s1;
	[sflag:s0] =	ssyncset.done @!p0 $0x0  }
0x40: {  	[sflag:s0] =	ssyncadd.s32 @!p0 s1  }
0x41: {  	[bflag:$0x3] =	sbarrier.arrive $0xFFFF  }
0x42: {  	_ =	shalt  }

// kernel: kernel.24.cloned.1.call-start
scs
__scs_entry_jumppad:
0x0: {  	(pc) =	sbr.rel $0x88, $3  }
0x1: {  	(tag) =	ssettag $0x0;
	lr =	simm.s32 $0x1  }
0x2: {  	[smem:$0x3F63] =	sst lr;
	_ =	strace $0xD0000000  }
0x3: {  	_ = 	snop  }
0x4: {  	_ = 	snop  }
0x5: {  	_ = 	snop  }
0x6: {  	_ = 	snop  }
0x7: {  	_ = 	snop  }
__scs_overlays_trampoline_lowered:
0x8: {  	[smem:$0x3F72] =	sst s0  }
0x9: {  	[smem:$0x3F73] =	sst s1  }
0xa: {  	[smem:$0x3F74] =	sst s2  }
0xb: {  	[smem:$0x3F75] =	sst s3  }
0xc: {  	[smem:$0x3F76] =	sst s4  }
0xd: {  	[smem:$0x3F77] =	sst s5  }
0xe: {  	[smem:$0x3F78] =	sst s6  }
0xf: {  	[smem:$0x3F79] =	sst s7  }
0x10: {  	[smem:$0x3F7A] =	sst s8  }
0x11: {  	[smem:$0x3F7B] =	sst s9;
	s0 =	simm.s32 @!p0 $0x0  }
0x12: {  	s1 =	sld [smem:$0x3F61];
	s0 =	simm.s32 @p0 $0x1  }
0x13: {  	[smem:$0x3F7C] =	sst s0;
	s0 =	simm.s32 @!p1 $0x0  }
0x14: {  	s2 =	sld [smem:$0x3F60];
	s0 =	simm.s32 @p1 $0x1  }
0x15: {  	[smem:$0x3F7D] =	sst s0;
	s0 =	simm.s32 @!p2 $0x0  }
0x16: {  	s3 =	sld [smem:$0x3FDB];
	s0 =	simm.s32 @p2 $0x1  }
0x17: {  	s4 =	simm.s32 $0x1BF5;
	[smem:$0x3F7F] =	sst s0  }
0x18: {  	s0 =	sld [smem:$0x3F62];
	_ =	swait.ge [sflag:s4], $0x0  }
0x19: {  	s7 =	sld [smem:$0x3F63]  }
0x1a: {  	s8 =	sadd.s32 $0xFFFFE003, lr  }
0x1b: {  	s9 =	sadd.s32 $0xFFFFFEF7, lr;
	s5 =	simm.s32 $0xFFFFFFFF;
	p2 =	slt.u32 s8, $0xFFFFF086  }
0x1c: {  	p1 =	slt.u32 s9, $0xF7A;
	s5 =	simm.s32 @!p2 $0x0  }
0x1d: {  	s5 =	simm.s32 @p1 $0x1;
	p0 =	seq.s32 s7, s2  }
0x1e: {  	s7 =	smul.u32 @!p0 $0xF7A, s2;
	p2 =	seq.s32 @!p0 s5, $0x0  }
0x1f: {  	s9 =	smul.u32 $0xF7A, s1;
	s8 =	simm.s32 @!p0 $0x1BF5;
	p2 =	por !p2, p0  }
0x20: {  	[sflag:s8] =	ssyncset.s32 @!p0 $0xFFFFF086;
	s6 =	sadd.s32 @!p0 s3, s7;
	s7 =	simm.s32 @!p0 $0x108  }
0x21: {  	s3 =	sadd.s32 s3, s9;
	s6 =	sadd.s32 @!p0 $0x88, s6;
	s7 =	simm.s32 @p2 $0x1082  }
0x22: {  	[simem:s7], [sflag:s8] =	dma.local @!p0 [hbm:s6], $0xF7A  }
0x23: {  	s9 =	sor.u32 $0xD0000000, s2;
	s6 =	simm.s32 $0x108;
	_ =	swait.ge @!p0 [sflag:s8], $0x0  }
0x24: {  	s3 =	sadd.s32 $0x88, s3;
	s6 =	simm.s32 @!p1 $0x1082;
	[sflag:s4] =	ssyncset.s32 $0xFFFFF086  }
0x25: {  	[simem:s6], [sflag:s4] =	dma.local [hbm:s3], $0xF7A  }
0x26: {  	[smem:$0x3F63] =	sst s1;
	(tag) =	ssettag s2;
	_ =	strace s9  }
0x27: {  	s1 =	sld [smem:$0x3F73]  }
0x28: {  	s2 =	sld [smem:$0x3F74]  }
0x29: {  	s4 =	sld [smem:$0x3F76]  }
0x2a: {  	p0 =	seq.s32 s5, $0x0;
	s5 =	sld [smem:$0x3F77]  }
0x2b: {  	s6 =	sld [smem:$0x3F78]  }
0x2c: {  	s7 =	sld [smem:$0x3F79]  }
0x2d: {  	s3 =	simm.s32 $0x108;
	s8 =	sld [smem:$0x3F7A]  }
0x2e: {  	s3 =	simm.s32 @!p0 $0x1082;
	s9 =	sld [smem:$0x3F7B]  }
0x2f: {  	lr =	sadd.s32 s0, s3;
	s0 =	sld [smem:$0x3F72]  }
0x30: {  	s3 =	sld [smem:$0x3F75]  }
0x31: {  	[smem:$0x3F7E] =	sst s10  }
0x32: {  	s10 =	sld [smem:$0x3F7C];
	_ =	sdelay $0x3  }
0x33: {  	p0 =	seq.s32 s10, $0x1;
	s10 =	sld [smem:$0x3F7E];
	_ =	sdelay $0x3  }
0x34: {  	[smem:$0x3F7E] =	sst s10  }
0x35: {  	s10 =	sld [smem:$0x3F7D];
	_ =	sdelay $0x3  }
0x36: {  	p1 =	seq.s32 s10, $0x1;
	s10 =	sld [smem:$0x3F7E];
	_ =	sdelay $0x3  }
0x37: {  	[smem:$0x3F7E] =	sst s10  }
0x38: {  	s10 =	sld [smem:$0x3F7F]  }
0x39: {  	_ = 	snop;
	(pc) =	sbr.ind lr, $3  }
0x3a: {  	_ = 	snop  }
0x3b: {  	_ = 	snop  }
0x3c: {  	p2 =	seq.s32 s10, $0x1;
	s10 =	sld [smem:$0x3F7E]  }
0x3d: {  	_ =	shalt  }
0x3e: {  	_ =	shalt  }
0x3f: {  	_ =	shalt  }
0x40: {  	_ =	shalt  }
0x41: {  	_ =	shalt  }
0x42: {  	_ =	shalt  }
0x43: {  	_ =	shalt  }
0x44: {  	_ =	shalt  }
0x45: {  	_ =	shalt  }
0x46: {  	_ =	shalt  }
0x47: {  	_ =	shalt  }
0x48: {  	_ =	shalt  }
0x49: {  	_ =	shalt  }
0x4a: {  	_ =	shalt  }
0x4b: {  	_ =	shalt  }
0x4c: {  	_ =	shalt  }
0x4d: {  	_ =	shalt  }
0x4e: {  	_ =	shalt  }
0x4f: {  	_ =	shalt  }
0x50: {  	_ =	shalt  }
0x51: {  	_ =	shalt  }
0x52: {  	_ =	shalt  }
0x53: {  	_ =	shalt  }
0x54: {  	_ =	shalt  }
0x55: {  	_ =	shalt  }
0x56: {  	_ =	shalt  }
0x57: {  	_ =	shalt  }
0x58: {  	_ =	shalt  }
0x59: {  	_ =	shalt  }
0x5a: {  	_ =	shalt  }
0x5b: {  	_ =	shalt  }
0x5c: {  	_ =	shalt  }
0x5d: {  	_ =	shalt  }
0x5e: {  	_ =	shalt  }
0x5f: {  	_ =	shalt  }
0x60: {  	_ =	shalt  }
0x61: {  	_ =	shalt  }
0x62: {  	_ =	shalt  }
0x63: {  	_ =	shalt  }
0x64: {  	_ =	shalt  }
0x65: {  	_ =	shalt  }
0x66: {  	_ =	shalt  }
0x67: {  	_ =	shalt  }
0x68: {  	_ =	shalt  }
0x69: {  	_ =	shalt  }
0x6a: {  	_ =	shalt  }
0x6b: {  	_ =	shalt  }
0x6c: {  	_ =	shalt  }
0x6d: {  	_ =	shalt  }
0x6e: {  	_ =	shalt  }
0x6f: {  	_ =	shalt  }
0x70: {  	_ =	shalt  }
0x71: {  	_ =	shalt  }
0x72: {  	_ =	shalt  }
0x73: {  	_ =	shalt  }
0x74: {  	_ =	shalt  }
0x75: {  	_ =	shalt  }
0x76: {  	_ =	shalt  }
0x77: {  	_ =	shalt  }
0x78: {  	_ =	shalt  }
0x79: {  	_ =	shalt  }
0x7a: {  	_ =	shalt  }
0x7b: {  	_ =	shalt  }
0x7c: {  	_ =	shalt  }
0x7d: {  	_ =	shalt  }
0x7e: {  	_ =	shalt  }
0x7f: {  	_ =	shalt  }
0x80: {  	_ =	shalt  }
0x81: {  	_ =	shalt  }
0x82: {  	_ =	shalt  }
0x83: {  	_ =	shalt  }
0x84: {  	_ =	shalt  }
0x85: {  	_ =	shalt  }
0x86: {  	_ =	shalt  }
0x87: {  	_ =	shalt  }
.Lfunc_end0:
.L_simem_size_0:
called_computation.3_lowered:
.L_overlay_start_0:
0x88: {  	s2 =	sld [smem:$0x3FD9]  }
0x89: {  	s3 =	sld [smem:$0x3FFE];
	_ =	sdelay $0x1  }
0x8a: {  	s1 =	srdreg.scid  }
0x8b: {  	s0 =	sand.u32 $0x1, s1  }
0x8c: {  	s14 =	sshll.u32 s0, $0xA;
	s2 =	sadd.s32 s3, s2  }
0x8d: {  	s2 =	sadd.s32 s2, s14  }
0x8e: {  	[smem:$0x3F8A] =	sst s2  }
0x8f: {  	_ = 	snop  }
0x90: {  	s2 =	sld [smem:$0x3FD0];
	_ =	sdelay $0x2  }
0x91: {  	s15 =	simm.s32 $0xC;
	s4 =	simm.s32 $0x10  }
0x92: {  	[smem:s4], [sflag:s15] =	dma.local [hbm:s2], $0x1  }
0x93: {  	_ =	swait.eq [sflag:s15], $0x1  }
0x94: {  	[sflag:s15] =	ssyncset.done $0x0  }
0x95: {  	s16 =	sld [smem:$0x10];
	[sflag:s15] =	ssyncadd.s32 $0xFFFFFFFF  }
0x96: {  	s17 =	sld [smem:$0x11];
	(tm) =	ssettm $0x1  }
0x97: {  	s18 =	sld [smem:$0x3FFB];
	_ =	sdelay $0x3  }
0x98: {  	_ =	strace s18  }
0x99: {  	s4 =	sld [smem:$0x3FFC];
	_ =	sdelay $0x3  }
0x9a: {  	_ =	strace s4  }
0x9b: {  	s4 =	sld [smem:$0x3FFD];
	_ =	sdelay $0x3  }
0x9c: {  	_ =	strace s4  }
0x9d: {  	_ =	strace $0x8FFFFFFF  }
0x9e: {  	s19 =	sld [smem:$0x3FDB];
	_ =	sdelay $0x1  }
0x9f: {  	s5 =	simm.s32 $_scs_section_size  }
0xa0: {  	s6 =	simm.s32 $_size__tile_overlayer_lowered;
	s7 =	simm.s32 $_tile_overlayer_lowered  }
0xa1: {  	s22 =	simm.s32 $0x1BFF;
	s21 =	sshll.u32 s7, $0x1;
	s4 =	sadd.s32 s5, s19  }
0xa2: {  	s8 =	simm.s32 $0x0;
	s20 =	sshll.u32 s6, $0x1;
	s6 =	sadd.s32 s21, s4  }
0xa3: {  	[timem:s8], [sflag:s22] =	dma.local [hbm:s6], s20  }
0xa4: {  	_ =	swait.ge [sflag:s22], s20  }
0xa5: {  	s5 =	ssub.s32 $0x0, s20;
	[sflag:s22] =	ssyncset.done $0x0  }
0xa6: {  	[sflag:s22] =	ssyncadd.s32 s5;
	_ =	sdelay $0x1  }
0xa7: {  	s23 =	simm.s32 $0x1B8B  }
0xa8: {  	_ =	swait.ge [sflag:s23], $0x1  }
0xa9: {  	[sflag:s23] =	ssyncset.done $0x0  }
0xaa: {  	s25 =	simm.s32 $0x1B8E;
	s24 =	sld [smem:$0x3FFE];
	[sflag:s23] =	ssyncadd.s32 $0xFFFFFFFF  }
0xab: {  	s26 =	simm.s32 $execute0_lowered;
	[smem:$0x3FD2] =	sst s25  }
0xac: {  	s6 =	sshll.u32 s26, $0x1;
	_ =	strace $0x8000004F;
	[dreg:$0x1] =	wrdreg $0xFFFFFFFF  }
0xad: {  	s28 =	simm.s32 $_size_execute0_lowered;
	s4 =	sadd.s32 s4, s6;
	[dreg:$0x0] =	wrdreg $0x0  }
0xae: {  	s6 =	sshll.u32 s28, $0x1;
	[dreg:$0x2] =	wrdreg s4  }
0xaf: {  	[dreg:$0x3] =	wrdreg s6  }
0xb0: {  	[dreg:$0x4] =	wrdreg $0xC0  }
0xb1: {  	_ =	task [dreg:s8], $0x5FFFF  }
0xb2: {  	[dreg:$0x1] =	wrdreg $0xFFFFFFFF  }
0xb3: {  	[dreg:$0x0] =	wrdreg $0x60  }
0xb4: {  	[dreg:$0x2] =	wrdreg s16  }
0xb5: {  	[dreg:$0x3] =	wrdreg s24  }
0xb6: {  	[dreg:$0x4] =	wrdreg s17  }
0xb7: {  	[dreg:$0x5] =	wrdreg $0x9  }
0xb8: {  	_ =	task.clear_ibuf [dreg:s8], $0x6FFFF;
	_ =	strace $0x9000004F  }
0xb9: {  	s29 =	simm.s32 $0x9;
	_ =	strace $0x80000051  }
0xba: {  	_ =	swait.ge [sflag:s29], $0x1  }
0xbb: {  	[sflag:s29] =	ssyncadd.s32 $0xFFFFFFFF  }
0xbc: {  	_ =	strace $0x90000051  }
0xbd: {  	_ =	sfence  }
0xbe: {  	s30 =	sld [smem:$0x0];
	_ =	sdelay $0x2  }
0xbf: {  	s31 =	sshll.u32 s1, $0xD;
	s1 =	sshrl.u32 s1, $0x2  }
0xc0: {  	s3 =	sand.u32 $0x4000, s31;
	s1 =	sadd.s32 s1, s30  }
0xc1: {  	s0 =	sor.u32 s3, s0;
	s1 =	sshll.u32 s1, $0x11  }
0xc2: {  	s0 =	sor.u32 s1, s0  }
0xc3: {  	s0 =	sadd.s32 $0x8F2B, s0  }
0xc4: {  	[sflag:s0] =	ssyncadd.remote.s32 $0x1  }
0xc5: {  	_ =	sfence.sel $0xFFFF  }
0xc6: {  	[dreg:$0x0] =	wrdreg $0xFFFFFFFF;
	(pc) =	sbr.abs _section_cstart, $3  }
0xc7: {  	[dreg:$0x1] =	wrdreg $0xFFFFFFFF  }
0xc8: {  	_ =	task.clear_ibuf [dreg:s8], $0x2FFFF;
	_ =	strace $0x9FFFFFFF  }
0xc9: {  	(tm) =	ssettm $0x7FFFFFFF  }
tec
execute0_lowered:
.L_overlay_start_1:
0x0: {  	(tag) =	ssettag $0x1  }
0x1: {  	s2 =	rddreg [dreg:$0x0]  }
0x2: {  	s1 =	srdreg.scid;
	s0 =	stileid.u32  }
0x3: {  	s4 =	rddreg [dreg:$0x1];
	s15 =	sand.u32 $0x1, s1;
	s30 =	sshll.u32 s0, $0x1  }
0x4: {  	s21 =	rddreg [dreg:$0x2];
	s14 =	sor.u32 s15, s30  }
0x5: {  	s3 =	simm.s32 $0x0;
	s1 =	rddreg [dreg:$0x3];
	s5 =	smul.u32 $0x32, s14  }
0x6: {  	[smem:$0x7FF] =	sst s3;
	s16 =	sadd.s32 $0xABDC00, s4  }
0x7: {  	_ =	strace $0x80000050;
	s4 =	sadd.s32 s16, s5;
	s5 =	simm.s32 $0x3  }
0x8: {  	[tilespmem:s3], [sflag:$0x3] =	stream.linear.gather [hbm4b:s4+s3], $0x190, $0x38;
	[tilespmem:$0xCA00] =	vst v63  }
0x9: {  	_ =	swait.ge [sflag:s5], $0x190  }
0xa: {  	s6 =	simm.s32 $0x190;
	[sflag:s5] =	ssyncset.done $0x0  }
0xb: {  	s7 =	simm.s32 $0x200;
	s8 =	simm.s32 $0x1;
	[sflag:s5] =	ssyncadd.s32 $0xFFFFFE70  }
0xc: {  	[tilespmem:s7], [sflag:$0x1] =	stream.indirect.gather [hbm4b:s2+s6], $0x80, s3, s6, $0xb8;
	[tilespmem:$0xCA00] =	vst v63  }
0xd: {  	s9 =	smul.u32 $0x1900, s14;
	_ =	swait.ge [sflag:s8], $0xC800  }
0xe: {  	s10 =	simm.s32 $0x2;
	[sflag:s8] =	ssyncset.done $0x0  }
0xf: {  	s12 =	sor.u32 $0x20, s14;
	s9 =	sadd.s32 s21, s9;
	[sflag:s8] =	ssyncadd.s32 $0xFFFF3800  }
0x10: {  	[hbm4b:s9+s3] =	stream.linear.scatter [tilespmem:s7], [sflag:$0x2], $0xC800, $0x38;
	[tilespmem:$0xCA00] =	vst v63  }
0x11: {  	s11 =	smul.u32 $0x32, s12;
	_ =	swait.ge [sflag:s10], $0xC800  }
0x12: {  	[sflag:s10] =	ssyncset.done $0x0  }
0x13: {  	s11 =	sadd.s32 s16, s11;
	[sflag:s10] =	ssyncadd.s32 $0xFFFF3800  }
0x14: {  	[tilespmem:s3], [sflag:$0x3] =	stream.linear.gather [hbm4b:s11+s3], $0x190, $0x38;
	[tilespmem:$0xCA00] =	vst v63  }
0x15: {  	_ =	swait.ge [sflag:s5], $0x190  }
0x16: {  	[sflag:s5] =	ssyncset.done $0x0  }
0x17: {  	[sflag:s5] =	ssyncadd.s32 $0xFFFFFE70  }
0x18: {  	[tilespmem:s7], [sflag:$0x1] =	stream.indirect.gather [hbm4b:s2+s6], $0x80, s3, s6, $0xb8;
	[tilespmem:$0xCA00] =	vst v63  }
0x19: {  	s12 =	smul.u32 $0x1900, s12;
	_ =	swait.ge [sflag:s8], $0xC800  }
0x1a: {  	[sflag:s8] =	ssyncset.done $0x0  }
0x1b: {  	s17 =	sor.u32 $0x40, s14;
	s12 =	sadd.s32 s21, s12;
	[sflag:s8] =	ssyncadd.s32 $0xFFFF3800  }
0x1c: {  	[hbm4b:s12+s3] =	stream.linear.scatter [tilespmem:s7], [sflag:$0x2], $0xC800, $0x38;
	[tilespmem:$0xCA00] =	vst v63  }
0x1d: {  	s13 =	smul.u32 $0x32, s17;
	_ =	swait.ge [sflag:s10], $0xC800  }
0x1e: {  	[sflag:s10] =	ssyncset.done $0x0  }
0x1f: {  	s13 =	sadd.s32 s16, s13;
	[sflag:s10] =	ssyncadd.s32 $0xFFFF3800  }
0x20: {  	[tilespmem:s3], [sflag:$0x3] =	stream.linear.gather [hbm4b:s13+s3], $0x190, $0x38;
	[tilespmem:$0xCA00] =	vst v63  }
0x21: {  	_ =	swait.ge [sflag:s5], $0x190  }
0x22: {  	[sflag:s5] =	ssyncset.done $0x0  }
0x23: {  	[sflag:s5] =	ssyncadd.s32 $0xFFFFFE70  }
0x24: {  	[tilespmem:s7], [sflag:$0x1] =	stream.indirect.gather [hbm4b:s2+s6], $0x80, s3, s6, $0xb8;
	[tilespmem:$0xCA00] =	vst v63  }
0x25: {  	s17 =	smul.u32 $0x1900, s17;
	_ =	swait.ge [sflag:s8], $0xC800  }
0x26: {  	s22 =	ssub.s32 $0x2, s15;
	s18 =	sor.u32 $0x60, s14;
	[sflag:s8] =	ssyncset.done $0x0  }
0x27: {  	s31 =	smul.u32 $0x32, s18;
	s14 =	sadd.s32 s21, s17;
	[sflag:s8] =	ssyncadd.s32 $0xFFFF3800  }
0x28: {  	[hbm4b:s14+s3] =	stream.linear.scatter [tilespmem:s7], [sflag:$0x2], $0xC800, $0x38;
	[tilespmem:$0xCA00] =	vst v63  }
0x29: {  	s23 =	sshrl.u32 s22, $0x1;
	p0 =	sgt.u32 s18, $0x7C;
	_ =	swait.ge [sflag:s10], $0xC800  }
0x2a: {  	s24 =	smul.u32 $0x1900, s18;
	s15 =	sadd.s32 s16, s31;
	[sflag:s10] =	ssyncset.done $0x0  }
0x2b: {  	s16 =	simm.s32 @!p0 $0x0;
	s17 =	simm.s32 @!p0 $0x3;
	[sflag:s10] =	ssyncadd.s32 $0xFFFF3800  }
0x2c: {  	[tilespmem:s16], [sflag:$0x3] =	stream.linear.gather @!p0 [hbm4b:s15+s16], $0x190, $0x38;
	[tilespmem:$0xCA00] =	vst v63  }
0x2d: {  	s22 =	ssub.s32 s22, s23;
	s18 =	simm.s32 @!p0 $0x1;
	_ =	swait.ge @!p0 [sflag:s17], $0x190  }
0x2e: {  	s19 =	simm.s32 @!p0 $0x190;
	s23 =	smax.u32 s22, $0x1;
	[sflag:s17] =	ssyncset.done @!p0 $0x0  }
0x2f: {  	s20 =	simm.s32 @!p0 $0x200;
	s23 =	sadd.s32 $0xFFFFFFFF, s23;
	[sflag:s17] =	ssyncadd.s32 @!p0 $0xFFFFFE70  }
0x30: {  	[tilespmem:s20], [sflag:$0x1] =	stream.indirect.gather @!p0 [hbm4b:s2+s19], $0x80, s16, s19, $0xb8;
	[tilespmem:$0xCA00] =	vst v63  }
0x31: {  	p1 =	sne.s32 s23, $0x0;
	_ =	swait.ge @!p0 [sflag:s18], $0xC800  }
.Ltmp0:
0x32: {  	[sflag:s18] =	ssyncset.done @!p0 $0x0;
	(pc) =	sbr.rel @!p1 .LBB2_2-.Ltmp0, $4  }
0x33: {  	s22 =	sadd.s32 s21, s24;
	s21 =	simm.s32 @!p0 $0x2;
	[sflag:s18] =	ssyncadd.s32 @!p0 $0xFFFF3800  }
0x34: {  	[hbm4b:s22+s16] =	stream.linear.scatter @!p0 [tilespmem:s20], [sflag:$0x2], $0xC800, $0x38;
	[tilespmem:$0xCA00] =	vst v63  }
0x35: {  	_ =	swait.ge @!p0 [sflag:s21], $0xC800  }
0x36: {  	[sflag:s21] =	ssyncset.done @!p0 $0x0  }
.LBB2_1:
0x37: {  	s23 =	sadd.s32 $0xFFFFFFFF, s23;
	[sflag:s21] =	ssyncadd.s32 @!p0 $0xFFFF3800  }
0x38: {  	[tilespmem:s3], [sflag:$0x3] =	stream.linear.gather [hbm4b:s4+s3], $0x190, $0x38;
	[tilespmem:$0xCA00] =	vst v63  }
0x39: {  	p1 =	sne.s32 s23, $0x0;
	_ =	swait.ge [sflag:s5], $0x190  }
0x3a: {  	[sflag:s5] =	ssyncset.done $0x0  }
0x3b: {  	[sflag:s5] =	ssyncadd.s32 $0xFFFFFE70  }
0x3c: {  	[tilespmem:s7], [sflag:$0x1] =	stream.indirect.gather [hbm4b:s2+s6], $0x80, s3, s6, $0xb8;
	[tilespmem:$0xCA00] =	vst v63  }
0x3d: {  	_ =	swait.ge [sflag:s8], $0xC800  }
0x3e: {  	[sflag:s8] =	ssyncset.done $0x0  }
0x3f: {  	[sflag:s8] =	ssyncadd.s32 $0xFFFF3800  }
0x40: {  	[hbm4b:s9+s3] =	stream.linear.scatter [tilespmem:s7], [sflag:$0x2], $0xC800, $0x38;
	[tilespmem:$0xCA00] =	vst v63  }
0x41: {  	_ =	swait.ge [sflag:s10], $0xC800  }
0x42: {  	[sflag:s10] =	ssyncset.done $0x0  }
0x43: {  	[sflag:s10] =	ssyncadd.s32 $0xFFFF3800  }
0x44: {  	[tilespmem:s3], [sflag:$0x3] =	stream.linear.gather [hbm4b:s11+s3], $0x190, $0x38;
	[tilespmem:$0xCA00] =	vst v63  }
0x45: {  	_ =	swait.ge [sflag:s5], $0x190  }
0x46: {  	[sflag:s5] =	ssyncset.done $0x0  }
0x47: {  	[sflag:s5] =	ssyncadd.s32 $0xFFFFFE70  }
0x48: {  	[tilespmem:s7], [sflag:$0x1] =	stream.indirect.gather [hbm4b:s2+s6], $0x80, s3, s6, $0xb8;
	[tilespmem:$0xCA00] =	vst v63  }
0x49: {  	_ =	swait.ge [sflag:s8], $0xC800  }
0x4a: {  	[sflag:s8] =	ssyncset.done $0x0  }
0x4b: {  	[sflag:s8] =	ssyncadd.s32 $0xFFFF3800  }
0x4c: {  	[hbm4b:s12+s3] =	stream.linear.scatter [tilespmem:s7], [sflag:$0x2], $0xC800, $0x38;
	[tilespmem:$0xCA00] =	vst v63  }
0x4d: {  	_ =	swait.ge [sflag:s10], $0xC800  }
0x4e: {  	[sflag:s10] =	ssyncset.done $0x0  }
0x4f: {  	[sflag:s10] =	ssyncadd.s32 $0xFFFF3800  }
0x50: {  	[tilespmem:s3], [sflag:$0x3] =	stream.linear.gather [hbm4b:s13+s3], $0x190, $0x38;
	[tilespmem:$0xCA00] =	vst v63  }
0x51: {  	_ =	swait.ge [sflag:s5], $0x190  }
0x52: {  	[sflag:s5] =	ssyncset.done $0x0  }
0x53: {  	[sflag:s5] =	ssyncadd.s32 $0xFFFFFE70  }
0x54: {  	[tilespmem:s7], [sflag:$0x1] =	stream.indirect.gather [hbm4b:s2+s6], $0x80, s3, s6, $0xb8;
	[tilespmem:$0xCA00] =	vst v63  }
0x55: {  	_ =	swait.ge [sflag:s8], $0xC800  }
0x56: {  	[sflag:s8] =	ssyncset.done $0x0  }
0x57: {  	[sflag:s8] =	ssyncadd.s32 $0xFFFF3800  }
0x58: {  	[hbm4b:s14+s3] =	stream.linear.scatter [tilespmem:s7], [sflag:$0x2], $0xC800, $0x38;
	[tilespmem:$0xCA00] =	vst v63  }
0x59: {  	_ =	swait.ge [sflag:s10], $0xC800  }
0x5a: {  	[sflag:s10] =	ssyncset.done $0x0  }
0x5b: {  	[sflag:s10] =	ssyncadd.s32 $0xFFFF3800  }
0x5c: {  	[tilespmem:s16], [sflag:$0x3] =	stream.linear.gather @!p0 [hbm4b:s15+s16], $0x190, $0x38;
	[tilespmem:$0xCA00] =	vst v63  }
0x5d: {  	_ =	swait.ge @!p0 [sflag:s17], $0x190  }
0x5e: {  	[sflag:s17] =	ssyncset.done @!p0 $0x0  }
0x5f: {  	[sflag:s17] =	ssyncadd.s32 @!p0 $0xFFFFFE70  }
0x60: {  	[tilespmem:s20], [sflag:$0x1] =	stream.indirect.gather @!p0 [hbm4b:s2+s19], $0x80, s16, s19, $0xb8;
	[tilespmem:$0xCA00] =	vst v63  }
0x61: {  	_ =	swait.ge @!p0 [sflag:s18], $0xC800  }
.Ltmp1:
0x62: {  	[sflag:s18] =	ssyncset.done @!p0 $0x0;
	(pc) =	sbr.rel @p1 .LBB2_1-.Ltmp1, $4  }
0x63: {  	[sflag:s18] =	ssyncadd.s32 @!p0 $0xFFFF3800  }
0x64: {  	[hbm4b:s22+s16] =	stream.linear.scatter @!p0 [tilespmem:s20], [sflag:$0x2], $0xC800, $0x38;
	[tilespmem:$0xCA00] =	vst v63  }
0x65: {  	_ =	swait.ge @!p0 [sflag:s21], $0xC800  }
0x66: {  	[sflag:s21] =	ssyncset.done @!p0 $0x0  }
.LBB2_2:
0x67: {  	[sflag:s21] =	ssyncadd.s32 @!p0 $0xFFFF3800  }
0x68: {  	_ =	sfence.sel $0x180000  }
0x69: {  	[bflag:$0x0] =	sbarrier.arrive $0xFFFF  }
0x6a: {  	p0 =	sne.s32 s0, $0x0;
	_ =	strace $0x90000050  }
0x6b: {  	s0 =	sadd.s32 @!p0 $0x100000, s1;
	[bflag:$0x2] =	sbarrier.arrive $0xFFFF  }
0x6c: {  	[sflag:s0] =	ssyncadd.tile.s32 @!p0 $0x1;
	_ =	shalt  }
.Lfunc_end2:
_tile_overlayer_lowered:
.L_overlay_start_2:
0x6d: {  	(tag) =	ssettag $0x2  }
0x6e: {  	s0 =	rddreg [dreg:$0x0];
	s2 =	stileid.u32  }
0x6f: {  	s1 =	rddreg [dreg:$0x1];
	p0 =	sne.s32 s2, $0x0  }
0x70: {  	s3 =	rddreg [dreg:$0x2];
	[bflag:$0x3] =	sbarrier.arrive $0xFFFF;
	s2 =	simm.s32 @!p0 $0x1C02  }
0x71: {  	[timem:s3], [sflag:s2] =	dma.local @!p0 [hbm:s0], s1  }
0x72: {  	s0 =	simm.s32 @!p0 $0x2  }
0x73: {  	_ =	swait.ge @!p0 [sflag:s0], s1  }
0x74: {  	s1 =	ssub.s32 @!p0 $0x0, s1;
	[sflag:s0] =	ssyncset.done @!p0 $0x0  }
0x75: {  	[sflag:s0] =	ssyncadd.s32 @!p0 s1  }
0x76: {  	[bflag:$0x3] =	sbarrier.arrive $0xFFFF  }
0x77: {  	_ =	shalt  }

</sc_bundles>
